<compile_context>
chip_gen: v7x
topology: tpu7x:2x2x1
jax: 0.10.2.dev20260603
libtpu: 0.0.44.dev20260713+nightly
codegen_flags: <defaults>
</compile_context>

<pallas_src>
import functools

import jax
import jax.numpy as jnp
from jax import lax
from jax.experimental import pallas as pl
from jax.experimental.pallas import tpu as pltpu
from jax.experimental.pallas import tpu_sc as plsc

NBINS = 2048
HSTRIDE = NBINS + 3
NHCOPY = 1
NC = 2
NS = 16
NLANE = 16
NW = NC * NS

N_TOTAL = 2 * 8192 * 4096
N_ROWS = 16384
N_COLS = 4096
ROWS_W = N_ROWS // NW
CHUNK_R = 8
NCHUNK = ROWS_W // CHUNK_R
HB_COLS = N_COLS
HB_NCHUNK = NCHUNK


_MM_ROWS = 16384
_MM_BM = 512
_MM_GRID = _MM_ROWS // _MM_BM


def _minmax_body(x_ref, mn_ref, mx_ref):
    i = pl.program_id(0)

    @pl.when(i == 0)
    def _():
        mn_ref[0, 0] = jnp.float32(jnp.inf)
        mx_ref[0, 0] = jnp.float32(-jnp.inf)

    blk = x_ref[...]
    mn_ref[0, 0] = jnp.minimum(mn_ref[0, 0], jnp.min(blk))
    mx_ref[0, 0] = jnp.maximum(mx_ref[0, 0], jnp.max(blk))


def _tc_minmax(x2d):
    return pl.pallas_call(
        _minmax_body,
        grid=(_MM_GRID,),
        in_specs=[pl.BlockSpec((_MM_BM, 4096), lambda i: (i, 0))],
        out_specs=[
            pl.BlockSpec(memory_space=pltpu.SMEM),
            pl.BlockSpec(memory_space=pltpu.SMEM),
        ],
        out_shape=[
            jax.ShapeDtypeStruct((1, 1), jnp.float32),
            jax.ShapeDtypeStruct((1, 1), jnp.float32),
        ],
    )(x2d)


def _hist_body(x_hbm, mmp_hbm, out_hbm,
               buf0, buf1, mm_buf, histf, histr,
               shared, sem0, sem1):
    c = lax.axis_index("c")
    s = lax.axis_index("s")
    wid = s * NC + c
    base = wid * ROWS_W

    pltpu.sync_copy(mmp_hbm, mm_buf)
    mn_vec = mm_buf[pl.ds(0, NLANE)]
    mx_vec = mm_buf[pl.ds(NLANE, NLANE)]
    w_vec = (mx_vec - mn_vec) * (1.0 / NBINS)
    safe_w = jnp.where(w_vec == 0.0, jnp.float32(1.0), w_vec)
    inv_vec = jnp.float32(1.0) / safe_w

    zero16 = jnp.zeros((NLANE,), jnp.float32)
    ones16 = jnp.ones((NLANE,), jnp.float32)
    lane_off = lax.iota(jnp.int32, NLANE) * HSTRIDE
    copy_off = [lane_off + cc * (NLANE * HSTRIDE) for cc in range(NHCOPY)]

    def zbody(i, carry):
        histf[pl.ds(i * NLANE, NLANE)] = zero16
        return carry

    lax.fori_loop(0, NHCOPY * NLANE * HSTRIDE // NLANE, zbody, 0)

    def cp(ch, buf, sem):
        band = lax.rem(ch, NCHUNK)
        colh = lax.div(ch, NCHUNK)
        return pltpu.make_async_copy(
            x_hbm.at[pl.ds((base + band * CHUNK_R), CHUNK_R),
                     pl.ds(colh * HB_COLS, HB_COLS)], buf, sem)

    cp(0, buf0, sem0).start()
    cp(1, buf1, sem1).start()

    def compute(buf):
        for r in range(CHUNK_R):
            @plsc.parallel_loop(0, HB_COLS // NLANE, unroll=8)
            def _(i, _r=r):
                v = buf[_r, pl.ds(i * NLANE, NLANE)]
                t = (v - mn_vec) * inv_vec
                idx = t.astype(jnp.int32)
                plsc.addupdate_scatter(histf, [idx + lane_off], ones16)

    def pair(p, carry):
        a = 2 * p
        cp(a, buf0, sem0).wait()
        compute(buf0)

        @pl.when(a + 2 < HB_NCHUNK)
        def _():
            cp(a + 2, buf0, sem0).start()

        cp(a + 1, buf1, sem1).wait()
        compute(buf1)

        @pl.when(a + 3 < HB_NCHUNK)
        def _():
            cp(a + 3, buf1, sem1).start()

        return carry

    lax.fori_loop(0, HB_NCHUNK // 2, pair, 0)

    for cc in range(NHCOPY):
        ov = zero16
        for k in range(NBINS, HSTRIDE):
            ov = ov + plsc.load_gather(histf, [copy_off[cc] + k])
        last = plsc.load_gather(histf, [copy_off[cc] + (NBINS - 1)])
        plsc.store_scatter(histf, [copy_off[cc] + (NBINS - 1)], last + ov)

    def rbody(j, carry):
        col = j * NLANE
        acc = zero16
        for l in range(NLANE * NHCOPY):
            acc = acc + histf[pl.ds(l * HSTRIDE + col, NLANE)]
        histr[pl.ds(col, NLANE)] = acc
        return carry

    lax.fori_loop(0, NBINS // NLANE, rbody, 0)

    pltpu.sync_copy(histr, shared.at[s])
    plsc.subcore_barrier()

    STRIPE = NBINS // NS
    for l in range(NS):
        pltpu.sync_copy(shared.at[l, pl.ds(s * STRIPE, STRIPE)],
                        buf0.at[0, pl.ds(l * STRIPE, STRIPE)])

    def sbody(j, carry):
        col = j * NLANE
        acc = zero16
        for l in range(NS):
            acc = acc + buf0[0, pl.ds(l * STRIPE + col, NLANE)]
        histr[pl.ds(col, NLANE)] = acc
        return carry

    lax.fori_loop(0, STRIPE // NLANE, sbody, 0)

    pltpu.sync_copy(histr.at[pl.ds(0, STRIPE)],
                    out_hbm.at[c, pl.ds(s * STRIPE, STRIPE)])


_sc_hist = functools.partial(
    pl.kernel,
    out_type=jax.ShapeDtypeStruct((NC, NBINS), jnp.float32),
    mesh=plsc.VectorSubcoreMesh(core_axis_name="c", subcore_axis_name="s"),
    scratch_types=[
        pltpu.VMEM((CHUNK_R, HB_COLS), jnp.float32),
        pltpu.VMEM((CHUNK_R, HB_COLS), jnp.float32),
        pltpu.VMEM((2 * NLANE,), jnp.float32),
        pltpu.VMEM((NHCOPY * NLANE * HSTRIDE,), jnp.float32),
        pltpu.VMEM((NBINS,), jnp.float32),
        pltpu.VMEM_SHARED((NS, NBINS), jnp.float32),
        pltpu.SemaphoreType.DMA,
        pltpu.SemaphoreType.DMA,
    ],
    compiler_params=pltpu.CompilerParams(needs_layout_passes=False),
)(_hist_body)


def _final_body(p_ref, mm_ref, h_ref, mn_ref, mx_ref):
    h_ref[...] = p_ref[0:1, :] + p_ref[1:2, :]
    mn_ref[0, 0] = mm_ref[0, 0]
    mx_ref[0, 0] = mm_ref[0, 1]


def _tc_finalize(partials, mmp):
    return pl.pallas_call(
        _final_body,
        out_specs=[
            pl.BlockSpec(memory_space=pltpu.VMEM),
            pl.BlockSpec(memory_space=pltpu.SMEM),
            pl.BlockSpec(memory_space=pltpu.SMEM),
        ],
        out_shape=[
            jax.ShapeDtypeStruct((1, NBINS), jnp.float32),
            jax.ShapeDtypeStruct((1, 1), jnp.float32),
            jax.ShapeDtypeStruct((1, 1), jnp.float32),
        ],
        in_specs=[
            pl.BlockSpec(memory_space=pltpu.VMEM),
            pl.BlockSpec(memory_space=pltpu.SMEM),
        ],
    )(partials, mmp)


def kernel(x):
    x2d = x.reshape(N_ROWS, N_COLS)
    mn11, mx11 = _tc_minmax(x2d)
    mm2 = jnp.concatenate([mn11, mx11], axis=1)
    mm32 = jnp.broadcast_to(mm2.reshape(2, 1), (2, NLANE)).reshape(2 * NLANE)
    partials = _sc_hist(x2d, mm32)
    hist2d, mn, mx = _tc_finalize(partials, mm2)
    return x, hist2d.reshape(NBINS), mn.reshape(()), mx.reshape(())

# --- scband reference (transcript-rebuilt; emitter-appended) ---
"""Pipeline reference for scband-histogram-observer-89885075571111 (READ-ONLY COPY).

The authoritative reference and input builder live on the scoring server;
editing this copy changes nothing except your own understanding.
"""

import jax, jax.numpy as jnp
import numpy as np

BINS = 2048

def setup_inputs(seed: int = 0) -> dict:
    key = jax.random.key(seed)
    x = jax.random.normal(key, (2, 8192, 4096), dtype=jnp.float32)
    return {"x": x}

def reference(x):
    # HistogramObserver.forward on a fresh observer:
    #   min_val = x.min(); max_val = x.max()
    #   histogram = torch.histc(x, bins, min=min_val, max=max_val)
    #   returns x_orig unchanged
    min_val = jnp.min(x)
    max_val = jnp.max(x)
    width = (max_val - min_val) / BINS
    safe_w = jnp.where(width == 0, jnp.float32(1.0), width)
    # torch.histc: values equal to max fall into the last bin -> clip to BINS-1
    idx = jnp.clip(jnp.floor((x - min_val) / safe_w), 0, BINS - 1).astype(jnp.int32)
    hist = jnp.bincount(idx.reshape(-1), length=BINS).astype(jnp.float32)
    return x, hist, min_val, max_val

if __name__ == "__main__":
    import jax
    _d = setup_inputs()
    print(jax.jit(kernel)(*tuple(_d.values())))

</pallas_src>

<mosaic_0001>
#map = affine_map<(d0, d1) -> (0, 0)>
#map1 = affine_map<(d0, d1) -> (0)>
module attributes {stable_mosaic.version = 14 : i64} {
  func.func @_hist_body(%arg0: i32, %arg1: i32, %arg2: memref<16384x4096xf32, #tpu.memory_space<hbm>>, %arg3: memref<32xf32, #tpu.memory_space<hbm>>, %arg4: memref<2x2048xf32, #tpu.memory_space<hbm>>, %arg5: memref<8x4096xf32, #tpu.memory_space<vmem>>, %arg6: memref<8x4096xf32, #tpu.memory_space<vmem>>, %arg7: memref<32xf32, #tpu.memory_space<vmem>>, %arg8: memref<32816xf32, #tpu.memory_space<vmem>>, %arg9: memref<2048xf32, #tpu.memory_space<vmem>>, %arg10: memref<16x2048xf32, #tpu.memory_space<vmem_shared>>, %arg11: memref<!tpu.dma_semaphore, #tpu.memory_space<semaphore_mem>>, %arg12: memref<!tpu.dma_semaphore, #tpu.memory_space<semaphore_mem>>) attributes {dimension_semantics = [#tpu.dimension_semantics<core_parallel>, #tpu.dimension_semantics<subcore_parallel>], iteration_bounds = array<i64: 2, 16>, scalar_prefetch = 0 : i64, scratch_operands = 8 : i64, tpu.core_type = #tpu.core_type<sc_vector_subcore>, window_params = [{transform_indices = #map}, {transform_indices = #map1}, {transform_indices = #map}]} {
    %mul3A = arith.constant 2 : i32
    %mul3A_0 = arith.muli %arg1, %mul3A : i32
    %add3A = arith.addi %mul3A_0, %arg0 : i32
    %mul3A_1 = arith.constant 512 : i32
    %mul3A_2 = arith.muli %add3A, %mul3A_1 : i32
    "tpu.region"() ({
      %run_scoped3A_157 = tpu.sem_alloc : memref<!tpu.dma_semaphore, #tpu.memory_space<semaphore_mem>>
      tpu.enqueue_dma source(%arg3 : memref<32xf32, #tpu.memory_space<hbm>>) target(%arg7 : memref<32xf32, #tpu.memory_space<vmem>>) target_semaphore(%run_scoped3A_157 : memref<!tpu.dma_semaphore, #tpu.memory_space<semaphore_mem>>)
      tpu.wait_dma2 semaphore(%run_scoped3A_157 : memref<!tpu.dma_semaphore, #tpu.memory_space<semaphore_mem>>) src(%arg3 : memref<32xf32, #tpu.memory_space<hbm>>) dst(%arg7 : memref<32xf32, #tpu.memory_space<vmem>>)
      tpu.yield
    }) : () -> ()
    %get3A = arith.constant 0 : index
    %get3A_3 = tpu.vector_load %arg7[%get3A] {strides = array<i32>} : memref<32xf32, #tpu.memory_space<vmem>>, vector<16xf32>,
    %get3A_4 = arith.constant 16 : index
    %get3A_5 = tpu.vector_load %arg7[%get3A_4] {strides = array<i32>} : memref<32xf32, #tpu.memory_space<vmem>>, vector<16xf32>,
    %sub3A = arith.subf %get3A_5, %get3A_3 : vector<16xf32>
    %mul3A_6 = arith.constant 4.8828125E-4 : f32
    %mul3A_7 = vector.broadcast %mul3A_6 : f32 to vector<16xf32>
    %mul3A_8 = arith.mulf %sub3A, %mul3A_7 : vector<16xf32>
    %eq3A = arith.constant 0.000000e+00 : f32
    %eq3A_9 = vector.broadcast %eq3A : f32 to vector<16xf32>
    %eq3A_10 = arith.cmpf oeq, %mul3A_8, %eq3A_9 : vector<16xf32>
    %jit3A = arith.constant 1.000000e+00 : f32
    %broadcast_in_dim3A = vector.broadcast %jit3A : f32 to vector<16xf32>
    %select_n3A = arith.select %eq3A_10, %broadcast_in_dim3A, %mul3A_8 : vector<16xi1>, vector<16xf32>
    %div3A = arith.constant 1.000000e+00 : f32
    %div3A_11 = vector.broadcast %div3A : f32 to vector<16xf32>
    %div3A_12 = arith.divf %div3A_11, %select_n3A : vector<16xf32>
    %broadcast_in_dim3A_13 = arith.constant 0.000000e+00 : f32
    %broadcast_in_dim3A_14 = vector.broadcast %broadcast_in_dim3A_13 : f32 to vector<16xf32>
    %broadcast_in_dim3A_15 = arith.constant 1.000000e+00 : f32
    %broadcast_in_dim3A_16 = vector.broadcast %broadcast_in_dim3A_15 : f32 to vector<16xf32>
    %iota3A = tpu.iota {dimensions = array<i32: 0>} : vector<16xi32>
    %mul3A_17 = arith.constant 2051 : i32
    %mul3A_18 = vector.broadcast %mul3A_17 : i32 to vector<16xi32>
    %mul3A_19 = arith.muli %iota3A, %mul3A_18 : vector<16xi32>
    %add3A_20 = arith.constant 0 : i32
    %add3A_21 = vector.broadcast %add3A_20 : i32 to vector<16xi32>
    %add3A_22 = arith.addi %mul3A_19, %add3A_21 : vector<16xi32>
    %scan3A = arith.constant 0 : i32
    %scan3A_23 = arith.constant 0 : i32
    %scan3A_24 = arith.constant 2051 : i32
    %scan3A_25 = arith.addi %scan3A_23, %scan3A_24 : i32
    %scan3A_26 = arith.constant 1 : i32
    scf.for %scan3A_157 = %scan3A_23 to %scan3A_25 step %scan3A_26  : i32 {
      %mul3A_158 = arith.constant 16 : i32
      %mul3A_159 = arith.muli %scan3A_157, %mul3A_158 : i32
      %swap3A = arith.index_cast %mul3A_159 : i32 to index
      %swap3A_160 = tpu.vector_load %arg8[%swap3A] {strides = array<i32>} : memref<32816xf32, #tpu.memory_space<vmem>>, vector<16xf32>,
      tpu.vector_store %arg8[%swap3A], %broadcast_in_dim3A_14 {strides = array<i32>} : memref<32816xf32, #tpu.memory_space<vmem>>, vector<16xf32>,
    }
    %scan3A_27 = arith.constant 2051 : i32
    %rem3A = arith.constant 0 : i32
    %rem3A_28 = arith.constant 64 : i32
    %rem3A_29 = arith.remsi %rem3A, %rem3A_28 : i32
    %div3A_30 = arith.constant 0 : i32
    %div3A_31 = arith.constant 64 : i32
    %div3A_32 = arith.divsi %div3A_30, %div3A_31 : i32
    %mul3A_33 = arith.constant 8 : i32
    %mul3A_34 = arith.muli %rem3A_29, %mul3A_33 : i32
    %add3A_35 = arith.addi %mul3A_2, %mul3A_34 : i32
    %mul3A_36 = arith.constant 4096 : i32
    %mul3A_37 = arith.muli %div3A_32, %mul3A_36 : i32
    %dma_start3A = tpu.memref_slice %arg2[%add3A_35, %mul3A_37] : memref<16384x4096xf32, #tpu.memory_space<hbm>> -> memref<8x4096xf32, #tpu.memory_space<hbm>>
    %dma_start3A_38 = tpu.memref_slice %arg2[%add3A_35, %mul3A_37] : memref<16384x4096xf32, #tpu.memory_space<hbm>> -> memref<8x4096xf32, #tpu.memory_space<hbm>>
    tpu.enqueue_dma source(%dma_start3A_38 : memref<8x4096xf32, #tpu.memory_space<hbm>>) target(%arg5 : memref<8x4096xf32, #tpu.memory_space<vmem>>) target_semaphore(%arg11 : memref<!tpu.dma_semaphore, #tpu.memory_space<semaphore_mem>>)
    %rem3A_39 = arith.constant 1 : i32
    %rem3A_40 = arith.constant 64 : i32
    %rem3A_41 = arith.remsi %rem3A_39, %rem3A_40 : i32
    %div3A_42 = arith.constant 1 : i32
    %div3A_43 = arith.constant 64 : i32
    %div3A_44 = arith.divsi %div3A_42, %div3A_43 : i32
    %mul3A_45 = arith.constant 8 : i32
    %mul3A_46 = arith.muli %rem3A_41, %mul3A_45 : i32
    %add3A_47 = arith.addi %mul3A_2, %mul3A_46 : i32
    %mul3A_48 = arith.constant 4096 : i32
    %mul3A_49 = arith.muli %div3A_44, %mul3A_48 : i32
    %dma_start3A_50 = tpu.memref_slice %arg2[%add3A_47, %mul3A_49] : memref<16384x4096xf32, #tpu.memory_space<hbm>> -> memref<8x4096xf32, #tpu.memory_space<hbm>>
    %dma_start3A_51 = tpu.memref_slice %arg2[%add3A_47, %mul3A_49] : memref<16384x4096xf32, #tpu.memory_space<hbm>> -> memref<8x4096xf32, #tpu.memory_space<hbm>>
    tpu.enqueue_dma source(%dma_start3A_51 : memref<8x4096xf32, #tpu.memory_space<hbm>>) target(%arg6 : memref<8x4096xf32, #tpu.memory_space<vmem>>) target_semaphore(%arg12 : memref<!tpu.dma_semaphore, #tpu.memory_space<semaphore_mem>>)
    %scan3A_52 = arith.constant 0 : i32
    %scan3A_53 = arith.constant 0 : i32
    %scan3A_54 = arith.constant 32 : i32
    %scan3A_55 = arith.addi %scan3A_53, %scan3A_54 : i32
    %scan3A_56 = arith.constant 1 : i32
    scf.for %scan3A_157 = %scan3A_53 to %scan3A_55 step %scan3A_56  : i32 {
      %mul3A_158 = arith.constant 2 : i32
      %mul3A_159 = arith.muli %mul3A_158, %scan3A_157 : i32
      %rem3A_160 = arith.constant 64 : i32
      %rem3A_161 = arith.remsi %mul3A_159, %rem3A_160 : i32
      %div3A_162 = arith.constant 64 : i32
      %div3A_163 = arith.divsi %mul3A_159, %div3A_162 : i32
      %mul3A_164 = arith.constant 8 : i32
      %mul3A_165 = arith.muli %rem3A_161, %mul3A_164 : i32
      %add3A_166 = arith.addi %mul3A_2, %mul3A_165 : i32
      %mul3A_167 = arith.constant 4096 : i32
      %mul3A_168 = arith.muli %div3A_163, %mul3A_167 : i32
      %dma_wait3A = tpu.memref_slice %arg2[%add3A_166, %mul3A_168] : memref<16384x4096xf32, #tpu.memory_space<hbm>> -> memref<8x4096xf32, #tpu.memory_space<hbm>>
      %dma_wait3A_169 = tpu.memref_slice %arg2[%add3A_166, %mul3A_168] : memref<16384x4096xf32, #tpu.memory_space<hbm>> -> memref<8x4096xf32, #tpu.memory_space<hbm>>
      tpu.wait_dma2 semaphore(%arg11 : memref<!tpu.dma_semaphore, #tpu.memory_space<semaphore_mem>>) src(%dma_wait3A_169 : memref<8x4096xf32, #tpu.memory_space<hbm>>) dst(%arg5 : memref<8x4096xf32, #tpu.memory_space<vmem>>)
      %parallel_loop3A = arith.constant 0 : i32
      %parallel_loop3A_170 = arith.constant 256 : i32
      %parallel_loop3A_171 = arith.constant 1 : i32
      scf.for %parallel_loop3A_241 = %parallel_loop3A to %parallel_loop3A_170 step %parallel_loop3A_171  : i32 {
        %parallel_loop3A_242 = arith.constant 16 : i32
        %parallel_loop3A_243 = arith.muli %parallel_loop3A_241, %parallel_loop3A_242 : i32
        %parallel_loop3A_244 = arith.constant 0 : i32
        %parallel_loop3A_245 = arith.index_cast %parallel_loop3A_244 : i32 to index
        %parallel_loop3A_246 = arith.index_cast %parallel_loop3A_243 : i32 to index
        %parallel_loop3A_247 = tpu.vector_load %arg5[%parallel_loop3A_245, %parallel_loop3A_246] {strides = array<i32>} : memref<8x4096xf32, #tpu.memory_space<vmem>>, vector<16xf32>,
        %parallel_loop3A_248 = arith.subf %parallel_loop3A_247, %get3A_3 : vector<16xf32>
        %parallel_loop3A_249 = arith.mulf %parallel_loop3A_248, %div3A_12 : vector<16xf32>
        %parallel_loop3A_250 = arith.fptosi %parallel_loop3A_249 : vector<16xf32> to vector<16xi32>
        %parallel_loop3A_251 = arith.addi %parallel_loop3A_250, %mul3A_19 : vector<16xi32>
        tpu.vector_store_idx %arg8[%parallel_loop3A_251], %broadcast_in_dim3A_16 {add = true} : memref<32816xf32, #tpu.memory_space<vmem>>[vector<16xi32>], vector<16xf32>,
      } {sc.loop_unroll_factor = 8 : i64, sc.parallel_access}
      %parallel_loop3A_172 = arith.constant 0 : i32
      %parallel_loop3A_173 = arith.constant 256 : i32
      %parallel_loop3A_174 = arith.constant 1 : i32
      scf.for %parallel_loop3A_241 = %parallel_loop3A_172 to %parallel_loop3A_173 step %parallel_loop3A_174  : i32 {
        %parallel_loop3A_242 = arith.constant 16 : i32
        %parallel_loop3A_243 = arith.muli %parallel_loop3A_241, %parallel_loop3A_242 : i32
        %parallel_loop3A_244 = arith.constant 1 : i32
        %parallel_loop3A_245 = arith.index_cast %parallel_loop3A_244 : i32 to index
        %parallel_loop3A_246 = arith.index_cast %parallel_loop3A_243 : i32 to index
        %parallel_loop3A_247 = tpu.vector_load %arg5[%parallel_loop3A_245, %parallel_loop3A_246] {strides = array<i32>} : memref<8x4096xf32, #tpu.memory_space<vmem>>, vector<16xf32>,
        %parallel_loop3A_248 = arith.subf %parallel_loop3A_247, %get3A_3 : vector<16xf32>
        %parallel_loop3A_249 = arith.mulf %parallel_loop3A_248, %div3A_12 : vector<16xf32>
        %parallel_loop3A_250 = arith.fptosi %parallel_loop3A_249 : vector<16xf32> to vector<16xi32>
        %parallel_loop3A_251 = arith.addi %parallel_loop3A_250, %mul3A_19 : vector<16xi32>
        tpu.vector_store_idx %arg8[%parallel_loop3A_251], %broadcast_in_dim3A_16 {add = true} : memref<32816xf32, #tpu.memory_space<vmem>>[vector<16xi32>], vector<16xf32>,
      } {sc.loop_unroll_factor = 8 : i64, sc.parallel_access}
      %parallel_loop3A_175 = arith.constant 0 : i32
      %parallel_loop3A_176 = arith.constant 256 : i32
      %parallel_loop3A_177 = arith.constant 1 : i32
      scf.for %parallel_loop3A_241 = %parallel_loop3A_175 to %parallel_loop3A_176 step %parallel_loop3A_177  : i32 {
        %parallel_loop3A_242 = arith.constant 16 : i32
        %parallel_loop3A_243 = arith.muli %parallel_loop3A_241, %parallel_loop3A_242 : i32
        %parallel_loop3A_244 = arith.constant 2 : i32
        %parallel_loop3A_245 = arith.index_cast %parallel_loop3A_244 : i32 to index
        %parallel_loop3A_246 = arith.index_cast %parallel_loop3A_243 : i32 to index
        %parallel_loop3A_247 = tpu.vector_load %arg5[%parallel_loop3A_245, %parallel_loop3A_246] {strides = array<i32>} : memref<8x4096xf32, #tpu.memory_space<vmem>>, vector<16xf32>,
        %parallel_loop3A_248 = arith.subf %parallel_loop3A_247, %get3A_3 : vector<16xf32>
        %parallel_loop3A_249 = arith.mulf %parallel_loop3A_248, %div3A_12 : vector<16xf32>
        %parallel_loop3A_250 = arith.fptosi %parallel_loop3A_249 : vector<16xf32> to vector<16xi32>
        %parallel_loop3A_251 = arith.addi %parallel_loop3A_250, %mul3A_19 : vector<16xi32>
        tpu.vector_store_idx %arg8[%parallel_loop3A_251], %broadcast_in_dim3A_16 {add = true} : memref<32816xf32, #tpu.memory_space<vmem>>[vector<16xi32>], vector<16xf32>,
      } {sc.loop_unroll_factor = 8 : i64, sc.parallel_access}
      %parallel_loop3A_178 = arith.constant 0 : i32
      %parallel_loop3A_179 = arith.constant 256 : i32
      %parallel_loop3A_180 = arith.constant 1 : i32
      scf.for %parallel_loop3A_241 = %parallel_loop3A_178 to %parallel_loop3A_179 step %parallel_loop3A_180  : i32 {
        %parallel_loop3A_242 = arith.constant 16 : i32
        %parallel_loop3A_243 = arith.muli %parallel_loop3A_241, %parallel_loop3A_242 : i32
        %parallel_loop3A_244 = arith.constant 3 : i32
        %parallel_loop3A_245 = arith.index_cast %parallel_loop3A_244 : i32 to index
        %parallel_loop3A_246 = arith.index_cast %parallel_loop3A_243 : i32 to index
        %parallel_loop3A_247 = tpu.vector_load %arg5[%parallel_loop3A_245, %parallel_loop3A_246] {strides = array<i32>} : memref<8x4096xf32, #tpu.memory_space<vmem>>, vector<16xf32>,
        %parallel_loop3A_248 = arith.subf %parallel_loop3A_247, %get3A_3 : vector<16xf32>
        %parallel_loop3A_249 = arith.mulf %parallel_loop3A_248, %div3A_12 : vector<16xf32>
        %parallel_loop3A_250 = arith.fptosi %parallel_loop3A_249 : vector<16xf32> to vector<16xi32>
        %parallel_loop3A_251 = arith.addi %parallel_loop3A_250, %mul3A_19 : vector<16xi32>
        tpu.vector_store_idx %arg8[%parallel_loop3A_251], %broadcast_in_dim3A_16 {add = true} : memref<32816xf32, #tpu.memory_space<vmem>>[vector<16xi32>], vector<16xf32>,
      } {sc.loop_unroll_factor = 8 : i64, sc.parallel_access}
      %parallel_loop3A_181 = arith.constant 0 : i32
      %parallel_loop3A_182 = arith.constant 256 : i32
      %parallel_loop3A_183 = arith.constant 1 : i32
      scf.for %parallel_loop3A_241 = %parallel_loop3A_181 to %parallel_loop3A_182 step %parallel_loop3A_183  : i32 {
        %parallel_loop3A_242 = arith.constant 16 : i32
        %parallel_loop3A_243 = arith.muli %parallel_loop3A_241, %parallel_loop3A_242 : i32
        %parallel_loop3A_244 = arith.constant 4 : i32
        %parallel_loop3A_245 = arith.index_cast %parallel_loop3A_244 : i32 to index
        %parallel_loop3A_246 = arith.index_cast %parallel_loop3A_243 : i32 to index
        %parallel_loop3A_247 = tpu.vector_load %arg5[%parallel_loop3A_245, %parallel_loop3A_246] {strides = array<i32>} : memref<8x4096xf32, #tpu.memory_space<vmem>>, vector<16xf32>,
        %parallel_loop3A_248 = arith.subf %parallel_loop3A_247, %get3A_3 : vector<16xf32>
        %parallel_loop3A_249 = arith.mulf %parallel_loop3A_248, %div3A_12 : vector<16xf32>
        %parallel_loop3A_250 = arith.fptosi %parallel_loop3A_249 : vector<16xf32> to vector<16xi32>
        %parallel_loop3A_251 = arith.addi %parallel_loop3A_250, %mul3A_19 : vector<16xi32>
        tpu.vector_store_idx %arg8[%parallel_loop3A_251], %broadcast_in_dim3A_16 {add = true} : memref<32816xf32, #tpu.memory_space<vmem>>[vector<16xi32>], vector<16xf32>,
      } {sc.loop_unroll_factor = 8 : i64, sc.parallel_access}
      %parallel_loop3A_184 = arith.constant 0 : i32
      %parallel_loop3A_185 = arith.constant 256 : i32
      %parallel_loop3A_186 = arith.constant 1 : i32
      scf.for %parallel_loop3A_241 = %parallel_loop3A_184 to %parallel_loop3A_185 step %parallel_loop3A_186  : i32 {
        %parallel_loop3A_242 = arith.constant 16 : i32
        %parallel_loop3A_243 = arith.muli %parallel_loop3A_241, %parallel_loop3A_242 : i32
        %parallel_loop3A_244 = arith.constant 5 : i32
        %parallel_loop3A_245 = arith.index_cast %parallel_loop3A_244 : i32 to index
        %parallel_loop3A_246 = arith.index_cast %parallel_loop3A_243 : i32 to index
        %parallel_loop3A_247 = tpu.vector_load %arg5[%parallel_loop3A_245, %parallel_loop3A_246] {strides = array<i32>} : memref<8x4096xf32, #tpu.memory_space<vmem>>, vector<16xf32>,
        %parallel_loop3A_248 = arith.subf %parallel_loop3A_247, %get3A_3 : vector<16xf32>
        %parallel_loop3A_249 = arith.mulf %parallel_loop3A_248, %div3A_12 : vector<16xf32>
        %parallel_loop3A_250 = arith.fptosi %parallel_loop3A_249 : vector<16xf32> to vector<16xi32>
        %parallel_loop3A_251 = arith.addi %parallel_loop3A_250, %mul3A_19 : vector<16xi32>
        tpu.vector_store_idx %arg8[%parallel_loop3A_251], %broadcast_in_dim3A_16 {add = true} : memref<32816xf32, #tpu.memory_space<vmem>>[vector<16xi32>], vector<16xf32>,
      } {sc.loop_unroll_factor = 8 : i64, sc.parallel_access}
      %parallel_loop3A_187 = arith.constant 0 : i32
      %parallel_loop3A_188 = arith.constant 256 : i32
      %parallel_loop3A_189 = arith.constant 1 : i32
      scf.for %parallel_loop3A_241 = %parallel_loop3A_187 to %parallel_loop3A_188 step %parallel_loop3A_189  : i32 {
        %parallel_loop3A_242 = arith.constant 16 : i32
        %parallel_loop3A_243 = arith.muli %parallel_loop3A_241, %parallel_loop3A_242 : i32
        %parallel_loop3A_244 = arith.constant 6 : i32
        %parallel_loop3A_245 = arith.index_cast %parallel_loop3A_244 : i32 to index
        %parallel_loop3A_246 = arith.index_cast %parallel_loop3A_243 : i32 to index
        %parallel_loop3A_247 = tpu.vector_load %arg5[%parallel_loop3A_245, %parallel_loop3A_246] {strides = array<i32>} : memref<8x4096xf32, #tpu.memory_space<vmem>>, vector<16xf32>,
        %parallel_loop3A_248 = arith.subf %parallel_loop3A_247, %get3A_3 : vector<16xf32>
        %parallel_loop3A_249 = arith.mulf %parallel_loop3A_248, %div3A_12 : vector<16xf32>
        %parallel_loop3A_250 = arith.fptosi %parallel_loop3A_249 : vector<16xf32> to vector<16xi32>
        %parallel_loop3A_251 = arith.addi %parallel_loop3A_250, %mul3A_19 : vector<16xi32>
        tpu.vector_store_idx %arg8[%parallel_loop3A_251], %broadcast_in_dim3A_16 {add = true} : memref<32816xf32, #tpu.memory_space<vmem>>[vector<16xi32>], vector<16xf32>,
      } {sc.loop_unroll_factor = 8 : i64, sc.parallel_access}
      %parallel_loop3A_190 = arith.constant 0 : i32
      %parallel_loop3A_191 = arith.constant 256 : i32
      %parallel_loop3A_192 = arith.constant 1 : i32
      scf.for %parallel_loop3A_241 = %parallel_loop3A_190 to %parallel_loop3A_191 step %parallel_loop3A_192  : i32 {
        %parallel_loop3A_242 = arith.constant 16 : i32
        %parallel_loop3A_243 = arith.muli %parallel_loop3A_241, %parallel_loop3A_242 : i32
        %parallel_loop3A_244 = arith.constant 7 : i32
        %parallel_loop3A_245 = arith.index_cast %parallel_loop3A_244 : i32 to index
        %parallel_loop3A_246 = arith.index_cast %parallel_loop3A_243 : i32 to index
        %parallel_loop3A_247 = tpu.vector_load %arg5[%parallel_loop3A_245, %parallel_loop3A_246] {strides = array<i32>} : memref<8x4096xf32, #tpu.memory_space<vmem>>, vector<16xf32>,
        %parallel_loop3A_248 = arith.subf %parallel_loop3A_247, %get3A_3 : vector<16xf32>
        %parallel_loop3A_249 = arith.mulf %parallel_loop3A_248, %div3A_12 : vector<16xf32>
        %parallel_loop3A_250 = arith.fptosi %parallel_loop3A_249 : vector<16xf32> to vector<16xi32>
        %parallel_loop3A_251 = arith.addi %parallel_loop3A_250, %mul3A_19 : vector<16xi32>
        tpu.vector_store_idx %arg8[%parallel_loop3A_251], %broadcast_in_dim3A_16 {add = true} : memref<32816xf32, #tpu.memory_space<vmem>>[vector<16xi32>], vector<16xf32>,
      } {sc.loop_unroll_factor = 8 : i64, sc.parallel_access}
      %add3A_193 = arith.constant 2 : i32
      %add3A_194 = arith.addi %mul3A_159, %add3A_193 : i32
      %lt3A = arith.constant 64 : i32
      %lt3A_195 = arith.cmpi slt, %add3A_194, %lt3A : i32
      %convert_element_type3A = arith.extui %lt3A_195 : i1 to i32
      %cond3A = arith.constant 0 : i32
      %cond3A_196 = arith.cmpi ne, %convert_element_type3A, %cond3A : i32
      scf.if %cond3A_196 {
        %add3A_241 = arith.constant 2 : i32
        %add3A_242 = arith.addi %mul3A_159, %add3A_241 : i32
        %rem3A_243 = arith.constant 64 : i32
        %rem3A_244 = arith.remsi %add3A_242, %rem3A_243 : i32
        %div3A_245 = arith.constant 64 : i32
        %div3A_246 = arith.divsi %add3A_242, %div3A_245 : i32
        %mul3A_247 = arith.constant 8 : i32
        %mul3A_248 = arith.muli %rem3A_244, %mul3A_247 : i32
        %add3A_249 = arith.addi %mul3A_2, %mul3A_248 : i32
        %mul3A_250 = arith.constant 4096 : i32
        %mul3A_251 = arith.muli %div3A_246, %mul3A_250 : i32
        %dma_start3A_252 = tpu.memref_slice %arg2[%add3A_249, %mul3A_251] : memref<16384x4096xf32, #tpu.memory_space<hbm>> -> memref<8x4096xf32, #tpu.memory_space<hbm>>
        %dma_start3A_253 = tpu.memref_slice %arg2[%add3A_249, %mul3A_251] : memref<16384x4096xf32, #tpu.memory_space<hbm>> -> memref<8x4096xf32, #tpu.memory_space<hbm>>
        tpu.enqueue_dma source(%dma_start3A_253 : memref<8x4096xf32, #tpu.memory_space<hbm>>) target(%arg5 : memref<8x4096xf32, #tpu.memory_space<vmem>>) target_semaphore(%arg11 : memref<!tpu.dma_semaphore, #tpu.memory_space<semaphore_mem>>)
      } else {
      }
      %add3A_197 = arith.constant 1 : i32
      %add3A_198 = arith.addi %mul3A_159, %add3A_197 : i32
      %rem3A_199 = arith.constant 64 : i32
      %rem3A_200 = arith.remsi %add3A_198, %rem3A_199 : i32
      %div3A_201 = arith.constant 64 : i32
      %div3A_202 = arith.divsi %add3A_198, %div3A_201 : i32
      %mul3A_203 = arith.constant 8 : i32
      %mul3A_204 = arith.muli %rem3A_200, %mul3A_203 : i32
      %add3A_205 = arith.addi %mul3A_2, %mul3A_204 : i32
      %mul3A_206 = arith.constant 4096 : i32
      %mul3A_207 = arith.muli %div3A_202, %mul3A_206 : i32
      %dma_wait3A_208 = tpu.memref_slice %arg2[%add3A_205, %mul3A_207] : memref<16384x4096xf32, #tpu.memory_space<hbm>> -> memref<8x4096xf32, #tpu.memory_space<hbm>>
      %dma_wait3A_209 = tpu.memref_slice %arg2[%add3A_205, %mul3A_207] : memref<16384x4096xf32, #tpu.memory_space<hbm>> -> memref<8x4096xf32, #tpu.memory_space<hbm>>
      tpu.wait_dma2 semaphore(%arg12 : memref<!tpu.dma_semaphore, #tpu.memory_space<semaphore_mem>>) src(%dma_wait3A_209 : memref<8x4096xf32, #tpu.memory_space<hbm>>) dst(%arg6 : memref<8x4096xf32, #tpu.memory_space<vmem>>)
      %parallel_loop3A_210 = arith.constant 0 : i32
      %parallel_loop3A_211 = arith.constant 256 : i32
      %parallel_loop3A_212 = arith.constant 1 : i32
      scf.for %parallel_loop3A_241 = %parallel_loop3A_210 to %parallel_loop3A_211 step %parallel_loop3A_212  : i32 {
        %parallel_loop3A_242 = arith.constant 16 : i32
        %parallel_loop3A_243 = arith.muli %parallel_loop3A_241, %parallel_loop3A_242 : i32
        %parallel_loop3A_244 = arith.constant 0 : i32
        %parallel_loop3A_245 = arith.index_cast %parallel_loop3A_244 : i32 to index
        %parallel_loop3A_246 = arith.index_cast %parallel_loop3A_243 : i32 to index
        %parallel_loop3A_247 = tpu.vector_load %arg6[%parallel_loop3A_245, %parallel_loop3A_246] {strides = array<i32>} : memref<8x4096xf32, #tpu.memory_space<vmem>>, vector<16xf32>,
        %parallel_loop3A_248 = arith.subf %parallel_loop3A_247, %get3A_3 : vector<16xf32>
        %parallel_loop3A_249 = arith.mulf %parallel_loop3A_248, %div3A_12 : vector<16xf32>
        %parallel_loop3A_250 = arith.fptosi %parallel_loop3A_249 : vector<16xf32> to vector<16xi32>
        %parallel_loop3A_251 = arith.addi %parallel_loop3A_250, %mul3A_19 : vector<16xi32>
        tpu.vector_store_idx %arg8[%parallel_loop3A_251], %broadcast_in_dim3A_16 {add = true} : memref<32816xf32, #tpu.memory_space<vmem>>[vector<16xi32>], vector<16xf32>,
      } {sc.loop_unroll_factor = 8 : i64, sc.parallel_access}
      %parallel_loop3A_213 = arith.constant 0 : i32
      %parallel_loop3A_214 = arith.constant 256 : i32
      %parallel_loop3A_215 = arith.constant 1 : i32
      scf.for %parallel_loop3A_241 = %parallel_loop3A_213 to %parallel_loop3A_214 step %parallel_loop3A_215  : i32 {
        %parallel_loop3A_242 = arith.constant 16 : i32
        %parallel_loop3A_243 = arith.muli %parallel_loop3A_241, %parallel_loop3A_242 : i32
        %parallel_loop3A_244 = arith.constant 1 : i32
        %parallel_loop3A_245 = arith.index_cast %parallel_loop3A_244 : i32 to index
        %parallel_loop3A_246 = arith.index_cast %parallel_loop3A_243 : i32 to index
        %parallel_loop3A_247 = tpu.vector_load %arg6[%parallel_loop3A_245, %parallel_loop3A_246] {strides = array<i32>} : memref<8x4096xf32, #tpu.memory_space<vmem>>, vector<16xf32>,
        %parallel_loop3A_248 = arith.subf %parallel_loop3A_247, %get3A_3 : vector<16xf32>
        %parallel_loop3A_249 = arith.mulf %parallel_loop3A_248, %div3A_12 : vector<16xf32>
        %parallel_loop3A_250 = arith.fptosi %parallel_loop3A_249 : vector<16xf32> to vector<16xi32>
        %parallel_loop3A_251 = arith.addi %parallel_loop3A_250, %mul3A_19 : vector<16xi32>
        tpu.vector_store_idx %arg8[%parallel_loop3A_251], %broadcast_in_dim3A_16 {add = true} : memref<32816xf32, #tpu.memory_space<vmem>>[vector<16xi32>], vector<16xf32>,
      } {sc.loop_unroll_factor = 8 : i64, sc.parallel_access}
      %parallel_loop3A_216 = arith.constant 0 : i32
      %parallel_loop3A_217 = arith.constant 256 : i32
      %parallel_loop3A_218 = arith.constant 1 : i32
      scf.for %parallel_loop3A_241 = %parallel_loop3A_216 to %parallel_loop3A_217 step %parallel_loop3A_218  : i32 {
        %parallel_loop3A_242 = arith.constant 16 : i32
        %parallel_loop3A_243 = arith.muli %parallel_loop3A_241, %parallel_loop3A_242 : i32
        %parallel_loop3A_244 = arith.constant 2 : i32
        %parallel_loop3A_245 = arith.index_cast %parallel_loop3A_244 : i32 to index
        %parallel_loop3A_246 = arith.index_cast %parallel_loop3A_243 : i32 to index
        %parallel_loop3A_247 = tpu.vector_load %arg6[%parallel_loop3A_245, %parallel_loop3A_246] {strides = array<i32>} : memref<8x4096xf32, #tpu.memory_space<vmem>>, vector<16xf32>,
        %parallel_loop3A_248 = arith.subf %parallel_loop3A_247, %get3A_3 : vector<16xf32>
        %parallel_loop3A_249 = arith.mulf %parallel_loop3A_248, %div3A_12 : vector<16xf32>
        %parallel_loop3A_250 = arith.fptosi %parallel_loop3A_249 : vector<16xf32> to vector<16xi32>
        %parallel_loop3A_251 = arith.addi %parallel_loop3A_250, %mul3A_19 : vector<16xi32>
        tpu.vector_store_idx %arg8[%parallel_loop3A_251], %broadcast_in_dim3A_16 {add = true} : memref<32816xf32, #tpu.memory_space<vmem>>[vector<16xi32>], vector<16xf32>,
      } {sc.loop_unroll_factor = 8 : i64, sc.parallel_access}
      %parallel_loop3A_219 = arith.constant 0 : i32
      %parallel_loop3A_220 = arith.constant 256 : i32
      %parallel_loop3A_221 = arith.constant 1 : i32
      scf.for %parallel_loop3A_241 = %parallel_loop3A_219 to %parallel_loop3A_220 step %parallel_loop3A_221  : i32 {
        %parallel_loop3A_242 = arith.constant 16 : i32
        %parallel_loop3A_243 = arith.muli %parallel_loop3A_241, %parallel_loop3A_242 : i32
        %parallel_loop3A_244 = arith.constant 3 : i32
        %parallel_loop3A_245 = arith.index_cast %parallel_loop3A_244 : i32 to index
        %parallel_loop3A_246 = arith.index_cast %parallel_loop3A_243 : i32 to index
        %parallel_loop3A_247 = tpu.vector_load %arg6[%parallel_loop3A_245, %parallel_loop3A_246] {strides = array<i32>} : memref<8x4096xf32, #tpu.memory_space<vmem>>, vector<16xf32>,
        %parallel_loop3A_248 = arith.subf %parallel_loop3A_247, %get3A_3 : vector<16xf32>
        %parallel_loop3A_249 = arith.mulf %parallel_loop3A_248, %div3A_12 : vector<16xf32>
        %parallel_loop3A_250 = arith.fptosi %parallel_loop3A_249 : vector<16xf32> to vector<16xi32>
        %parallel_loop3A_251 = arith.addi %parallel_loop3A_250, %mul3A_19 : vector<16xi32>
        tpu.vector_store_idx %arg8[%parallel_loop3A_251], %broadcast_in_dim3A_16 {add = true} : memref<32816xf32, #tpu.memory_space<vmem>>[vector<16xi32>], vector<16xf32>,
      } {sc.loop_unroll_factor = 8 : i64, sc.parallel_access}
      %parallel_loop3A_222 = arith.constant 0 : i32
      %parallel_loop3A_223 = arith.constant 256 : i32
      %parallel_loop3A_224 = arith.constant 1 : i32
      scf.for %parallel_loop3A_241 = %parallel_loop3A_222 to %parallel_loop3A_223 step %parallel_loop3A_224  : i32 {
        %parallel_loop3A_242 = arith.constant 16 : i32
        %parallel_loop3A_243 = arith.muli %parallel_loop3A_241, %parallel_loop3A_242 : i32
        %parallel_loop3A_244 = arith.constant 4 : i32
        %parallel_loop3A_245 = arith.index_cast %parallel_loop3A_244 : i32 to index
        %parallel_loop3A_246 = arith.index_cast %parallel_loop3A_243 : i32 to index
        %parallel_loop3A_247 = tpu.vector_load %arg6[%parallel_loop3A_245, %parallel_loop3A_246] {strides = array<i32>} : memref<8x4096xf32, #tpu.memory_space<vmem>>, vector<16xf32>,
        %parallel_loop3A_248 = arith.subf %parallel_loop3A_247, %get3A_3 : vector<16xf32>
        %parallel_loop3A_249 = arith.mulf %parallel_loop3A_248, %div3A_12 : vector<16xf32>
        %parallel_loop3A_250 = arith.fptosi %parallel_loop3A_249 : vector<16xf32> to vector<16xi32>
        %parallel_loop3A_251 = arith.addi %parallel_loop3A_250, %mul3A_19 : vector<16xi32>
        tpu.vector_store_idx %arg8[%parallel_loop3A_251], %broadcast_in_dim3A_16 {add = true} : memref<32816xf32, #tpu.memory_space<vmem>>[vector<16xi32>], vector<16xf32>,
      } {sc.loop_unroll_factor = 8 : i64, sc.parallel_access}
      %parallel_loop3A_225 = arith.constant 0 : i32
      %parallel_loop3A_226 = arith.constant 256 : i32
      %parallel_loop3A_227 = arith.constant 1 : i32
      scf.for %parallel_loop3A_241 = %parallel_loop3A_225 to %parallel_loop3A_226 step %parallel_loop3A_227  : i32 {
        %parallel_loop3A_242 = arith.constant 16 : i32
        %parallel_loop3A_243 = arith.muli %parallel_loop3A_241, %parallel_loop3A_242 : i32
        %parallel_loop3A_244 = arith.constant 5 : i32
        %parallel_loop3A_245 = arith.index_cast %parallel_loop3A_244 : i32 to index
        %parallel_loop3A_246 = arith.index_cast %parallel_loop3A_243 : i32 to index
        %parallel_loop3A_247 = tpu.vector_load %arg6[%parallel_loop3A_245, %parallel_loop3A_246] {strides = array<i32>} : memref<8x4096xf32, #tpu.memory_space<vmem>>, vector<16xf32>,
        %parallel_loop3A_248 = arith.subf %parallel_loop3A_247, %get3A_3 : vector<16xf32>
        %parallel_loop3A_249 = arith.mulf %parallel_loop3A_248, %div3A_12 : vector<16xf32>
        %parallel_loop3A_250 = arith.fptosi %parallel_loop3A_249 : vector<16xf32> to vector<16xi32>
        %parallel_loop3A_251 = arith.addi %parallel_loop3A_250, %mul3A_19 : vector<16xi32>
        tpu.vector_store_idx %arg8[%parallel_loop3A_251], %broadcast_in_dim3A_16 {add = true} : memref<32816xf32, #tpu.memory_space<vmem>>[vector<16xi32>], vector<16xf32>,
      } {sc.loop_unroll_factor = 8 : i64, sc.parallel_access}
      %parallel_loop3A_228 = arith.constant 0 : i32
      %parallel_loop3A_229 = arith.constant 256 : i32
      %parallel_loop3A_230 = arith.constant 1 : i32
      scf.for %parallel_loop3A_241 = %parallel_loop3A_228 to %parallel_loop3A_229 step %parallel_loop3A_230  : i32 {
        %parallel_loop3A_242 = arith.constant 16 : i32
        %parallel_loop3A_243 = arith.muli %parallel_loop3A_241, %parallel_loop3A_242 : i32
        %parallel_loop3A_244 = arith.constant 6 : i32
        %parallel_loop3A_245 = arith.index_cast %parallel_loop3A_244 : i32 to index
        %parallel_loop3A_246 = arith.index_cast %parallel_loop3A_243 : i32 to index
        %parallel_loop3A_247 = tpu.vector_load %arg6[%parallel_loop3A_245, %parallel_loop3A_246] {strides = array<i32>} : memref<8x4096xf32, #tpu.memory_space<vmem>>, vector<16xf32>,
        %parallel_loop3A_248 = arith.subf %parallel_loop3A_247, %get3A_3 : vector<16xf32>
        %parallel_loop3A_249 = arith.mulf %parallel_loop3A_248, %div3A_12 : vector<16xf32>
        %parallel_loop3A_250 = arith.fptosi %parallel_loop3A_249 : vector<16xf32> to vector<16xi32>
        %parallel_loop3A_251 = arith.addi %parallel_loop3A_250, %mul3A_19 : vector<16xi32>
        tpu.vector_store_idx %arg8[%parallel_loop3A_251], %broadcast_in_dim3A_16 {add = true} : memref<32816xf32, #tpu.memory_space<vmem>>[vector<16xi32>], vector<16xf32>,
      } {sc.loop_unroll_factor = 8 : i64, sc.parallel_access}
      %parallel_loop3A_231 = arith.constant 0 : i32
      %parallel_loop3A_232 = arith.constant 256 : i32
      %parallel_loop3A_233 = arith.constant 1 : i32
      scf.for %parallel_loop3A_241 = %parallel_loop3A_231 to %parallel_loop3A_232 step %parallel_loop3A_233  : i32 {
        %parallel_loop3A_242 = arith.constant 16 : i32
        %parallel_loop3A_243 = arith.muli %parallel_loop3A_241, %parallel_loop3A_242 : i32
        %parallel_loop3A_244 = arith.constant 7 : i32
        %parallel_loop3A_245 = arith.index_cast %parallel_loop3A_244 : i32 to index
        %parallel_loop3A_246 = arith.index_cast %parallel_loop3A_243 : i32 to index
        %parallel_loop3A_247 = tpu.vector_load %arg6[%parallel_loop3A_245, %parallel_loop3A_246] {strides = array<i32>} : memref<8x4096xf32, #tpu.memory_space<vmem>>, vector<16xf32>,
        %parallel_loop3A_248 = arith.subf %parallel_loop3A_247, %get3A_3 : vector<16xf32>
        %parallel_loop3A_249 = arith.mulf %parallel_loop3A_248, %div3A_12 : vector<16xf32>
        %parallel_loop3A_250 = arith.fptosi %parallel_loop3A_249 : vector<16xf32> to vector<16xi32>
        %parallel_loop3A_251 = arith.addi %parallel_loop3A_250, %mul3A_19 : vector<16xi32>
        tpu.vector_store_idx %arg8[%parallel_loop3A_251], %broadcast_in_dim3A_16 {add = true} : memref<32816xf32, #tpu.memory_space<vmem>>[vector<16xi32>], vector<16xf32>,
      } {sc.loop_unroll_factor = 8 : i64, sc.parallel_access}
      %add3A_234 = arith.constant 3 : i32
      %add3A_235 = arith.addi %mul3A_159, %add3A_234 : i32
      %lt3A_236 = arith.constant 64 : i32
      %lt3A_237 = arith.cmpi slt, %add3A_235, %lt3A_236 : i32
      %convert_element_type3A_238 = arith.extui %lt3A_237 : i1 to i32
      %cond3A_239 = arith.constant 0 : i32
      %cond3A_240 = arith.cmpi ne, %convert_element_type3A_238, %cond3A_239 : i32
      scf.if %cond3A_240 {
        %add3A_241 = arith.constant 3 : i32
        %add3A_242 = arith.addi %mul3A_159, %add3A_241 : i32
        %rem3A_243 = arith.constant 64 : i32
        %rem3A_244 = arith.remsi %add3A_242, %rem3A_243 : i32
        %div3A_245 = arith.constant 64 : i32
        %div3A_246 = arith.divsi %add3A_242, %div3A_245 : i32
        %mul3A_247 = arith.constant 8 : i32
        %mul3A_248 = arith.muli %rem3A_244, %mul3A_247 : i32
        %add3A_249 = arith.addi %mul3A_2, %mul3A_248 : i32
        %mul3A_250 = arith.constant 4096 : i32
        %mul3A_251 = arith.muli %div3A_246, %mul3A_250 : i32
        %dma_start3A_252 = tpu.memref_slice %arg2[%add3A_249, %mul3A_251] : memref<16384x4096xf32, #tpu.memory_space<hbm>> -> memref<8x4096xf32, #tpu.memory_space<hbm>>
        %dma_start3A_253 = tpu.memref_slice %arg2[%add3A_249, %mul3A_251] : memref<16384x4096xf32, #tpu.memory_space<hbm>> -> memref<8x4096xf32, #tpu.memory_space<hbm>>
        tpu.enqueue_dma source(%dma_start3A_253 : memref<8x4096xf32, #tpu.memory_space<hbm>>) target(%arg6 : memref<8x4096xf32, #tpu.memory_space<vmem>>) target_semaphore(%arg12 : memref<!tpu.dma_semaphore, #tpu.memory_space<semaphore_mem>>)
      } else {
      }
    }
    %scan3A_57 = arith.constant 32 : i32
    %add3A_58 = arith.constant 2048 : i32
    %add3A_59 = vector.broadcast %add3A_58 : i32 to vector<16xi32>
    %add3A_60 = arith.addi %add3A_22, %add3A_59 : vector<16xi32>
    %gather3A = tpu.vector_load_idx %arg8[%add3A_60] : memref<32816xf32, #tpu.memory_space<vmem>>[vector<16xi32>], vector<16xf32>,
    %add3A_61 = arith.addf %broadcast_in_dim3A_14, %gather3A : vector<16xf32>
    %add3A_62 = arith.constant 2049 : i32
    %add3A_63 = vector.broadcast %add3A_62 : i32 to vector<16xi32>
    %add3A_64 = arith.addi %add3A_22, %add3A_63 : vector<16xi32>
    %gather3A_65 = tpu.vector_load_idx %arg8[%add3A_64] : memref<32816xf32, #tpu.memory_space<vmem>>[vector<16xi32>], vector<16xf32>,
    %add3A_66 = arith.addf %add3A_61, %gather3A_65 : vector<16xf32>
    %add3A_67 = arith.constant 2050 : i32
    %add3A_68 = vector.broadcast %add3A_67 : i32 to vector<16xi32>
    %add3A_69 = arith.addi %add3A_22, %add3A_68 : vector<16xi32>
    %gather3A_70 = tpu.vector_load_idx %arg8[%add3A_69] : memref<32816xf32, #tpu.memory_space<vmem>>[vector<16xi32>], vector<16xf32>,
    %add3A_71 = arith.addf %add3A_66, %gather3A_70 : vector<16xf32>
    %add3A_72 = arith.constant 2047 : i32
    %add3A_73 = vector.broadcast %add3A_72 : i32 to vector<16xi32>
    %add3A_74 = arith.addi %add3A_22, %add3A_73 : vector<16xi32>
    %gather3A_75 = tpu.vector_load_idx %arg8[%add3A_74] : memref<32816xf32, #tpu.memory_space<vmem>>[vector<16xi32>], vector<16xf32>,
    %add3A_76 = arith.constant 2047 : i32
    %add3A_77 = vector.broadcast %add3A_76 : i32 to vector<16xi32>
    %add3A_78 = arith.addi %add3A_22, %add3A_77 : vector<16xi32>
    %add3A_79 = arith.addf %gather3A_75, %add3A_71 : vector<16xf32>
    tpu.vector_store_idx %arg8[%add3A_78], %add3A_79 : memref<32816xf32, #tpu.memory_space<vmem>>[vector<16xi32>], vector<16xf32>,
    %scan3A_80 = arith.constant 0 : i32
    %scan3A_81 = arith.constant 0 : i32
    %scan3A_82 = arith.constant 128 : i32
    %scan3A_83 = arith.addi %scan3A_81, %scan3A_82 : i32
    %scan3A_84 = arith.constant 1 : i32
    scf.for %scan3A_157 = %scan3A_81 to %scan3A_83 step %scan3A_84  : i32 {
      %mul3A_158 = arith.constant 16 : i32
      %mul3A_159 = arith.muli %scan3A_157, %mul3A_158 : i32
      %add3A_160 = arith.constant 0 : i32
      %add3A_161 = arith.addi %add3A_160, %mul3A_159 : i32
      %get3A_162 = arith.index_cast %add3A_161 : i32 to index
      %get3A_163 = tpu.vector_load %arg8[%get3A_162] {strides = array<i32>} : memref<32816xf32, #tpu.memory_space<vmem>>, vector<16xf32>,
      %add3A_164 = arith.addf %broadcast_in_dim3A_14, %get3A_163 : vector<16xf32>
      %add3A_165 = arith.constant 2051 : i32
      %add3A_166 = arith.addi %add3A_165, %mul3A_159 : i32
      %get3A_167 = arith.index_cast %add3A_166 : i32 to index
      %get3A_168 = tpu.vector_load %arg8[%get3A_167] {strides = array<i32>} : memref<32816xf32, #tpu.memory_space<vmem>>, vector<16xf32>,
      %add3A_169 = arith.addf %add3A_164, %get3A_168 : vector<16xf32>
      %add3A_170 = arith.constant 4102 : i32
      %add3A_171 = arith.addi %add3A_170, %mul3A_159 : i32
      %get3A_172 = arith.index_cast %add3A_171 : i32 to index
      %get3A_173 = tpu.vector_load %arg8[%get3A_172] {strides = array<i32>} : memref<32816xf32, #tpu.memory_space<vmem>>, vector<16xf32>,
      %add3A_174 = arith.addf %add3A_169, %get3A_173 : vector<16xf32>
      %add3A_175 = arith.constant 6153 : i32
      %add3A_176 = arith.addi %add3A_175, %mul3A_159 : i32
      %get3A_177 = arith.index_cast %add3A_176 : i32 to index
      %get3A_178 = tpu.vector_load %arg8[%get3A_177] {strides = array<i32>} : memref<32816xf32, #tpu.memory_space<vmem>>, vector<16xf32>,
      %add3A_179 = arith.addf %add3A_174, %get3A_178 : vector<16xf32>
      %add3A_180 = arith.constant 8204 : i32
      %add3A_181 = arith.addi %add3A_180, %mul3A_159 : i32
      %get3A_182 = arith.index_cast %add3A_181 : i32 to index
      %get3A_183 = tpu.vector_load %arg8[%get3A_182] {strides = array<i32>} : memref<32816xf32, #tpu.memory_space<vmem>>, vector<16xf32>,
      %add3A_184 = arith.addf %add3A_179, %get3A_183 : vector<16xf32>
      %add3A_185 = arith.constant 10255 : i32
      %add3A_186 = arith.addi %add3A_185, %mul3A_159 : i32
      %get3A_187 = arith.index_cast %add3A_186 : i32 to index
      %get3A_188 = tpu.vector_load %arg8[%get3A_187] {strides = array<i32>} : memref<32816xf32, #tpu.memory_space<vmem>>, vector<16xf32>,
      %add3A_189 = arith.addf %add3A_184, %get3A_188 : vector<16xf32>
      %add3A_190 = arith.constant 12306 : i32
      %add3A_191 = arith.addi %add3A_190, %mul3A_159 : i32
      %get3A_192 = arith.index_cast %add3A_191 : i32 to index
      %get3A_193 = tpu.vector_load %arg8[%get3A_192] {strides = array<i32>} : memref<32816xf32, #tpu.memory_space<vmem>>, vector<16xf32>,
      %add3A_194 = arith.addf %add3A_189, %get3A_193 : vector<16xf32>
      %add3A_195 = arith.constant 14357 : i32
      %add3A_196 = arith.addi %add3A_195, %mul3A_159 : i32
      %get3A_197 = arith.index_cast %add3A_196 : i32 to index
      %get3A_198 = tpu.vector_load %arg8[%get3A_197] {strides = array<i32>} : memref<32816xf32, #tpu.memory_space<vmem>>, vector<16xf32>,
      %add3A_199 = arith.addf %add3A_194, %get3A_198 : vector<16xf32>
      %add3A_200 = arith.constant 16408 : i32
      %add3A_201 = arith.addi %add3A_200, %mul3A_159 : i32
      %get3A_202 = arith.index_cast %add3A_201 : i32 to index
      %get3A_203 = tpu.vector_load %arg8[%get3A_202] {strides = array<i32>} : memref<32816xf32, #tpu.memory_space<vmem>>, vector<16xf32>,
      %add3A_204 = arith.addf %add3A_199, %get3A_203 : vector<16xf32>
      %add3A_205 = arith.constant 18459 : i32
      %add3A_206 = arith.addi %add3A_205, %mul3A_159 : i32
      %get3A_207 = arith.index_cast %add3A_206 : i32 to index
      %get3A_208 = tpu.vector_load %arg8[%get3A_207] {strides = array<i32>} : memref<32816xf32, #tpu.memory_space<vmem>>, vector<16xf32>,
      %add3A_209 = arith.addf %add3A_204, %get3A_208 : vector<16xf32>
      %add3A_210 = arith.constant 20510 : i32
      %add3A_211 = arith.addi %add3A_210, %mul3A_159 : i32
      %get3A_212 = arith.index_cast %add3A_211 : i32 to index
      %get3A_213 = tpu.vector_load %arg8[%get3A_212] {strides = array<i32>} : memref<32816xf32, #tpu.memory_space<vmem>>, vector<16xf32>,
      %add3A_214 = arith.addf %add3A_209, %get3A_213 : vector<16xf32>
      %add3A_215 = arith.constant 22561 : i32
      %add3A_216 = arith.addi %add3A_215, %mul3A_159 : i32
      %get3A_217 = arith.index_cast %add3A_216 : i32 to index
      %get3A_218 = tpu.vector_load %arg8[%get3A_217] {strides = array<i32>} : memref<32816xf32, #tpu.memory_space<vmem>>, vector<16xf32>,
      %add3A_219 = arith.addf %add3A_214, %get3A_218 : vector<16xf32>
      %add3A_220 = arith.constant 24612 : i32
      %add3A_221 = arith.addi %add3A_220, %mul3A_159 : i32
      %get3A_222 = arith.index_cast %add3A_221 : i32 to index
      %get3A_223 = tpu.vector_load %arg8[%get3A_222] {strides = array<i32>} : memref<32816xf32, #tpu.memory_space<vmem>>, vector<16xf32>,
      %add3A_224 = arith.addf %add3A_219, %get3A_223 : vector<16xf32>
      %add3A_225 = arith.constant 26663 : i32
      %add3A_226 = arith.addi %add3A_225, %mul3A_159 : i32
      %get3A_227 = arith.index_cast %add3A_226 : i32 to index
      %get3A_228 = tpu.vector_load %arg8[%get3A_227] {strides = array<i32>} : memref<32816xf32, #tpu.memory_space<vmem>>, vector<16xf32>,
      %add3A_229 = arith.addf %add3A_224, %get3A_228 : vector<16xf32>
      %add3A_230 = arith.constant 28714 : i32
      %add3A_231 = arith.addi %add3A_230, %mul3A_159 : i32
      %get3A_232 = arith.index_cast %add3A_231 : i32 to index
      %get3A_233 = tpu.vector_load %arg8[%get3A_232] {strides = array<i32>} : memref<32816xf32, #tpu.memory_space<vmem>>, vector<16xf32>,
      %add3A_234 = arith.addf %add3A_229, %get3A_233 : vector<16xf32>
      %add3A_235 = arith.constant 30765 : i32
      %add3A_236 = arith.addi %add3A_235, %mul3A_159 : i32
      %get3A_237 = arith.index_cast %add3A_236 : i32 to index
      %get3A_238 = tpu.vector_load %arg8[%get3A_237] {strides = array<i32>} : memref<32816xf32, #tpu.memory_space<vmem>>, vector<16xf32>,
      %add3A_239 = arith.addf %add3A_234, %get3A_238 : vector<16xf32>
      %swap3A = arith.index_cast %mul3A_159 : i32 to index
      %swap3A_240 = tpu.vector_load %arg9[%swap3A] {strides = array<i32>} : memref<2048xf32, #tpu.memory_space<vmem>>, vector<16xf32>,
      tpu.vector_store %arg9[%swap3A], %add3A_239 {strides = array<i32>} : memref<2048xf32, #tpu.memory_space<vmem>>, vector<16xf32>,
    }
    %scan3A_85 = arith.constant 128 : i32
    "tpu.region"() ({
      %run_scoped3A_157 = tpu.sem_alloc : memref<!tpu.dma_semaphore, #tpu.memory_space<semaphore_mem>>
      %dma_start3A_158 = arith.constant 0 : i32
      %dma_start3A_159 = tpu.memref_slice %arg10[%arg1, %dma_start3A_158] : memref<16x2048xf32, #tpu.memory_space<vmem_shared>> -> memref<1x2048xf32, #tpu.memory_space<vmem_shared>>
      %dma_start3A_160 = tpu.memref_squeeze %dma_start3A_159 : memref<1x2048xf32, #tpu.memory_space<vmem_shared>> -> memref<2048xf32, #tpu.memory_space<vmem_shared>>
      %dma_start3A_161 = arith.constant 0 : i32
      %dma_start3A_162 = tpu.memref_slice %arg10[%arg1, %dma_start3A_161] : memref<16x2048xf32, #tpu.memory_space<vmem_shared>> -> memref<1x2048xf32, #tpu.memory_space<vmem_shared>>
      %dma_start3A_163 = tpu.memref_squeeze %dma_start3A_162 : memref<1x2048xf32, #tpu.memory_space<vmem_shared>> -> memref<2048xf32, #tpu.memory_space<vmem_shared>>
      tpu.enqueue_dma source(%arg9 : memref<2048xf32, #tpu.memory_space<vmem>>) target(%dma_start3A_163 : memref<2048xf32, #tpu.memory_space<vmem_shared>>) target_semaphore(%run_scoped3A_157 : memref<!tpu.dma_semaphore, #tpu.memory_space<semaphore_mem>>)
      %dma_wait3A = arith.constant 0 : i32
      %dma_wait3A_164 = tpu.memref_slice %arg10[%arg1, %dma_wait3A] : memref<16x2048xf32, #tpu.memory_space<vmem_shared>> -> memref<1x2048xf32, #tpu.memory_space<vmem_shared>>
      %dma_wait3A_165 = tpu.memref_squeeze %dma_wait3A_164 : memref<1x2048xf32, #tpu.memory_space<vmem_shared>> -> memref<2048xf32, #tpu.memory_space<vmem_shared>>
      %dma_wait3A_166 = arith.constant 0 : i32
      %dma_wait3A_167 = tpu.memref_slice %arg10[%arg1, %dma_wait3A_166] : memref<16x2048xf32, #tpu.memory_space<vmem_shared>> -> memref<1x2048xf32, #tpu.memory_space<vmem_shared>>
      %dma_wait3A_168 = tpu.memref_squeeze %dma_wait3A_167 : memref<1x2048xf32, #tpu.memory_space<vmem_shared>> -> memref<2048xf32, #tpu.memory_space<vmem_shared>>
      tpu.wait_dma2 semaphore(%run_scoped3A_157 : memref<!tpu.dma_semaphore, #tpu.memory_space<semaphore_mem>>) src(%arg9 : memref<2048xf32, #tpu.memory_space<vmem>>) dst(%dma_wait3A_168 : memref<2048xf32, #tpu.memory_space<vmem_shared>>)
      tpu.yield
    }) : () -> ()
    %barrier3A = arith.constant 0 : index
    tpu.barrier barrier_id(%barrier3A)
    %mul3A_86 = arith.constant 128 : i32
    %mul3A_87 = arith.muli %arg1, %mul3A_86 : i32
    %run_scoped3A = arith.constant 0 : i32
    %run_scoped3A_88 = arith.constant 0 : i32
    "tpu.region"() ({
      %run_scoped3A_157 = tpu.sem_alloc : memref<!tpu.dma_semaphore, #tpu.memory_space<semaphore_mem>>
      %dma_start3A_158 = arith.constant 0 : i32
      %dma_start3A_159 = tpu.memref_slice %arg5[%run_scoped3A_88, %dma_start3A_158] : memref<8x4096xf32, #tpu.memory_space<vmem>> -> memref<1x128xf32, #tpu.memory_space<vmem>>
      %dma_start3A_160 = tpu.memref_squeeze %dma_start3A_159 : memref<1x128xf32, #tpu.memory_space<vmem>> -> memref<128xf32, #tpu.memory_space<vmem>>
      %dma_start3A_161 = tpu.memref_slice %arg10[%run_scoped3A, %mul3A_87] : memref<16x2048xf32, #tpu.memory_space<vmem_shared>> -> memref<1x128xf32, #tpu.memory_space<vmem_shared>>
      %dma_start3A_162 = tpu.memref_squeeze %dma_start3A_161 : memref<1x128xf32, #tpu.memory_space<vmem_shared>> -> memref<128xf32, #tpu.memory_space<vmem_shared>>
      %dma_start3A_163 = arith.constant 0 : i32
      %dma_start3A_164 = tpu.memref_slice %arg5[%run_scoped3A_88, %dma_start3A_163] : memref<8x4096xf32, #tpu.memory_space<vmem>> -> memref<1x128xf32, #tpu.memory_space<vmem>>
      %dma_start3A_165 = tpu.memref_squeeze %dma_start3A_164 : memref<1x128xf32, #tpu.memory_space<vmem>> -> memref<128xf32, #tpu.memory_space<vmem>>
      %dma_start3A_166 = tpu.memref_slice %arg10[%run_scoped3A, %mul3A_87] : memref<16x2048xf32, #tpu.memory_space<vmem_shared>> -> memref<1x128xf32, #tpu.memory_space<vmem_shared>>
      %dma_start3A_167 = tpu.memref_squeeze %dma_start3A_166 : memref<1x128xf32, #tpu.memory_space<vmem_shared>> -> memref<128xf32, #tpu.memory_space<vmem_shared>>
      tpu.enqueue_dma source(%dma_start3A_167 : memref<128xf32, #tpu.memory_space<vmem_shared>>) target(%dma_start3A_165 : memref<128xf32, #tpu.memory_space<vmem>>) target_semaphore(%run_scoped3A_157 : memref<!tpu.dma_semaphore, #tpu.memory_space<semaphore_mem>>)
      %dma_wait3A = arith.constant 0 : i32
      %dma_wait3A_168 = tpu.memref_slice %arg5[%run_scoped3A_88, %dma_wait3A] : memref<8x4096xf32, #tpu.memory_space<vmem>> -> memref<1x128xf32, #tpu.memory_space<vmem>>
      %dma_wait3A_169 = tpu.memref_squeeze %dma_wait3A_168 : memref<1x128xf32, #tpu.memory_space<vmem>> -> memref<128xf32, #tpu.memory_space<vmem>>
      %dma_wait3A_170 = tpu.memref_slice %arg10[%run_scoped3A, %mul3A_87] : memref<16x2048xf32, #tpu.memory_space<vmem_shared>> -> memref<1x128xf32, #tpu.memory_space<vmem_shared>>
      %dma_wait3A_171 = tpu.memref_squeeze %dma_wait3A_170 : memref<1x128xf32, #tpu.memory_space<vmem_shared>> -> memref<128xf32, #tpu.memory_space<vmem_shared>>
      %dma_wait3A_172 = arith.constant 0 : i32
      %dma_wait3A_173 = tpu.memref_slice %arg5[%run_scoped3A_88, %dma_wait3A_172] : memref<8x4096xf32, #tpu.memory_space<vmem>> -> memref<1x128xf32, #tpu.memory_space<vmem>>
      %dma_wait3A_174 = tpu.memref_squeeze %dma_wait3A_173 : memref<1x128xf32, #tpu.memory_space<vmem>> -> memref<128xf32, #tpu.memory_space<vmem>>
      %dma_wait3A_175 = tpu.memref_slice %arg10[%run_scoped3A, %mul3A_87] : memref<16x2048xf32, #tpu.memory_space<vmem_shared>> -> memref<1x128xf32, #tpu.memory_space<vmem_shared>>
      %dma_wait3A_176 = tpu.memref_squeeze %dma_wait3A_175 : memref<1x128xf32, #tpu.memory_space<vmem_shared>> -> memref<128xf32, #tpu.memory_space<vmem_shared>>
      tpu.wait_dma2 semaphore(%run_scoped3A_157 : memref<!tpu.dma_semaphore, #tpu.memory_space<semaphore_mem>>) src(%dma_wait3A_176 : memref<128xf32, #tpu.memory_space<vmem_shared>>) dst(%dma_wait3A_174 : memref<128xf32, #tpu.memory_space<vmem>>)
      tpu.yield
    }) : () -> ()
    %mul3A_89 = arith.constant 128 : i32
    %mul3A_90 = arith.muli %arg1, %mul3A_89 : i32
    %run_scoped3A_91 = arith.constant 1 : i32
    %run_scoped3A_92 = arith.constant 0 : i32
    "tpu.region"() ({
      %run_scoped3A_157 = tpu.sem_alloc : memref<!tpu.dma_semaphore, #tpu.memory_space<semaphore_mem>>
      %dma_start3A_158 = arith.constant 128 : i32
      %dma_start3A_159 = tpu.memref_slice %arg5[%run_scoped3A_92, %dma_start3A_158] : memref<8x4096xf32, #tpu.memory_space<vmem>> -> memref<1x128xf32, #tpu.memory_space<vmem>>
      %dma_start3A_160 = tpu.memref_squeeze %dma_start3A_159 : memref<1x128xf32, #tpu.memory_space<vmem>> -> memref<128xf32, #tpu.memory_space<vmem>>
      %dma_start3A_161 = tpu.memref_slice %arg10[%run_scoped3A_91, %mul3A_90] : memref<16x2048xf32, #tpu.memory_space<vmem_shared>> -> memref<1x128xf32, #tpu.memory_space<vmem_shared>>
      %dma_start3A_162 = tpu.memref_squeeze %dma_start3A_161 : memref<1x128xf32, #tpu.memory_space<vmem_shared>> -> memref<128xf32, #tpu.memory_space<vmem_shared>>
      %dma_start3A_163 = arith.constant 128 : i32
      %dma_start3A_164 = tpu.memref_slice %arg5[%run_scoped3A_92, %dma_start3A_163] : memref<8x4096xf32, #tpu.memory_space<vmem>> -> memref<1x128xf32, #tpu.memory_space<vmem>>
      %dma_start3A_165 = tpu.memref_squeeze %dma_start3A_164 : memref<1x128xf32, #tpu.memory_space<vmem>> -> memref<128xf32, #tpu.memory_space<vmem>>
      %dma_start3A_166 = tpu.memref_slice %arg10[%run_scoped3A_91, %mul3A_90] : memref<16x2048xf32, #tpu.memory_space<vmem_shared>> -> memref<1x128xf32, #tpu.memory_space<vmem_shared>>
      %dma_start3A_167 = tpu.memref_squeeze %dma_start3A_166 : memref<1x128xf32, #tpu.memory_space<vmem_shared>> -> memref<128xf32, #tpu.memory_space<vmem_shared>>
      tpu.enqueue_dma source(%dma_start3A_167 : memref<128xf32, #tpu.memory_space<vmem_shared>>) target(%dma_start3A_165 : memref<128xf32, #tpu.memory_space<vmem>>) target_semaphore(%run_scoped3A_157 : memref<!tpu.dma_semaphore, #tpu.memory_space<semaphore_mem>>)
      %dma_wait3A = arith.constant 128 : i32
      %dma_wait3A_168 = tpu.memref_slice %arg5[%run_scoped3A_92, %dma_wait3A] : memref<8x4096xf32, #tpu.memory_space<vmem>> -> memref<1x128xf32, #tpu.memory_space<vmem>>
      %dma_wait3A_169 = tpu.memref_squeeze %dma_wait3A_168 : memref<1x128xf32, #tpu.memory_space<vmem>> -> memref<128xf32, #tpu.memory_space<vmem>>
      %dma_wait3A_170 = tpu.memref_slice %arg10[%run_scoped3A_91, %mul3A_90] : memref<16x2048xf32, #tpu.memory_space<vmem_shared>> -> memref<1x128xf32, #tpu.memory_space<vmem_shared>>
      %dma_wait3A_171 = tpu.memref_squeeze %dma_wait3A_170 : memref<1x128xf32, #tpu.memory_space<vmem_shared>> -> memref<128xf32, #tpu.memory_space<vmem_shared>>
      %dma_wait3A_172 = arith.constant 128 : i32
      %dma_wait3A_173 = tpu.memref_slice %arg5[%run_scoped3A_92, %dma_wait3A_172] : memref<8x4096xf32, #tpu.memory_space<vmem>> -> memref<1x128xf32, #tpu.memory_space<vmem>>
      %dma_wait3A_174 = tpu.memref_squeeze %dma_wait3A_173 : memref<1x128xf32, #tpu.memory_space<vmem>> -> memref<128xf32, #tpu.memory_space<vmem>>
      %dma_wait3A_175 = tpu.memref_slice %arg10[%run_scoped3A_91, %mul3A_90] : memref<16x2048xf32, #tpu.memory_space<vmem_shared>> -> memref<1x128xf32, #tpu.memory_space<vmem_shared>>
      %dma_wait3A_176 = tpu.memref_squeeze %dma_wait3A_175 : memref<1x128xf32, #tpu.memory_space<vmem_shared>> -> memref<128xf32, #tpu.memory_space<vmem_shared>>
      tpu.wait_dma2 semaphore(%run_scoped3A_157 : memref<!tpu.dma_semaphore, #tpu.memory_space<semaphore_mem>>) src(%dma_wait3A_176 : memref<128xf32, #tpu.memory_space<vmem_shared>>) dst(%dma_wait3A_174 : memref<128xf32, #tpu.memory_space<vmem>>)
      tpu.yield
    }) : () -> ()
    %mul3A_93 = arith.constant 128 : i32
    %mul3A_94 = arith.muli %arg1, %mul3A_93 : i32
    %run_scoped3A_95 = arith.constant 2 : i32
    %run_scoped3A_96 = arith.constant 0 : i32
    "tpu.region"() ({
      %run_scoped3A_157 = tpu.sem_alloc : memref<!tpu.dma_semaphore, #tpu.memory_space<semaphore_mem>>
      %dma_start3A_158 = arith.constant 256 : i32
      %dma_start3A_159 = tpu.memref_slice %arg5[%run_scoped3A_96, %dma_start3A_158] : memref<8x4096xf32, #tpu.memory_space<vmem>> -> memref<1x128xf32, #tpu.memory_space<vmem>>
      %dma_start3A_160 = tpu.memref_squeeze %dma_start3A_159 : memref<1x128xf32, #tpu.memory_space<vmem>> -> memref<128xf32, #tpu.memory_space<vmem>>
      %dma_start3A_161 = tpu.memref_slice %arg10[%run_scoped3A_95, %mul3A_94] : memref<16x2048xf32, #tpu.memory_space<vmem_shared>> -> memref<1x128xf32, #tpu.memory_space<vmem_shared>>
      %dma_start3A_162 = tpu.memref_squeeze %dma_start3A_161 : memref<1x128xf32, #tpu.memory_space<vmem_shared>> -> memref<128xf32, #tpu.memory_space<vmem_shared>>
      %dma_start3A_163 = arith.constant 256 : i32
      %dma_start3A_164 = tpu.memref_slice %arg5[%run_scoped3A_96, %dma_start3A_163] : memref<8x4096xf32, #tpu.memory_space<vmem>> -> memref<1x128xf32, #tpu.memory_space<vmem>>
      %dma_start3A_165 = tpu.memref_squeeze %dma_start3A_164 : memref<1x128xf32, #tpu.memory_space<vmem>> -> memref<128xf32, #tpu.memory_space<vmem>>
      %dma_start3A_166 = tpu.memref_slice %arg10[%run_scoped3A_95, %mul3A_94] : memref<16x2048xf32, #tpu.memory_space<vmem_shared>> -> memref<1x128xf32, #tpu.memory_space<vmem_shared>>
      %dma_start3A_167 = tpu.memref_squeeze %dma_start3A_166 : memref<1x128xf32, #tpu.memory_space<vmem_shared>> -> memref<128xf32, #tpu.memory_space<vmem_shared>>
      tpu.enqueue_dma source(%dma_start3A_167 : memref<128xf32, #tpu.memory_space<vmem_shared>>) target(%dma_start3A_165 : memref<128xf32, #tpu.memory_space<vmem>>) target_semaphore(%run_scoped3A_157 : memref<!tpu.dma_semaphore, #tpu.memory_space<semaphore_mem>>)
      %dma_wait3A = arith.constant 256 : i32
      %dma_wait3A_168 = tpu.memref_slice %arg5[%run_scoped3A_96, %dma_wait3A] : memref<8x4096xf32, #tpu.memory_space<vmem>> -> memref<1x128xf32, #tpu.memory_space<vmem>>
      %dma_wait3A_169 = tpu.memref_squeeze %dma_wait3A_168 : memref<1x128xf32, #tpu.memory_space<vmem>> -> memref<128xf32, #tpu.memory_space<vmem>>
      %dma_wait3A_170 = tpu.memref_slice %arg10[%run_scoped3A_95, %mul3A_94] : memref<16x2048xf32, #tpu.memory_space<vmem_shared>> -> memref<1x128xf32, #tpu.memory_space<vmem_shared>>
      %dma_wait3A_171 = tpu.memref_squeeze %dma_wait3A_170 : memref<1x128xf32, #tpu.memory_space<vmem_shared>> -> memref<128xf32, #tpu.memory_space<vmem_shared>>
      %dma_wait3A_172 = arith.constant 256 : i32
      %dma_wait3A_173 = tpu.memref_slice %arg5[%run_scoped3A_96, %dma_wait3A_172] : memref<8x4096xf32, #tpu.memory_space<vmem>> -> memref<1x128xf32, #tpu.memory_space<vmem>>
      %dma_wait3A_174 = tpu.memref_squeeze %dma_wait3A_173 : memref<1x128xf32, #tpu.memory_space<vmem>> -> memref<128xf32, #tpu.memory_space<vmem>>
      %dma_wait3A_175 = tpu.memref_slice %arg10[%run_scoped3A_95, %mul3A_94] : memref<16x2048xf32, #tpu.memory_space<vmem_shared>> -> memref<1x128xf32, #tpu.memory_space<vmem_shared>>
      %dma_wait3A_176 = tpu.memref_squeeze %dma_wait3A_175 : memref<1x128xf32, #tpu.memory_space<vmem_shared>> -> memref<128xf32, #tpu.memory_space<vmem_shared>>
      tpu.wait_dma2 semaphore(%run_scoped3A_157 : memref<!tpu.dma_semaphore, #tpu.memory_space<semaphore_mem>>) src(%dma_wait3A_176 : memref<128xf32, #tpu.memory_space<vmem_shared>>) dst(%dma_wait3A_174 : memref<128xf32, #tpu.memory_space<vmem>>)
      tpu.yield
    }) : () -> ()
    %mul3A_97 = arith.constant 128 : i32
    %mul3A_98 = arith.muli %arg1, %mul3A_97 : i32
    %run_scoped3A_99 = arith.constant 3 : i32
    %run_scoped3A_100 = arith.constant 0 : i32
    "tpu.region"() ({
      %run_scoped3A_157 = tpu.sem_alloc : memref<!tpu.dma_semaphore, #tpu.memory_space<semaphore_mem>>
      %dma_start3A_158 = arith.constant 384 : i32
      %dma_start3A_159 = tpu.memref_slice %arg5[%run_scoped3A_100, %dma_start3A_158] : memref<8x4096xf32, #tpu.memory_space<vmem>> -> memref<1x128xf32, #tpu.memory_space<vmem>>
      %dma_start3A_160 = tpu.memref_squeeze %dma_start3A_159 : memref<1x128xf32, #tpu.memory_space<vmem>> -> memref<128xf32, #tpu.memory_space<vmem>>
      %dma_start3A_161 = tpu.memref_slice %arg10[%run_scoped3A_99, %mul3A_98] : memref<16x2048xf32, #tpu.memory_space<vmem_shared>> -> memref<1x128xf32, #tpu.memory_space<vmem_shared>>
      %dma_start3A_162 = tpu.memref_squeeze %dma_start3A_161 : memref<1x128xf32, #tpu.memory_space<vmem_shared>> -> memref<128xf32, #tpu.memory_space<vmem_shared>>
      %dma_start3A_163 = arith.constant 384 : i32
      %dma_start3A_164 = tpu.memref_slice %arg5[%run_scoped3A_100, %dma_start3A_163] : memref<8x4096xf32, #tpu.memory_space<vmem>> -> memref<1x128xf32, #tpu.memory_space<vmem>>
      %dma_start3A_165 = tpu.memref_squeeze %dma_start3A_164 : memref<1x128xf32, #tpu.memory_space<vmem>> -> memref<128xf32, #tpu.memory_space<vmem>>
      %dma_start3A_166 = tpu.memref_slice %arg10[%run_scoped3A_99, %mul3A_98] : memref<16x2048xf32, #tpu.memory_space<vmem_shared>> -> memref<1x128xf32, #tpu.memory_space<vmem_shared>>
      %dma_start3A_167 = tpu.memref_squeeze %dma_start3A_166 : memref<1x128xf32, #tpu.memory_space<vmem_shared>> -> memref<128xf32, #tpu.memory_space<vmem_shared>>
      tpu.enqueue_dma source(%dma_start3A_167 : memref<128xf32, #tpu.memory_space<vmem_shared>>) target(%dma_start3A_165 : memref<128xf32, #tpu.memory_space<vmem>>) target_semaphore(%run_scoped3A_157 : memref<!tpu.dma_semaphore, #tpu.memory_space<semaphore_mem>>)
      %dma_wait3A = arith.constant 384 : i32
      %dma_wait3A_168 = tpu.memref_slice %arg5[%run_scoped3A_100, %dma_wait3A] : memref<8x4096xf32, #tpu.memory_space<vmem>> -> memref<1x128xf32, #tpu.memory_space<vmem>>
      %dma_wait3A_169 = tpu.memref_squeeze %dma_wait3A_168 : memref<1x128xf32, #tpu.memory_space<vmem>> -> memref<128xf32, #tpu.memory_space<vmem>>
      %dma_wait3A_170 = tpu.memref_slice %arg10[%run_scoped3A_99, %mul3A_98] : memref<16x2048xf32, #tpu.memory_space<vmem_shared>> -> memref<1x128xf32, #tpu.memory_space<vmem_shared>>
      %dma_wait3A_171 = tpu.memref_squeeze %dma_wait3A_170 : memref<1x128xf32, #tpu.memory_space<vmem_shared>> -> memref<128xf32, #tpu.memory_space<vmem_shared>>
      %dma_wait3A_172 = arith.constant 384 : i32
      %dma_wait3A_173 = tpu.memref_slice %arg5[%run_scoped3A_100, %dma_wait3A_172] : memref<8x4096xf32, #tpu.memory_space<vmem>> -> memref<1x128xf32, #tpu.memory_space<vmem>>
      %dma_wait3A_174 = tpu.memref_squeeze %dma_wait3A_173 : memref<1x128xf32, #tpu.memory_space<vmem>> -> memref<128xf32, #tpu.memory_space<vmem>>
      %dma_wait3A_175 = tpu.memref_slice %arg10[%run_scoped3A_99, %mul3A_98] : memref<16x2048xf32, #tpu.memory_space<vmem_shared>> -> memref<1x128xf32, #tpu.memory_space<vmem_shared>>
      %dma_wait3A_176 = tpu.memref_squeeze %dma_wait3A_175 : memref<1x128xf32, #tpu.memory_space<vmem_shared>> -> memref<128xf32, #tpu.memory_space<vmem_shared>>
      tpu.wait_dma2 semaphore(%run_scoped3A_157 : memref<!tpu.dma_semaphore, #tpu.memory_space<semaphore_mem>>) src(%dma_wait3A_176 : memref<128xf32, #tpu.memory_space<vmem_shared>>) dst(%dma_wait3A_174 : memref<128xf32, #tpu.memory_space<vmem>>)
      tpu.yield
    }) : () -> ()
    %mul3A_101 = arith.constant 128 : i32
    %mul3A_102 = arith.muli %arg1, %mul3A_101 : i32
    %run_scoped3A_103 = arith.constant 4 : i32
    %run_scoped3A_104 = arith.constant 0 : i32
    "tpu.region"() ({
      %run_scoped3A_157 = tpu.sem_alloc : memref<!tpu.dma_semaphore, #tpu.memory_space<semaphore_mem>>
      %dma_start3A_158 = arith.constant 512 : i32
      %dma_start3A_159 = tpu.memref_slice %arg5[%run_scoped3A_104, %dma_start3A_158] : memref<8x4096xf32, #tpu.memory_space<vmem>> -> memref<1x128xf32, #tpu.memory_space<vmem>>
      %dma_start3A_160 = tpu.memref_squeeze %dma_start3A_159 : memref<1x128xf32, #tpu.memory_space<vmem>> -> memref<128xf32, #tpu.memory_space<vmem>>
      %dma_start3A_161 = tpu.memref_slice %arg10[%run_scoped3A_103, %mul3A_102] : memref<16x2048xf32, #tpu.memory_space<vmem_shared>> -> memref<1x128xf32, #tpu.memory_space<vmem_shared>>
      %dma_start3A_162 = tpu.memref_squeeze %dma_start3A_161 : memref<1x128xf32, #tpu.memory_space<vmem_shared>> -> memref<128xf32, #tpu.memory_space<vmem_shared>>
      %dma_start3A_163 = arith.constant 512 : i32
      %dma_start3A_164 = tpu.memref_slice %arg5[%run_scoped3A_104, %dma_start3A_163] : memref<8x4096xf32, #tpu.memory_space<vmem>> -> memref<1x128xf32, #tpu.memory_space<vmem>>
      %dma_start3A_165 = tpu.memref_squeeze %dma_start3A_164 : memref<1x128xf32, #tpu.memory_space<vmem>> -> memref<128xf32, #tpu.memory_space<vmem>>
      %dma_start3A_166 = tpu.memref_slice %arg10[%run_scoped3A_103, %mul3A_102] : memref<16x2048xf32, #tpu.memory_space<vmem_shared>> -> memref<1x128xf32, #tpu.memory_space<vmem_shared>>
      %dma_start3A_167 = tpu.memref_squeeze %dma_start3A_166 : memref<1x128xf32, #tpu.memory_space<vmem_shared>> -> memref<128xf32, #tpu.memory_space<vmem_shared>>
      tpu.enqueue_dma source(%dma_start3A_167 : memref<128xf32, #tpu.memory_space<vmem_shared>>) target(%dma_start3A_165 : memref<128xf32, #tpu.memory_space<vmem>>) target_semaphore(%run_scoped3A_157 : memref<!tpu.dma_semaphore, #tpu.memory_space<semaphore_mem>>)
      %dma_wait3A = arith.constant 512 : i32
      %dma_wait3A_168 = tpu.memref_slice %arg5[%run_scoped3A_104, %dma_wait3A] : memref<8x4096xf32, #tpu.memory_space<vmem>> -> memref<1x128xf32, #tpu.memory_space<vmem>>
      %dma_wait3A_169 = tpu.memref_squeeze %dma_wait3A_168 : memref<1x128xf32, #tpu.memory_space<vmem>> -> memref<128xf32, #tpu.memory_space<vmem>>
      %dma_wait3A_170 = tpu.memref_slice %arg10[%run_scoped3A_103, %mul3A_102] : memref<16x2048xf32, #tpu.memory_space<vmem_shared>> -> memref<1x128xf32, #tpu.memory_space<vmem_shared>>
      %dma_wait3A_171 = tpu.memref_squeeze %dma_wait3A_170 : memref<1x128xf32, #tpu.memory_space<vmem_shared>> -> memref<128xf32, #tpu.memory_space<vmem_shared>>
      %dma_wait3A_172 = arith.constant 512 : i32
      %dma_wait3A_173 = tpu.memref_slice %arg5[%run_scoped3A_104, %dma_wait3A_172] : memref<8x4096xf32, #tpu.memory_space<vmem>> -> memref<1x128xf32, #tpu.memory_space<vmem>>
      %dma_wait3A_174 = tpu.memref_squeeze %dma_wait3A_173 : memref<1x128xf32, #tpu.memory_space<vmem>> -> memref<128xf32, #tpu.memory_space<vmem>>
      %dma_wait3A_175 = tpu.memref_slice %arg10[%run_scoped3A_103, %mul3A_102] : memref<16x2048xf32, #tpu.memory_space<vmem_shared>> -> memref<1x128xf32, #tpu.memory_space<vmem_shared>>
      %dma_wait3A_176 = tpu.memref_squeeze %dma_wait3A_175 : memref<1x128xf32, #tpu.memory_space<vmem_shared>> -> memref<128xf32, #tpu.memory_space<vmem_shared>>
      tpu.wait_dma2 semaphore(%run_scoped3A_157 : memref<!tpu.dma_semaphore, #tpu.memory_space<semaphore_mem>>) src(%dma_wait3A_176 : memref<128xf32, #tpu.memory_space<vmem_shared>>) dst(%dma_wait3A_174 : memref<128xf32, #tpu.memory_space<vmem>>)
      tpu.yield
    }) : () -> ()
    %mul3A_105 = arith.constant 128 : i32
    %mul3A_106 = arith.muli %arg1, %mul3A_105 : i32
    %run_scoped3A_107 = arith.constant 5 : i32
    %run_scoped3A_108 = arith.constant 0 : i32
    "tpu.region"() ({
      %run_scoped3A_157 = tpu.sem_alloc : memref<!tpu.dma_semaphore, #tpu.memory_space<semaphore_mem>>
      %dma_start3A_158 = arith.constant 640 : i32
      %dma_start3A_159 = tpu.memref_slice %arg5[%run_scoped3A_108, %dma_start3A_158] : memref<8x4096xf32, #tpu.memory_space<vmem>> -> memref<1x128xf32, #tpu.memory_space<vmem>>
      %dma_start3A_160 = tpu.memref_squeeze %dma_start3A_159 : memref<1x128xf32, #tpu.memory_space<vmem>> -> memref<128xf32, #tpu.memory_space<vmem>>
      %dma_start3A_161 = tpu.memref_slice %arg10[%run_scoped3A_107, %mul3A_106] : memref<16x2048xf32, #tpu.memory_space<vmem_shared>> -> memref<1x128xf32, #tpu.memory_space<vmem_shared>>
      %dma_start3A_162 = tpu.memref_squeeze %dma_start3A_161 : memref<1x128xf32, #tpu.memory_space<vmem_shared>> -> memref<128xf32, #tpu.memory_space<vmem_shared>>
      %dma_start3A_163 = arith.constant 640 : i32
      %dma_start3A_164 = tpu.memref_slice %arg5[%run_scoped3A_108, %dma_start3A_163] : memref<8x4096xf32, #tpu.memory_space<vmem>> -> memref<1x128xf32, #tpu.memory_space<vmem>>
      %dma_start3A_165 = tpu.memref_squeeze %dma_start3A_164 : memref<1x128xf32, #tpu.memory_space<vmem>> -> memref<128xf32, #tpu.memory_space<vmem>>
      %dma_start3A_166 = tpu.memref_slice %arg10[%run_scoped3A_107, %mul3A_106] : memref<16x2048xf32, #tpu.memory_space<vmem_shared>> -> memref<1x128xf32, #tpu.memory_space<vmem_shared>>
      %dma_start3A_167 = tpu.memref_squeeze %dma_start3A_166 : memref<1x128xf32, #tpu.memory_space<vmem_shared>> -> memref<128xf32, #tpu.memory_space<vmem_shared>>
      tpu.enqueue_dma source(%dma_start3A_167 : memref<128xf32, #tpu.memory_space<vmem_shared>>) target(%dma_start3A_165 : memref<128xf32, #tpu.memory_space<vmem>>) target_semaphore(%run_scoped3A_157 : memref<!tpu.dma_semaphore, #tpu.memory_space<semaphore_mem>>)
      %dma_wait3A = arith.constant 640 : i32
      %dma_wait3A_168 = tpu.memref_slice %arg5[%run_scoped3A_108, %dma_wait3A] : memref<8x4096xf32, #tpu.memory_space<vmem>> -> memref<1x128xf32, #tpu.memory_space<vmem>>
      %dma_wait3A_169 = tpu.memref_squeeze %dma_wait3A_168 : memref<1x128xf32, #tpu.memory_space<vmem>> -> memref<128xf32, #tpu.memory_space<vmem>>
      %dma_wait3A_170 = tpu.memref_slice %arg10[%run_scoped3A_107, %mul3A_106] : memref<16x2048xf32, #tpu.memory_space<vmem_shared>> -> memref<1x128xf32, #tpu.memory_space<vmem_shared>>
      %dma_wait3A_171 = tpu.memref_squeeze %dma_wait3A_170 : memref<1x128xf32, #tpu.memory_space<vmem_shared>> -> memref<128xf32, #tpu.memory_space<vmem_shared>>
      %dma_wait3A_172 = arith.constant 640 : i32
      %dma_wait3A_173 = tpu.memref_slice %arg5[%run_scoped3A_108, %dma_wait3A_172] : memref<8x4096xf32, #tpu.memory_space<vmem>> -> memref<1x128xf32, #tpu.memory_space<vmem>>
      %dma_wait3A_174 = tpu.memref_squeeze %dma_wait3A_173 : memref<1x128xf32, #tpu.memory_space<vmem>> -> memref<128xf32, #tpu.memory_space<vmem>>
      %dma_wait3A_175 = tpu.memref_slice %arg10[%run_scoped3A_107, %mul3A_106] : memref<16x2048xf32, #tpu.memory_space<vmem_shared>> -> memref<1x128xf32, #tpu.memory_space<vmem_shared>>
      %dma_wait3A_176 = tpu.memref_squeeze %dma_wait3A_175 : memref<1x128xf32, #tpu.memory_space<vmem_shared>> -> memref<128xf32, #tpu.memory_space<vmem_shared>>
      tpu.wait_dma2 semaphore(%run_scoped3A_157 : memref<!tpu.dma_semaphore, #tpu.memory_space<semaphore_mem>>) src(%dma_wait3A_176 : memref<128xf32, #tpu.memory_space<vmem_shared>>) dst(%dma_wait3A_174 : memref<128xf32, #tpu.memory_space<vmem>>)
      tpu.yield
    }) : () -> ()
    %mul3A_109 = arith.constant 128 : i32
    %mul3A_110 = arith.muli %arg1, %mul3A_109 : i32
    %run_scoped3A_111 = arith.constant 6 : i32
    %run_scoped3A_112 = arith.constant 0 : i32
    "tpu.region"() ({
      %run_scoped3A_157 = tpu.sem_alloc : memref<!tpu.dma_semaphore, #tpu.memory_space<semaphore_mem>>
      %dma_start3A_158 = arith.constant 768 : i32
      %dma_start3A_159 = tpu.memref_slice %arg5[%run_scoped3A_112, %dma_start3A_158] : memref<8x4096xf32, #tpu.memory_space<vmem>> -> memref<1x128xf32, #tpu.memory_space<vmem>>
      %dma_start3A_160 = tpu.memref_squeeze %dma_start3A_159 : memref<1x128xf32, #tpu.memory_space<vmem>> -> memref<128xf32, #tpu.memory_space<vmem>>
      %dma_start3A_161 = tpu.memref_slice %arg10[%run_scoped3A_111, %mul3A_110] : memref<16x2048xf32, #tpu.memory_space<vmem_shared>> -> memref<1x128xf32, #tpu.memory_space<vmem_shared>>
      %dma_start3A_162 = tpu.memref_squeeze %dma_start3A_161 : memref<1x128xf32, #tpu.memory_space<vmem_shared>> -> memref<128xf32, #tpu.memory_space<vmem_shared>>
      %dma_start3A_163 = arith.constant 768 : i32
      %dma_start3A_164 = tpu.memref_slice %arg5[%run_scoped3A_112, %dma_start3A_163] : memref<8x4096xf32, #tpu.memory_space<vmem>> -> memref<1x128xf32, #tpu.memory_space<vmem>>
      %dma_start3A_165 = tpu.memref_squeeze %dma_start3A_164 : memref<1x128xf32, #tpu.memory_space<vmem>> -> memref<128xf32, #tpu.memory_space<vmem>>
      %dma_start3A_166 = tpu.memref_slice %arg10[%run_scoped3A_111, %mul3A_110] : memref<16x2048xf32, #tpu.memory_space<vmem_shared>> -> memref<1x128xf32, #tpu.memory_space<vmem_shared>>
      %dma_start3A_167 = tpu.memref_squeeze %dma_start3A_166 : memref<1x128xf32, #tpu.memory_space<vmem_shared>> -> memref<128xf32, #tpu.memory_space<vmem_shared>>
      tpu.enqueue_dma source(%dma_start3A_167 : memref<128xf32, #tpu.memory_space<vmem_shared>>) target(%dma_start3A_165 : memref<128xf32, #tpu.memory_space<vmem>>) target_semaphore(%run_scoped3A_157 : memref<!tpu.dma_semaphore, #tpu.memory_space<semaphore_mem>>)
      %dma_wait3A = arith.constant 768 : i32
      %dma_wait3A_168 = tpu.memref_slice %arg5[%run_scoped3A_112, %dma_wait3A] : memref<8x4096xf32, #tpu.memory_space<vmem>> -> memref<1x128xf32, #tpu.memory_space<vmem>>
      %dma_wait3A_169 = tpu.memref_squeeze %dma_wait3A_168 : memref<1x128xf32, #tpu.memory_space<vmem>> -> memref<128xf32, #tpu.memory_space<vmem>>
      %dma_wait3A_170 = tpu.memref_slice %arg10[%run_scoped3A_111, %mul3A_110] : memref<16x2048xf32, #tpu.memory_space<vmem_shared>> -> memref<1x128xf32, #tpu.memory_space<vmem_shared>>
      %dma_wait3A_171 = tpu.memref_squeeze %dma_wait3A_170 : memref<1x128xf32, #tpu.memory_space<vmem_shared>> -> memref<128xf32, #tpu.memory_space<vmem_shared>>
      %dma_wait3A_172 = arith.constant 768 : i32
      %dma_wait3A_173 = tpu.memref_slice %arg5[%run_scoped3A_112, %dma_wait3A_172] : memref<8x4096xf32, #tpu.memory_space<vmem>> -> memref<1x128xf32, #tpu.memory_space<vmem>>
      %dma_wait3A_174 = tpu.memref_squeeze %dma_wait3A_173 : memref<1x128xf32, #tpu.memory_space<vmem>> -> memref<128xf32, #tpu.memory_space<vmem>>
      %dma_wait3A_175 = tpu.memref_slice %arg10[%run_scoped3A_111, %mul3A_110] : memref<16x2048xf32, #tpu.memory_space<vmem_shared>> -> memref<1x128xf32, #tpu.memory_space<vmem_shared>>
      %dma_wait3A_176 = tpu.memref_squeeze %dma_wait3A_175 : memref<1x128xf32, #tpu.memory_space<vmem_shared>> -> memref<128xf32, #tpu.memory_space<vmem_shared>>
      tpu.wait_dma2 semaphore(%run_scoped3A_157 : memref<!tpu.dma_semaphore, #tpu.memory_space<semaphore_mem>>) src(%dma_wait3A_176 : memref<128xf32, #tpu.memory_space<vmem_shared>>) dst(%dma_wait3A_174 : memref<128xf32, #tpu.memory_space<vmem>>)
      tpu.yield
    }) : () -> ()
    %mul3A_113 = arith.constant 128 : i32
    %mul3A_114 = arith.muli %arg1, %mul3A_113 : i32
    %run_scoped3A_115 = arith.constant 7 : i32
    %run_scoped3A_116 = arith.constant 0 : i32
    "tpu.region"() ({
      %run_scoped3A_157 = tpu.sem_alloc : memref<!tpu.dma_semaphore, #tpu.memory_space<semaphore_mem>>
      %dma_start3A_158 = arith.constant 896 : i32
      %dma_start3A_159 = tpu.memref_slice %arg5[%run_scoped3A_116, %dma_start3A_158] : memref<8x4096xf32, #tpu.memory_space<vmem>> -> memref<1x128xf32, #tpu.memory_space<vmem>>
      %dma_start3A_160 = tpu.memref_squeeze %dma_start3A_159 : memref<1x128xf32, #tpu.memory_space<vmem>> -> memref<128xf32, #tpu.memory_space<vmem>>
      %dma_start3A_161 = tpu.memref_slice %arg10[%run_scoped3A_115, %mul3A_114] : memref<16x2048xf32, #tpu.memory_space<vmem_shared>> -> memref<1x128xf32, #tpu.memory_space<vmem_shared>>
      %dma_start3A_162 = tpu.memref_squeeze %dma_start3A_161 : memref<1x128xf32, #tpu.memory_space<vmem_shared>> -> memref<128xf32, #tpu.memory_space<vmem_shared>>
      %dma_start3A_163 = arith.constant 896 : i32
      %dma_start3A_164 = tpu.memref_slice %arg5[%run_scoped3A_116, %dma_start3A_163] : memref<8x4096xf32, #tpu.memory_space<vmem>> -> memref<1x128xf32, #tpu.memory_space<vmem>>
      %dma_start3A_165 = tpu.memref_squeeze %dma_start3A_164 : memref<1x128xf32, #tpu.memory_space<vmem>> -> memref<128xf32, #tpu.memory_space<vmem>>
      %dma_start3A_166 = tpu.memref_slice %arg10[%run_scoped3A_115, %mul3A_114] : memref<16x2048xf32, #tpu.memory_space<vmem_shared>> -> memref<1x128xf32, #tpu.memory_space<vmem_shared>>
      %dma_start3A_167 = tpu.memref_squeeze %dma_start3A_166 : memref<1x128xf32, #tpu.memory_space<vmem_shared>> -> memref<128xf32, #tpu.memory_space<vmem_shared>>
      tpu.enqueue_dma source(%dma_start3A_167 : memref<128xf32, #tpu.memory_space<vmem_shared>>) target(%dma_start3A_165 : memref<128xf32, #tpu.memory_space<vmem>>) target_semaphore(%run_scoped3A_157 : memref<!tpu.dma_semaphore, #tpu.memory_space<semaphore_mem>>)
      %dma_wait3A = arith.constant 896 : i32
      %dma_wait3A_168 = tpu.memref_slice %arg5[%run_scoped3A_116, %dma_wait3A] : memref<8x4096xf32, #tpu.memory_space<vmem>> -> memref<1x128xf32, #tpu.memory_space<vmem>>
      %dma_wait3A_169 = tpu.memref_squeeze %dma_wait3A_168 : memref<1x128xf32, #tpu.memory_space<vmem>> -> memref<128xf32, #tpu.memory_space<vmem>>
      %dma_wait3A_170 = tpu.memref_slice %arg10[%run_scoped3A_115, %mul3A_114] : memref<16x2048xf32, #tpu.memory_space<vmem_shared>> -> memref<1x128xf32, #tpu.memory_space<vmem_shared>>
      %dma_wait3A_171 = tpu.memref_squeeze %dma_wait3A_170 : memref<1x128xf32, #tpu.memory_space<vmem_shared>> -> memref<128xf32, #tpu.memory_space<vmem_shared>>
      %dma_wait3A_172 = arith.constant 896 : i32
      %dma_wait3A_173 = tpu.memref_slice %arg5[%run_scoped3A_116, %dma_wait3A_172] : memref<8x4096xf32, #tpu.memory_space<vmem>> -> memref<1x128xf32, #tpu.memory_space<vmem>>
      %dma_wait3A_174 = tpu.memref_squeeze %dma_wait3A_173 : memref<1x128xf32, #tpu.memory_space<vmem>> -> memref<128xf32, #tpu.memory_space<vmem>>
      %dma_wait3A_175 = tpu.memref_slice %arg10[%run_scoped3A_115, %mul3A_114] : memref<16x2048xf32, #tpu.memory_space<vmem_shared>> -> memref<1x128xf32, #tpu.memory_space<vmem_shared>>
      %dma_wait3A_176 = tpu.memref_squeeze %dma_wait3A_175 : memref<1x128xf32, #tpu.memory_space<vmem_shared>> -> memref<128xf32, #tpu.memory_space<vmem_shared>>
      tpu.wait_dma2 semaphore(%run_scoped3A_157 : memref<!tpu.dma_semaphore, #tpu.memory_space<semaphore_mem>>) src(%dma_wait3A_176 : memref<128xf32, #tpu.memory_space<vmem_shared>>) dst(%dma_wait3A_174 : memref<128xf32, #tpu.memory_space<vmem>>)
      tpu.yield
    }) : () -> ()
    %mul3A_117 = arith.constant 128 : i32
    %mul3A_118 = arith.muli %arg1, %mul3A_117 : i32
    %run_scoped3A_119 = arith.constant 8 : i32
    %run_scoped3A_120 = arith.constant 0 : i32
    "tpu.region"() ({
      %run_scoped3A_157 = tpu.sem_alloc : memref<!tpu.dma_semaphore, #tpu.memory_space<semaphore_mem>>
      %dma_start3A_158 = arith.constant 1024 : i32
      %dma_start3A_159 = tpu.memref_slice %arg5[%run_scoped3A_120, %dma_start3A_158] : memref<8x4096xf32, #tpu.memory_space<vmem>> -> memref<1x128xf32, #tpu.memory_space<vmem>>
      %dma_start3A_160 = tpu.memref_squeeze %dma_start3A_159 : memref<1x128xf32, #tpu.memory_space<vmem>> -> memref<128xf32, #tpu.memory_space<vmem>>
      %dma_start3A_161 = tpu.memref_slice %arg10[%run_scoped3A_119, %mul3A_118] : memref<16x2048xf32, #tpu.memory_space<vmem_shared>> -> memref<1x128xf32, #tpu.memory_space<vmem_shared>>
      %dma_start3A_162 = tpu.memref_squeeze %dma_start3A_161 : memref<1x128xf32, #tpu.memory_space<vmem_shared>> -> memref<128xf32, #tpu.memory_space<vmem_shared>>
      %dma_start3A_163 = arith.constant 1024 : i32
      %dma_start3A_164 = tpu.memref_slice %arg5[%run_scoped3A_120, %dma_start3A_163] : memref<8x4096xf32, #tpu.memory_space<vmem>> -> memref<1x128xf32, #tpu.memory_space<vmem>>
      %dma_start3A_165 = tpu.memref_squeeze %dma_start3A_164 : memref<1x128xf32, #tpu.memory_space<vmem>> -> memref<128xf32, #tpu.memory_space<vmem>>
      %dma_start3A_166 = tpu.memref_slice %arg10[%run_scoped3A_119, %mul3A_118] : memref<16x2048xf32, #tpu.memory_space<vmem_shared>> -> memref<1x128xf32, #tpu.memory_space<vmem_shared>>
      %dma_start3A_167 = tpu.memref_squeeze %dma_start3A_166 : memref<1x128xf32, #tpu.memory_space<vmem_shared>> -> memref<128xf32, #tpu.memory_space<vmem_shared>>
      tpu.enqueue_dma source(%dma_start3A_167 : memref<128xf32, #tpu.memory_space<vmem_shared>>) target(%dma_start3A_165 : memref<128xf32, #tpu.memory_space<vmem>>) target_semaphore(%run_scoped3A_157 : memref<!tpu.dma_semaphore, #tpu.memory_space<semaphore_mem>>)
      %dma_wait3A = arith.constant 1024 : i32
      %dma_wait3A_168 = tpu.memref_slice %arg5[%run_scoped3A_120, %dma_wait3A] : memref<8x4096xf32, #tpu.memory_space<vmem>> -> memref<1x128xf32, #tpu.memory_space<vmem>>
      %dma_wait3A_169 = tpu.memref_squeeze %dma_wait3A_168 : memref<1x128xf32, #tpu.memory_space<vmem>> -> memref<128xf32, #tpu.memory_space<vmem>>
      %dma_wait3A_170 = tpu.memref_slice %arg10[%run_scoped3A_119, %mul3A_118] : memref<16x2048xf32, #tpu.memory_space<vmem_shared>> -> memref<1x128xf32, #tpu.memory_space<vmem_shared>>
      %dma_wait3A_171 = tpu.memref_squeeze %dma_wait3A_170 : memref<1x128xf32, #tpu.memory_space<vmem_shared>> -> memref<128xf32, #tpu.memory_space<vmem_shared>>
      %dma_wait3A_172 = arith.constant 1024 : i32
      %dma_wait3A_173 = tpu.memref_slice %arg5[%run_scoped3A_120, %dma_wait3A_172] : memref<8x4096xf32, #tpu.memory_space<vmem>> -> memref<1x128xf32, #tpu.memory_space<vmem>>
      %dma_wait3A_174 = tpu.memref_squeeze %dma_wait3A_173 : memref<1x128xf32, #tpu.memory_space<vmem>> -> memref<128xf32, #tpu.memory_space<vmem>>
      %dma_wait3A_175 = tpu.memref_slice %arg10[%run_scoped3A_119, %mul3A_118] : memref<16x2048xf32, #tpu.memory_space<vmem_shared>> -> memref<1x128xf32, #tpu.memory_space<vmem_shared>>
      %dma_wait3A_176 = tpu.memref_squeeze %dma_wait3A_175 : memref<1x128xf32, #tpu.memory_space<vmem_shared>> -> memref<128xf32, #tpu.memory_space<vmem_shared>>
      tpu.wait_dma2 semaphore(%run_scoped3A_157 : memref<!tpu.dma_semaphore, #tpu.memory_space<semaphore_mem>>) src(%dma_wait3A_176 : memref<128xf32, #tpu.memory_space<vmem_shared>>) dst(%dma_wait3A_174 : memref<128xf32, #tpu.memory_space<vmem>>)
      tpu.yield
    }) : () -> ()
    %mul3A_121 = arith.constant 128 : i32
    %mul3A_122 = arith.muli %arg1, %mul3A_121 : i32
    %run_scoped3A_123 = arith.constant 9 : i32
    %run_scoped3A_124 = arith.constant 0 : i32
    "tpu.region"() ({
      %run_scoped3A_157 = tpu.sem_alloc : memref<!tpu.dma_semaphore, #tpu.memory_space<semaphore_mem>>
      %dma_start3A_158 = arith.constant 1152 : i32
      %dma_start3A_159 = tpu.memref_slice %arg5[%run_scoped3A_124, %dma_start3A_158] : memref<8x4096xf32, #tpu.memory_space<vmem>> -> memref<1x128xf32, #tpu.memory_space<vmem>>
      %dma_start3A_160 = tpu.memref_squeeze %dma_start3A_159 : memref<1x128xf32, #tpu.memory_space<vmem>> -> memref<128xf32, #tpu.memory_space<vmem>>
      %dma_start3A_161 = tpu.memref_slice %arg10[%run_scoped3A_123, %mul3A_122] : memref<16x2048xf32, #tpu.memory_space<vmem_shared>> -> memref<1x128xf32, #tpu.memory_space<vmem_shared>>
      %dma_start3A_162 = tpu.memref_squeeze %dma_start3A_161 : memref<1x128xf32, #tpu.memory_space<vmem_shared>> -> memref<128xf32, #tpu.memory_space<vmem_shared>>
      %dma_start3A_163 = arith.constant 1152 : i32
      %dma_start3A_164 = tpu.memref_slice %arg5[%run_scoped3A_124, %dma_start3A_163] : memref<8x4096xf32, #tpu.memory_space<vmem>> -> memref<1x128xf32, #tpu.memory_space<vmem>>
      %dma_start3A_165 = tpu.memref_squeeze %dma_start3A_164 : memref<1x128xf32, #tpu.memory_space<vmem>> -> memref<128xf32, #tpu.memory_space<vmem>>
      %dma_start3A_166 = tpu.memref_slice %arg10[%run_scoped3A_123, %mul3A_122] : memref<16x2048xf32, #tpu.memory_space<vmem_shared>> -> memref<1x128xf32, #tpu.memory_space<vmem_shared>>
      %dma_start3A_167 = tpu.memref_squeeze %dma_start3A_166 : memref<1x128xf32, #tpu.memory_space<vmem_shared>> -> memref<128xf32, #tpu.memory_space<vmem_shared>>
      tpu.enqueue_dma source(%dma_start3A_167 : memref<128xf32, #tpu.memory_space<vmem_shared>>) target(%dma_start3A_165 : memref<128xf32, #tpu.memory_space<vmem>>) target_semaphore(%run_scoped3A_157 : memref<!tpu.dma_semaphore, #tpu.memory_space<semaphore_mem>>)
      %dma_wait3A = arith.constant 1152 : i32
      %dma_wait3A_168 = tpu.memref_slice %arg5[%run_scoped3A_124, %dma_wait3A] : memref<8x4096xf32, #tpu.memory_space<vmem>> -> memref<1x128xf32, #tpu.memory_space<vmem>>
      %dma_wait3A_169 = tpu.memref_squeeze %dma_wait3A_168 : memref<1x128xf32, #tpu.memory_space<vmem>> -> memref<128xf32, #tpu.memory_space<vmem>>
      %dma_wait3A_170 = tpu.memref_slice %arg10[%run_scoped3A_123, %mul3A_122] : memref<16x2048xf32, #tpu.memory_space<vmem_shared>> -> memref<1x128xf32, #tpu.memory_space<vmem_shared>>
      %dma_wait3A_171 = tpu.memref_squeeze %dma_wait3A_170 : memref<1x128xf32, #tpu.memory_space<vmem_shared>> -> memref<128xf32, #tpu.memory_space<vmem_shared>>
      %dma_wait3A_172 = arith.constant 1152 : i32
      %dma_wait3A_173 = tpu.memref_slice %arg5[%run_scoped3A_124, %dma_wait3A_172] : memref<8x4096xf32, #tpu.memory_space<vmem>> -> memref<1x128xf32, #tpu.memory_space<vmem>>
      %dma_wait3A_174 = tpu.memref_squeeze %dma_wait3A_173 : memref<1x128xf32, #tpu.memory_space<vmem>> -> memref<128xf32, #tpu.memory_space<vmem>>
      %dma_wait3A_175 = tpu.memref_slice %arg10[%run_scoped3A_123, %mul3A_122] : memref<16x2048xf32, #tpu.memory_space<vmem_shared>> -> memref<1x128xf32, #tpu.memory_space<vmem_shared>>
      %dma_wait3A_176 = tpu.memref_squeeze %dma_wait3A_175 : memref<1x128xf32, #tpu.memory_space<vmem_shared>> -> memref<128xf32, #tpu.memory_space<vmem_shared>>
      tpu.wait_dma2 semaphore(%run_scoped3A_157 : memref<!tpu.dma_semaphore, #tpu.memory_space<semaphore_mem>>) src(%dma_wait3A_176 : memref<128xf32, #tpu.memory_space<vmem_shared>>) dst(%dma_wait3A_174 : memref<128xf32, #tpu.memory_space<vmem>>)
      tpu.yield
    }) : () -> ()
    %mul3A_125 = arith.constant 128 : i32
    %mul3A_126 = arith.muli %arg1, %mul3A_125 : i32
    %run_scoped3A_127 = arith.constant 10 : i32
    %run_scoped3A_128 = arith.constant 0 : i32
    "tpu.region"() ({
      %run_scoped3A_157 = tpu.sem_alloc : memref<!tpu.dma_semaphore, #tpu.memory_space<semaphore_mem>>
      %dma_start3A_158 = arith.constant 1280 : i32
      %dma_start3A_159 = tpu.memref_slice %arg5[%run_scoped3A_128, %dma_start3A_158] : memref<8x4096xf32, #tpu.memory_space<vmem>> -> memref<1x128xf32, #tpu.memory_space<vmem>>
      %dma_start3A_160 = tpu.memref_squeeze %dma_start3A_159 : memref<1x128xf32, #tpu.memory_space<vmem>> -> memref<128xf32, #tpu.memory_space<vmem>>
      %dma_start3A_161 = tpu.memref_slice %arg10[%run_scoped3A_127, %mul3A_126] : memref<16x2048xf32, #tpu.memory_space<vmem_shared>> -> memref<1x128xf32, #tpu.memory_space<vmem_shared>>
      %dma_start3A_162 = tpu.memref_squeeze %dma_start3A_161 : memref<1x128xf32, #tpu.memory_space<vmem_shared>> -> memref<128xf32, #tpu.memory_space<vmem_shared>>
      %dma_start3A_163 = arith.constant 1280 : i32
      %dma_start3A_164 = tpu.memref_slice %arg5[%run_scoped3A_128, %dma_start3A_163] : memref<8x4096xf32, #tpu.memory_space<vmem>> -> memref<1x128xf32, #tpu.memory_space<vmem>>
      %dma_start3A_165 = tpu.memref_squeeze %dma_start3A_164 : memref<1x128xf32, #tpu.memory_space<vmem>> -> memref<128xf32, #tpu.memory_space<vmem>>
      %dma_start3A_166 = tpu.memref_slice %arg10[%run_scoped3A_127, %mul3A_126] : memref<16x2048xf32, #tpu.memory_space<vmem_shared>> -> memref<1x128xf32, #tpu.memory_space<vmem_shared>>
      %dma_start3A_167 = tpu.memref_squeeze %dma_start3A_166 : memref<1x128xf32, #tpu.memory_space<vmem_shared>> -> memref<128xf32, #tpu.memory_space<vmem_shared>>
      tpu.enqueue_dma source(%dma_start3A_167 : memref<128xf32, #tpu.memory_space<vmem_shared>>) target(%dma_start3A_165 : memref<128xf32, #tpu.memory_space<vmem>>) target_semaphore(%run_scoped3A_157 : memref<!tpu.dma_semaphore, #tpu.memory_space<semaphore_mem>>)
      %dma_wait3A = arith.constant 1280 : i32
      %dma_wait3A_168 = tpu.memref_slice %arg5[%run_scoped3A_128, %dma_wait3A] : memref<8x4096xf32, #tpu.memory_space<vmem>> -> memref<1x128xf32, #tpu.memory_space<vmem>>
      %dma_wait3A_169 = tpu.memref_squeeze %dma_wait3A_168 : memref<1x128xf32, #tpu.memory_space<vmem>> -> memref<128xf32, #tpu.memory_space<vmem>>
      %dma_wait3A_170 = tpu.memref_slice %arg10[%run_scoped3A_127, %mul3A_126] : memref<16x2048xf32, #tpu.memory_space<vmem_shared>> -> memref<1x128xf32, #tpu.memory_space<vmem_shared>>
      %dma_wait3A_171 = tpu.memref_squeeze %dma_wait3A_170 : memref<1x128xf32, #tpu.memory_space<vmem_shared>> -> memref<128xf32, #tpu.memory_space<vmem_shared>>
      %dma_wait3A_172 = arith.constant 1280 : i32
      %dma_wait3A_173 = tpu.memref_slice %arg5[%run_scoped3A_128, %dma_wait3A_172] : memref<8x4096xf32, #tpu.memory_space<vmem>> -> memref<1x128xf32, #tpu.memory_space<vmem>>
      %dma_wait3A_174 = tpu.memref_squeeze %dma_wait3A_173 : memref<1x128xf32, #tpu.memory_space<vmem>> -> memref<128xf32, #tpu.memory_space<vmem>>
      %dma_wait3A_175 = tpu.memref_slice %arg10[%run_scoped3A_127, %mul3A_126] : memref<16x2048xf32, #tpu.memory_space<vmem_shared>> -> memref<1x128xf32, #tpu.memory_space<vmem_shared>>
      %dma_wait3A_176 = tpu.memref_squeeze %dma_wait3A_175 : memref<1x128xf32, #tpu.memory_space<vmem_shared>> -> memref<128xf32, #tpu.memory_space<vmem_shared>>
      tpu.wait_dma2 semaphore(%run_scoped3A_157 : memref<!tpu.dma_semaphore, #tpu.memory_space<semaphore_mem>>) src(%dma_wait3A_176 : memref<128xf32, #tpu.memory_space<vmem_shared>>) dst(%dma_wait3A_174 : memref<128xf32, #tpu.memory_space<vmem>>)
      tpu.yield
    }) : () -> ()
    %mul3A_129 = arith.constant 128 : i32
    %mul3A_130 = arith.muli %arg1, %mul3A_129 : i32
    %run_scoped3A_131 = arith.constant 11 : i32
    %run_scoped3A_132 = arith.constant 0 : i32
    "tpu.region"() ({
      %run_scoped3A_157 = tpu.sem_alloc : memref<!tpu.dma_semaphore, #tpu.memory_space<semaphore_mem>>
      %dma_start3A_158 = arith.constant 1408 : i32
      %dma_start3A_159 = tpu.memref_slice %arg5[%run_scoped3A_132, %dma_start3A_158] : memref<8x4096xf32, #tpu.memory_space<vmem>> -> memref<1x128xf32, #tpu.memory_space<vmem>>
      %dma_start3A_160 = tpu.memref_squeeze %dma_start3A_159 : memref<1x128xf32, #tpu.memory_space<vmem>> -> memref<128xf32, #tpu.memory_space<vmem>>
      %dma_start3A_161 = tpu.memref_slice %arg10[%run_scoped3A_131, %mul3A_130] : memref<16x2048xf32, #tpu.memory_space<vmem_shared>> -> memref<1x128xf32, #tpu.memory_space<vmem_shared>>
      %dma_start3A_162 = tpu.memref_squeeze %dma_start3A_161 : memref<1x128xf32, #tpu.memory_space<vmem_shared>> -> memref<128xf32, #tpu.memory_space<vmem_shared>>
      %dma_start3A_163 = arith.constant 1408 : i32
      %dma_start3A_164 = tpu.memref_slice %arg5[%run_scoped3A_132, %dma_start3A_163] : memref<8x4096xf32, #tpu.memory_space<vmem>> -> memref<1x128xf32, #tpu.memory_space<vmem>>
      %dma_start3A_165 = tpu.memref_squeeze %dma_start3A_164 : memref<1x128xf32, #tpu.memory_space<vmem>> -> memref<128xf32, #tpu.memory_space<vmem>>
      %dma_start3A_166 = tpu.memref_slice %arg10[%run_scoped3A_131, %mul3A_130] : memref<16x2048xf32, #tpu.memory_space<vmem_shared>> -> memref<1x128xf32, #tpu.memory_space<vmem_shared>>
      %dma_start3A_167 = tpu.memref_squeeze %dma_start3A_166 : memref<1x128xf32, #tpu.memory_space<vmem_shared>> -> memref<128xf32, #tpu.memory_space<vmem_shared>>
      tpu.enqueue_dma source(%dma_start3A_167 : memref<128xf32, #tpu.memory_space<vmem_shared>>) target(%dma_start3A_165 : memref<128xf32, #tpu.memory_space<vmem>>) target_semaphore(%run_scoped3A_157 : memref<!tpu.dma_semaphore, #tpu.memory_space<semaphore_mem>>)
      %dma_wait3A = arith.constant 1408 : i32
      %dma_wait3A_168 = tpu.memref_slice %arg5[%run_scoped3A_132, %dma_wait3A] : memref<8x4096xf32, #tpu.memory_space<vmem>> -> memref<1x128xf32, #tpu.memory_space<vmem>>
      %dma_wait3A_169 = tpu.memref_squeeze %dma_wait3A_168 : memref<1x128xf32, #tpu.memory_space<vmem>> -> memref<128xf32, #tpu.memory_space<vmem>>
      %dma_wait3A_170 = tpu.memref_slice %arg10[%run_scoped3A_131, %mul3A_130] : memref<16x2048xf32, #tpu.memory_space<vmem_shared>> -> memref<1x128xf32, #tpu.memory_space<vmem_shared>>
      %dma_wait3A_171 = tpu.memref_squeeze %dma_wait3A_170 : memref<1x128xf32, #tpu.memory_space<vmem_shared>> -> memref<128xf32, #tpu.memory_space<vmem_shared>>
      %dma_wait3A_172 = arith.constant 1408 : i32
      %dma_wait3A_173 = tpu.memref_slice %arg5[%run_scoped3A_132, %dma_wait3A_172] : memref<8x4096xf32, #tpu.memory_space<vmem>> -> memref<1x128xf32, #tpu.memory_space<vmem>>
      %dma_wait3A_174 = tpu.memref_squeeze %dma_wait3A_173 : memref<1x128xf32, #tpu.memory_space<vmem>> -> memref<128xf32, #tpu.memory_space<vmem>>
      %dma_wait3A_175 = tpu.memref_slice %arg10[%run_scoped3A_131, %mul3A_130] : memref<16x2048xf32, #tpu.memory_space<vmem_shared>> -> memref<1x128xf32, #tpu.memory_space<vmem_shared>>
      %dma_wait3A_176 = tpu.memref_squeeze %dma_wait3A_175 : memref<1x128xf32, #tpu.memory_space<vmem_shared>> -> memref<128xf32, #tpu.memory_space<vmem_shared>>
      tpu.wait_dma2 semaphore(%run_scoped3A_157 : memref<!tpu.dma_semaphore, #tpu.memory_space<semaphore_mem>>) src(%dma_wait3A_176 : memref<128xf32, #tpu.memory_space<vmem_shared>>) dst(%dma_wait3A_174 : memref<128xf32, #tpu.memory_space<vmem>>)
      tpu.yield
    }) : () -> ()
    %mul3A_133 = arith.constant 128 : i32
    %mul3A_134 = arith.muli %arg1, %mul3A_133 : i32
    %run_scoped3A_135 = arith.constant 12 : i32
    %run_scoped3A_136 = arith.constant 0 : i32
    "tpu.region"() ({
      %run_scoped3A_157 = tpu.sem_alloc : memref<!tpu.dma_semaphore, #tpu.memory_space<semaphore_mem>>
      %dma_start3A_158 = arith.constant 1536 : i32
      %dma_start3A_159 = tpu.memref_slice %arg5[%run_scoped3A_136, %dma_start3A_158] : memref<8x4096xf32, #tpu.memory_space<vmem>> -> memref<1x128xf32, #tpu.memory_space<vmem>>
      %dma_start3A_160 = tpu.memref_squeeze %dma_start3A_159 : memref<1x128xf32, #tpu.memory_space<vmem>> -> memref<128xf32, #tpu.memory_space<vmem>>
      %dma_start3A_161 = tpu.memref_slice %arg10[%run_scoped3A_135, %mul3A_134] : memref<16x2048xf32, #tpu.memory_space<vmem_shared>> -> memref<1x128xf32, #tpu.memory_space<vmem_shared>>
      %dma_start3A_162 = tpu.memref_squeeze %dma_start3A_161 : memref<1x128xf32, #tpu.memory_space<vmem_shared>> -> memref<128xf32, #tpu.memory_space<vmem_shared>>
      %dma_start3A_163 = arith.constant 1536 : i32
      %dma_start3A_164 = tpu.memref_slice %arg5[%run_scoped3A_136, %dma_start3A_163] : memref<8x4096xf32, #tpu.memory_space<vmem>> -> memref<1x128xf32, #tpu.memory_space<vmem>>
      %dma_start3A_165 = tpu.memref_squeeze %dma_start3A_164 : memref<1x128xf32, #tpu.memory_space<vmem>> -> memref<128xf32, #tpu.memory_space<vmem>>
      %dma_start3A_166 = tpu.memref_slice %arg10[%run_scoped3A_135, %mul3A_134] : memref<16x2048xf32, #tpu.memory_space<vmem_shared>> -> memref<1x128xf32, #tpu.memory_space<vmem_shared>>
      %dma_start3A_167 = tpu.memref_squeeze %dma_start3A_166 : memref<1x128xf32, #tpu.memory_space<vmem_shared>> -> memref<128xf32, #tpu.memory_space<vmem_shared>>
      tpu.enqueue_dma source(%dma_start3A_167 : memref<128xf32, #tpu.memory_space<vmem_shared>>) target(%dma_start3A_165 : memref<128xf32, #tpu.memory_space<vmem>>) target_semaphore(%run_scoped3A_157 : memref<!tpu.dma_semaphore, #tpu.memory_space<semaphore_mem>>)
      %dma_wait3A = arith.constant 1536 : i32
      %dma_wait3A_168 = tpu.memref_slice %arg5[%run_scoped3A_136, %dma_wait3A] : memref<8x4096xf32, #tpu.memory_space<vmem>> -> memref<1x128xf32, #tpu.memory_space<vmem>>
      %dma_wait3A_169 = tpu.memref_squeeze %dma_wait3A_168 : memref<1x128xf32, #tpu.memory_space<vmem>> -> memref<128xf32, #tpu.memory_space<vmem>>
      %dma_wait3A_170 = tpu.memref_slice %arg10[%run_scoped3A_135, %mul3A_134] : memref<16x2048xf32, #tpu.memory_space<vmem_shared>> -> memref<1x128xf32, #tpu.memory_space<vmem_shared>>
      %dma_wait3A_171 = tpu.memref_squeeze %dma_wait3A_170 : memref<1x128xf32, #tpu.memory_space<vmem_shared>> -> memref<128xf32, #tpu.memory_space<vmem_shared>>
      %dma_wait3A_172 = arith.constant 1536 : i32
      %dma_wait3A_173 = tpu.memref_slice %arg5[%run_scoped3A_136, %dma_wait3A_172] : memref<8x4096xf32, #tpu.memory_space<vmem>> -> memref<1x128xf32, #tpu.memory_space<vmem>>
      %dma_wait3A_174 = tpu.memref_squeeze %dma_wait3A_173 : memref<1x128xf32, #tpu.memory_space<vmem>> -> memref<128xf32, #tpu.memory_space<vmem>>
      %dma_wait3A_175 = tpu.memref_slice %arg10[%run_scoped3A_135, %mul3A_134] : memref<16x2048xf32, #tpu.memory_space<vmem_shared>> -> memref<1x128xf32, #tpu.memory_space<vmem_shared>>
      %dma_wait3A_176 = tpu.memref_squeeze %dma_wait3A_175 : memref<1x128xf32, #tpu.memory_space<vmem_shared>> -> memref<128xf32, #tpu.memory_space<vmem_shared>>
      tpu.wait_dma2 semaphore(%run_scoped3A_157 : memref<!tpu.dma_semaphore, #tpu.memory_space<semaphore_mem>>) src(%dma_wait3A_176 : memref<128xf32, #tpu.memory_space<vmem_shared>>) dst(%dma_wait3A_174 : memref<128xf32, #tpu.memory_space<vmem>>)
      tpu.yield
    }) : () -> ()
    %mul3A_137 = arith.constant 128 : i32
    %mul3A_138 = arith.muli %arg1, %mul3A_137 : i32
    %run_scoped3A_139 = arith.constant 13 : i32
    %run_scoped3A_140 = arith.constant 0 : i32
    "tpu.region"() ({
      %run_scoped3A_157 = tpu.sem_alloc : memref<!tpu.dma_semaphore, #tpu.memory_space<semaphore_mem>>
      %dma_start3A_158 = arith.constant 1664 : i32
      %dma_start3A_159 = tpu.memref_slice %arg5[%run_scoped3A_140, %dma_start3A_158] : memref<8x4096xf32, #tpu.memory_space<vmem>> -> memref<1x128xf32, #tpu.memory_space<vmem>>
      %dma_start3A_160 = tpu.memref_squeeze %dma_start3A_159 : memref<1x128xf32, #tpu.memory_space<vmem>> -> memref<128xf32, #tpu.memory_space<vmem>>
      %dma_start3A_161 = tpu.memref_slice %arg10[%run_scoped3A_139, %mul3A_138] : memref<16x2048xf32, #tpu.memory_space<vmem_shared>> -> memref<1x128xf32, #tpu.memory_space<vmem_shared>>
      %dma_start3A_162 = tpu.memref_squeeze %dma_start3A_161 : memref<1x128xf32, #tpu.memory_space<vmem_shared>> -> memref<128xf32, #tpu.memory_space<vmem_shared>>
      %dma_start3A_163 = arith.constant 1664 : i32
      %dma_start3A_164 = tpu.memref_slice %arg5[%run_scoped3A_140, %dma_start3A_163] : memref<8x4096xf32, #tpu.memory_space<vmem>> -> memref<1x128xf32, #tpu.memory_space<vmem>>
      %dma_start3A_165 = tpu.memref_squeeze %dma_start3A_164 : memref<1x128xf32, #tpu.memory_space<vmem>> -> memref<128xf32, #tpu.memory_space<vmem>>
      %dma_start3A_166 = tpu.memref_slice %arg10[%run_scoped3A_139, %mul3A_138] : memref<16x2048xf32, #tpu.memory_space<vmem_shared>> -> memref<1x128xf32, #tpu.memory_space<vmem_shared>>
      %dma_start3A_167 = tpu.memref_squeeze %dma_start3A_166 : memref<1x128xf32, #tpu.memory_space<vmem_shared>> -> memref<128xf32, #tpu.memory_space<vmem_shared>>
      tpu.enqueue_dma source(%dma_start3A_167 : memref<128xf32, #tpu.memory_space<vmem_shared>>) target(%dma_start3A_165 : memref<128xf32, #tpu.memory_space<vmem>>) target_semaphore(%run_scoped3A_157 : memref<!tpu.dma_semaphore, #tpu.memory_space<semaphore_mem>>)
      %dma_wait3A = arith.constant 1664 : i32
      %dma_wait3A_168 = tpu.memref_slice %arg5[%run_scoped3A_140, %dma_wait3A] : memref<8x4096xf32, #tpu.memory_space<vmem>> -> memref<1x128xf32, #tpu.memory_space<vmem>>
      %dma_wait3A_169 = tpu.memref_squeeze %dma_wait3A_168 : memref<1x128xf32, #tpu.memory_space<vmem>> -> memref<128xf32, #tpu.memory_space<vmem>>
      %dma_wait3A_170 = tpu.memref_slice %arg10[%run_scoped3A_139, %mul3A_138] : memref<16x2048xf32, #tpu.memory_space<vmem_shared>> -> memref<1x128xf32, #tpu.memory_space<vmem_shared>>
      %dma_wait3A_171 = tpu.memref_squeeze %dma_wait3A_170 : memref<1x128xf32, #tpu.memory_space<vmem_shared>> -> memref<128xf32, #tpu.memory_space<vmem_shared>>
      %dma_wait3A_172 = arith.constant 1664 : i32
      %dma_wait3A_173 = tpu.memref_slice %arg5[%run_scoped3A_140, %dma_wait3A_172] : memref<8x4096xf32, #tpu.memory_space<vmem>> -> memref<1x128xf32, #tpu.memory_space<vmem>>
      %dma_wait3A_174 = tpu.memref_squeeze %dma_wait3A_173 : memref<1x128xf32, #tpu.memory_space<vmem>> -> memref<128xf32, #tpu.memory_space<vmem>>
      %dma_wait3A_175 = tpu.memref_slice %arg10[%run_scoped3A_139, %mul3A_138] : memref<16x2048xf32, #tpu.memory_space<vmem_shared>> -> memref<1x128xf32, #tpu.memory_space<vmem_shared>>
      %dma_wait3A_176 = tpu.memref_squeeze %dma_wait3A_175 : memref<1x128xf32, #tpu.memory_space<vmem_shared>> -> memref<128xf32, #tpu.memory_space<vmem_shared>>
      tpu.wait_dma2 semaphore(%run_scoped3A_157 : memref<!tpu.dma_semaphore, #tpu.memory_space<semaphore_mem>>) src(%dma_wait3A_176 : memref<128xf32, #tpu.memory_space<vmem_shared>>) dst(%dma_wait3A_174 : memref<128xf32, #tpu.memory_space<vmem>>)
      tpu.yield
    }) : () -> ()
    %mul3A_141 = arith.constant 128 : i32
    %mul3A_142 = arith.muli %arg1, %mul3A_141 : i32
    %run_scoped3A_143 = arith.constant 14 : i32
    %run_scoped3A_144 = arith.constant 0 : i32
    "tpu.region"() ({
      %run_scoped3A_157 = tpu.sem_alloc : memref<!tpu.dma_semaphore, #tpu.memory_space<semaphore_mem>>
      %dma_start3A_158 = arith.constant 1792 : i32
      %dma_start3A_159 = tpu.memref_slice %arg5[%run_scoped3A_144, %dma_start3A_158] : memref<8x4096xf32, #tpu.memory_space<vmem>> -> memref<1x128xf32, #tpu.memory_space<vmem>>
      %dma_start3A_160 = tpu.memref_squeeze %dma_start3A_159 : memref<1x128xf32, #tpu.memory_space<vmem>> -> memref<128xf32, #tpu.memory_space<vmem>>
      %dma_start3A_161 = tpu.memref_slice %arg10[%run_scoped3A_143, %mul3A_142] : memref<16x2048xf32, #tpu.memory_space<vmem_shared>> -> memref<1x128xf32, #tpu.memory_space<vmem_shared>>
      %dma_start3A_162 = tpu.memref_squeeze %dma_start3A_161 : memref<1x128xf32, #tpu.memory_space<vmem_shared>> -> memref<128xf32, #tpu.memory_space<vmem_shared>>
      %dma_start3A_163 = arith.constant 1792 : i32
      %dma_start3A_164 = tpu.memref_slice %arg5[%run_scoped3A_144, %dma_start3A_163] : memref<8x4096xf32, #tpu.memory_space<vmem>> -> memref<1x128xf32, #tpu.memory_space<vmem>>
      %dma_start3A_165 = tpu.memref_squeeze %dma_start3A_164 : memref<1x128xf32, #tpu.memory_space<vmem>> -> memref<128xf32, #tpu.memory_space<vmem>>
      %dma_start3A_166 = tpu.memref_slice %arg10[%run_scoped3A_143, %mul3A_142] : memref<16x2048xf32, #tpu.memory_space<vmem_shared>> -> memref<1x128xf32, #tpu.memory_space<vmem_shared>>
      %dma_start3A_167 = tpu.memref_squeeze %dma_start3A_166 : memref<1x128xf32, #tpu.memory_space<vmem_shared>> -> memref<128xf32, #tpu.memory_space<vmem_shared>>
      tpu.enqueue_dma source(%dma_start3A_167 : memref<128xf32, #tpu.memory_space<vmem_shared>>) target(%dma_start3A_165 : memref<128xf32, #tpu.memory_space<vmem>>) target_semaphore(%run_scoped3A_157 : memref<!tpu.dma_semaphore, #tpu.memory_space<semaphore_mem>>)
      %dma_wait3A = arith.constant 1792 : i32
      %dma_wait3A_168 = tpu.memref_slice %arg5[%run_scoped3A_144, %dma_wait3A] : memref<8x4096xf32, #tpu.memory_space<vmem>> -> memref<1x128xf32, #tpu.memory_space<vmem>>
      %dma_wait3A_169 = tpu.memref_squeeze %dma_wait3A_168 : memref<1x128xf32, #tpu.memory_space<vmem>> -> memref<128xf32, #tpu.memory_space<vmem>>
      %dma_wait3A_170 = tpu.memref_slice %arg10[%run_scoped3A_143, %mul3A_142] : memref<16x2048xf32, #tpu.memory_space<vmem_shared>> -> memref<1x128xf32, #tpu.memory_space<vmem_shared>>
      %dma_wait3A_171 = tpu.memref_squeeze %dma_wait3A_170 : memref<1x128xf32, #tpu.memory_space<vmem_shared>> -> memref<128xf32, #tpu.memory_space<vmem_shared>>
      %dma_wait3A_172 = arith.constant 1792 : i32
      %dma_wait3A_173 = tpu.memref_slice %arg5[%run_scoped3A_144, %dma_wait3A_172] : memref<8x4096xf32, #tpu.memory_space<vmem>> -> memref<1x128xf32, #tpu.memory_space<vmem>>
      %dma_wait3A_174 = tpu.memref_squeeze %dma_wait3A_173 : memref<1x128xf32, #tpu.memory_space<vmem>> -> memref<128xf32, #tpu.memory_space<vmem>>
      %dma_wait3A_175 = tpu.memref_slice %arg10[%run_scoped3A_143, %mul3A_142] : memref<16x2048xf32, #tpu.memory_space<vmem_shared>> -> memref<1x128xf32, #tpu.memory_space<vmem_shared>>
      %dma_wait3A_176 = tpu.memref_squeeze %dma_wait3A_175 : memref<1x128xf32, #tpu.memory_space<vmem_shared>> -> memref<128xf32, #tpu.memory_space<vmem_shared>>
      tpu.wait_dma2 semaphore(%run_scoped3A_157 : memref<!tpu.dma_semaphore, #tpu.memory_space<semaphore_mem>>) src(%dma_wait3A_176 : memref<128xf32, #tpu.memory_space<vmem_shared>>) dst(%dma_wait3A_174 : memref<128xf32, #tpu.memory_space<vmem>>)
      tpu.yield
    }) : () -> ()
    %mul3A_145 = arith.constant 128 : i32
    %mul3A_146 = arith.muli %arg1, %mul3A_145 : i32
    %run_scoped3A_147 = arith.constant 15 : i32
    %run_scoped3A_148 = arith.constant 0 : i32
    "tpu.region"() ({
      %run_scoped3A_157 = tpu.sem_alloc : memref<!tpu.dma_semaphore, #tpu.memory_space<semaphore_mem>>
      %dma_start3A_158 = arith.constant 1920 : i32
      %dma_start3A_159 = tpu.memref_slice %arg5[%run_scoped3A_148, %dma_start3A_158] : memref<8x4096xf32, #tpu.memory_space<vmem>> -> memref<1x128xf32, #tpu.memory_space<vmem>>
      %dma_start3A_160 = tpu.memref_squeeze %dma_start3A_159 : memref<1x128xf32, #tpu.memory_space<vmem>> -> memref<128xf32, #tpu.memory_space<vmem>>
      %dma_start3A_161 = tpu.memref_slice %arg10[%run_scoped3A_147, %mul3A_146] : memref<16x2048xf32, #tpu.memory_space<vmem_shared>> -> memref<1x128xf32, #tpu.memory_space<vmem_shared>>
      %dma_start3A_162 = tpu.memref_squeeze %dma_start3A_161 : memref<1x128xf32, #tpu.memory_space<vmem_shared>> -> memref<128xf32, #tpu.memory_space<vmem_shared>>
      %dma_start3A_163 = arith.constant 1920 : i32
      %dma_start3A_164 = tpu.memref_slice %arg5[%run_scoped3A_148, %dma_start3A_163] : memref<8x4096xf32, #tpu.memory_space<vmem>> -> memref<1x128xf32, #tpu.memory_space<vmem>>
      %dma_start3A_165 = tpu.memref_squeeze %dma_start3A_164 : memref<1x128xf32, #tpu.memory_space<vmem>> -> memref<128xf32, #tpu.memory_space<vmem>>
      %dma_start3A_166 = tpu.memref_slice %arg10[%run_scoped3A_147, %mul3A_146] : memref<16x2048xf32, #tpu.memory_space<vmem_shared>> -> memref<1x128xf32, #tpu.memory_space<vmem_shared>>
      %dma_start3A_167 = tpu.memref_squeeze %dma_start3A_166 : memref<1x128xf32, #tpu.memory_space<vmem_shared>> -> memref<128xf32, #tpu.memory_space<vmem_shared>>
      tpu.enqueue_dma source(%dma_start3A_167 : memref<128xf32, #tpu.memory_space<vmem_shared>>) target(%dma_start3A_165 : memref<128xf32, #tpu.memory_space<vmem>>) target_semaphore(%run_scoped3A_157 : memref<!tpu.dma_semaphore, #tpu.memory_space<semaphore_mem>>)
      %dma_wait3A = arith.constant 1920 : i32
      %dma_wait3A_168 = tpu.memref_slice %arg5[%run_scoped3A_148, %dma_wait3A] : memref<8x4096xf32, #tpu.memory_space<vmem>> -> memref<1x128xf32, #tpu.memory_space<vmem>>
      %dma_wait3A_169 = tpu.memref_squeeze %dma_wait3A_168 : memref<1x128xf32, #tpu.memory_space<vmem>> -> memref<128xf32, #tpu.memory_space<vmem>>
      %dma_wait3A_170 = tpu.memref_slice %arg10[%run_scoped3A_147, %mul3A_146] : memref<16x2048xf32, #tpu.memory_space<vmem_shared>> -> memref<1x128xf32, #tpu.memory_space<vmem_shared>>
      %dma_wait3A_171 = tpu.memref_squeeze %dma_wait3A_170 : memref<1x128xf32, #tpu.memory_space<vmem_shared>> -> memref<128xf32, #tpu.memory_space<vmem_shared>>
      %dma_wait3A_172 = arith.constant 1920 : i32
      %dma_wait3A_173 = tpu.memref_slice %arg5[%run_scoped3A_148, %dma_wait3A_172] : memref<8x4096xf32, #tpu.memory_space<vmem>> -> memref<1x128xf32, #tpu.memory_space<vmem>>
      %dma_wait3A_174 = tpu.memref_squeeze %dma_wait3A_173 : memref<1x128xf32, #tpu.memory_space<vmem>> -> memref<128xf32, #tpu.memory_space<vmem>>
      %dma_wait3A_175 = tpu.memref_slice %arg10[%run_scoped3A_147, %mul3A_146] : memref<16x2048xf32, #tpu.memory_space<vmem_shared>> -> memref<1x128xf32, #tpu.memory_space<vmem_shared>>
      %dma_wait3A_176 = tpu.memref_squeeze %dma_wait3A_175 : memref<1x128xf32, #tpu.memory_space<vmem_shared>> -> memref<128xf32, #tpu.memory_space<vmem_shared>>
      tpu.wait_dma2 semaphore(%run_scoped3A_157 : memref<!tpu.dma_semaphore, #tpu.memory_space<semaphore_mem>>) src(%dma_wait3A_176 : memref<128xf32, #tpu.memory_space<vmem_shared>>) dst(%dma_wait3A_174 : memref<128xf32, #tpu.memory_space<vmem>>)
      tpu.yield
    }) : () -> ()
    %scan3A_149 = arith.constant 0 : i32
    %scan3A_150 = arith.constant 0 : i32
    %scan3A_151 = arith.constant 8 : i32
    %scan3A_152 = arith.addi %scan3A_150, %scan3A_151 : i32
    %scan3A_153 = arith.constant 1 : i32
    scf.for %scan3A_157 = %scan3A_150 to %scan3A_152 step %scan3A_153  : i32 {
      %mul3A_158 = arith.constant 16 : i32
      %mul3A_159 = arith.muli %scan3A_157, %mul3A_158 : i32
      %add3A_160 = arith.constant 0 : i32
      %add3A_161 = arith.addi %add3A_160, %mul3A_159 : i32
      %get3A_162 = arith.constant 0 : i32
      %get3A_163 = arith.index_cast %get3A_162 : i32 to index
      %get3A_164 = arith.index_cast %add3A_161 : i32 to index
      %get3A_165 = tpu.vector_load %arg5[%get3A_163, %get3A_164] {strides = array<i32>} : memref<8x4096xf32, #tpu.memory_space<vmem>>, vector<16xf32>,
      %add3A_166 = arith.addf %broadcast_in_dim3A_14, %get3A_165 : vector<16xf32>
      %add3A_167 = arith.constant 128 : i32
      %add3A_168 = arith.addi %add3A_167, %mul3A_159 : i32
      %get3A_169 = arith.constant 0 : i32
      %get3A_170 = arith.index_cast %get3A_169 : i32 to index
      %get3A_171 = arith.index_cast %add3A_168 : i32 to index
      %get3A_172 = tpu.vector_load %arg5[%get3A_170, %get3A_171] {strides = array<i32>} : memref<8x4096xf32, #tpu.memory_space<vmem>>, vector<16xf32>,
      %add3A_173 = arith.addf %add3A_166, %get3A_172 : vector<16xf32>
      %add3A_174 = arith.constant 256 : i32
      %add3A_175 = arith.addi %add3A_174, %mul3A_159 : i32
      %get3A_176 = arith.constant 0 : i32
      %get3A_177 = arith.index_cast %get3A_176 : i32 to index
      %get3A_178 = arith.index_cast %add3A_175 : i32 to index
      %get3A_179 = tpu.vector_load %arg5[%get3A_177, %get3A_178] {strides = array<i32>} : memref<8x4096xf32, #tpu.memory_space<vmem>>, vector<16xf32>,
      %add3A_180 = arith.addf %add3A_173, %get3A_179 : vector<16xf32>
      %add3A_181 = arith.constant 384 : i32
      %add3A_182 = arith.addi %add3A_181, %mul3A_159 : i32
      %get3A_183 = arith.constant 0 : i32
      %get3A_184 = arith.index_cast %get3A_183 : i32 to index
      %get3A_185 = arith.index_cast %add3A_182 : i32 to index
      %get3A_186 = tpu.vector_load %arg5[%get3A_184, %get3A_185] {strides = array<i32>} : memref<8x4096xf32, #tpu.memory_space<vmem>>, vector<16xf32>,
      %add3A_187 = arith.addf %add3A_180, %get3A_186 : vector<16xf32>
      %add3A_188 = arith.constant 512 : i32
      %add3A_189 = arith.addi %add3A_188, %mul3A_159 : i32
      %get3A_190 = arith.constant 0 : i32
      %get3A_191 = arith.index_cast %get3A_190 : i32 to index
      %get3A_192 = arith.index_cast %add3A_189 : i32 to index
      %get3A_193 = tpu.vector_load %arg5[%get3A_191, %get3A_192] {strides = array<i32>} : memref<8x4096xf32, #tpu.memory_space<vmem>>, vector<16xf32>,
      %add3A_194 = arith.addf %add3A_187, %get3A_193 : vector<16xf32>
      %add3A_195 = arith.constant 640 : i32
      %add3A_196 = arith.addi %add3A_195, %mul3A_159 : i32
      %get3A_197 = arith.constant 0 : i32
      %get3A_198 = arith.index_cast %get3A_197 : i32 to index
      %get3A_199 = arith.index_cast %add3A_196 : i32 to index
      %get3A_200 = tpu.vector_load %arg5[%get3A_198, %get3A_199] {strides = array<i32>} : memref<8x4096xf32, #tpu.memory_space<vmem>>, vector<16xf32>,
      %add3A_201 = arith.addf %add3A_194, %get3A_200 : vector<16xf32>
      %add3A_202 = arith.constant 768 : i32
      %add3A_203 = arith.addi %add3A_202, %mul3A_159 : i32
      %get3A_204 = arith.constant 0 : i32
      %get3A_205 = arith.index_cast %get3A_204 : i32 to index
      %get3A_206 = arith.index_cast %add3A_203 : i32 to index
      %get3A_207 = tpu.vector_load %arg5[%get3A_205, %get3A_206] {strides = array<i32>} : memref<8x4096xf32, #tpu.memory_space<vmem>>, vector<16xf32>,
      %add3A_208 = arith.addf %add3A_201, %get3A_207 : vector<16xf32>
      %add3A_209 = arith.constant 896 : i32
      %add3A_210 = arith.addi %add3A_209, %mul3A_159 : i32
      %get3A_211 = arith.constant 0 : i32
      %get3A_212 = arith.index_cast %get3A_211 : i32 to index
      %get3A_213 = arith.index_cast %add3A_210 : i32 to index
      %get3A_214 = tpu.vector_load %arg5[%get3A_212, %get3A_213] {strides = array<i32>} : memref<8x4096xf32, #tpu.memory_space<vmem>>, vector<16xf32>,
      %add3A_215 = arith.addf %add3A_208, %get3A_214 : vector<16xf32>
      %add3A_216 = arith.constant 1024 : i32
      %add3A_217 = arith.addi %add3A_216, %mul3A_159 : i32
      %get3A_218 = arith.constant 0 : i32
      %get3A_219 = arith.index_cast %get3A_218 : i32 to index
      %get3A_220 = arith.index_cast %add3A_217 : i32 to index
      %get3A_221 = tpu.vector_load %arg5[%get3A_219, %get3A_220] {strides = array<i32>} : memref<8x4096xf32, #tpu.memory_space<vmem>>, vector<16xf32>,
      %add3A_222 = arith.addf %add3A_215, %get3A_221 : vector<16xf32>
      %add3A_223 = arith.constant 1152 : i32
      %add3A_224 = arith.addi %add3A_223, %mul3A_159 : i32
      %get3A_225 = arith.constant 0 : i32
      %get3A_226 = arith.index_cast %get3A_225 : i32 to index
      %get3A_227 = arith.index_cast %add3A_224 : i32 to index
      %get3A_228 = tpu.vector_load %arg5[%get3A_226, %get3A_227] {strides = array<i32>} : memref<8x4096xf32, #tpu.memory_space<vmem>>, vector<16xf32>,
      %add3A_229 = arith.addf %add3A_222, %get3A_228 : vector<16xf32>
      %add3A_230 = arith.constant 1280 : i32
      %add3A_231 = arith.addi %add3A_230, %mul3A_159 : i32
      %get3A_232 = arith.constant 0 : i32
      %get3A_233 = arith.index_cast %get3A_232 : i32 to index
      %get3A_234 = arith.index_cast %add3A_231 : i32 to index
      %get3A_235 = tpu.vector_load %arg5[%get3A_233, %get3A_234] {strides = array<i32>} : memref<8x4096xf32, #tpu.memory_space<vmem>>, vector<16xf32>,
      %add3A_236 = arith.addf %add3A_229, %get3A_235 : vector<16xf32>
      %add3A_237 = arith.constant 1408 : i32
      %add3A_238 = arith.addi %add3A_237, %mul3A_159 : i32
      %get3A_239 = arith.constant 0 : i32
      %get3A_240 = arith.index_cast %get3A_239 : i32 to index
      %get3A_241 = arith.index_cast %add3A_238 : i32 to index
      %get3A_242 = tpu.vector_load %arg5[%get3A_240, %get3A_241] {strides = array<i32>} : memref<8x4096xf32, #tpu.memory_space<vmem>>, vector<16xf32>,
      %add3A_243 = arith.addf %add3A_236, %get3A_242 : vector<16xf32>
      %add3A_244 = arith.constant 1536 : i32
      %add3A_245 = arith.addi %add3A_244, %mul3A_159 : i32
      %get3A_246 = arith.constant 0 : i32
      %get3A_247 = arith.index_cast %get3A_246 : i32 to index
      %get3A_248 = arith.index_cast %add3A_245 : i32 to index
      %get3A_249 = tpu.vector_load %arg5[%get3A_247, %get3A_248] {strides = array<i32>} : memref<8x4096xf32, #tpu.memory_space<vmem>>, vector<16xf32>,
      %add3A_250 = arith.addf %add3A_243, %get3A_249 : vector<16xf32>
      %add3A_251 = arith.constant 1664 : i32
      %add3A_252 = arith.addi %add3A_251, %mul3A_159 : i32
      %get3A_253 = arith.constant 0 : i32
      %get3A_254 = arith.index_cast %get3A_253 : i32 to index
      %get3A_255 = arith.index_cast %add3A_252 : i32 to index
      %get3A_256 = tpu.vector_load %arg5[%get3A_254, %get3A_255] {strides = array<i32>} : memref<8x4096xf32, #tpu.memory_space<vmem>>, vector<16xf32>,
      %add3A_257 = arith.addf %add3A_250, %get3A_256 : vector<16xf32>
      %add3A_258 = arith.constant 1792 : i32
      %add3A_259 = arith.addi %add3A_258, %mul3A_159 : i32
      %get3A_260 = arith.constant 0 : i32
      %get3A_261 = arith.index_cast %get3A_260 : i32 to index
      %get3A_262 = arith.index_cast %add3A_259 : i32 to index
      %get3A_263 = tpu.vector_load %arg5[%get3A_261, %get3A_262] {strides = array<i32>} : memref<8x4096xf32, #tpu.memory_space<vmem>>, vector<16xf32>,
      %add3A_264 = arith.addf %add3A_257, %get3A_263 : vector<16xf32>
      %add3A_265 = arith.constant 1920 : i32
      %add3A_266 = arith.addi %add3A_265, %mul3A_159 : i32
      %get3A_267 = arith.constant 0 : i32
      %get3A_268 = arith.index_cast %get3A_267 : i32 to index
      %get3A_269 = arith.index_cast %add3A_266 : i32 to index
      %get3A_270 = tpu.vector_load %arg5[%get3A_268, %get3A_269] {strides = array<i32>} : memref<8x4096xf32, #tpu.memory_space<vmem>>, vector<16xf32>,
      %add3A_271 = arith.addf %add3A_264, %get3A_270 : vector<16xf32>
      %swap3A = arith.index_cast %mul3A_159 : i32 to index
      %swap3A_272 = tpu.vector_load %arg9[%swap3A] {strides = array<i32>} : memref<2048xf32, #tpu.memory_space<vmem>>, vector<16xf32>,
      tpu.vector_store %arg9[%swap3A], %add3A_271 {strides = array<i32>} : memref<2048xf32, #tpu.memory_space<vmem>>, vector<16xf32>,
    }
    %scan3A_154 = arith.constant 8 : i32
    %mul3A_155 = arith.constant 128 : i32
    %mul3A_156 = arith.muli %arg1, %mul3A_155 : i32
    "tpu.region"() ({
      %run_scoped3A_157 = tpu.sem_alloc : memref<!tpu.dma_semaphore, #tpu.memory_space<semaphore_mem>>
      %dma_start3A_158 = arith.constant 0 : i32
      %dma_start3A_159 = tpu.memref_slice %arg9[%dma_start3A_158] : memref<2048xf32, #tpu.memory_space<vmem>> -> memref<128xf32, #tpu.memory_space<vmem>>
      %dma_start3A_160 = tpu.memref_slice %arg4[%arg0, %mul3A_156] : memref<2x2048xf32, #tpu.memory_space<hbm>> -> memref<1x128xf32, #tpu.memory_space<hbm>>
      %dma_start3A_161 = tpu.memref_squeeze %dma_start3A_160 : memref<1x128xf32, #tpu.memory_space<hbm>> -> memref<128xf32, #tpu.memory_space<hbm>>
      %dma_start3A_162 = tpu.memref_slice %arg4[%arg0, %mul3A_156] : memref<2x2048xf32, #tpu.memory_space<hbm>> -> memref<1x128xf32, #tpu.memory_space<hbm>>
      %dma_start3A_163 = tpu.memref_squeeze %dma_start3A_162 : memref<1x128xf32, #tpu.memory_space<hbm>> -> memref<128xf32, #tpu.memory_space<hbm>>
      %dma_start3A_164 = arith.constant 0 : i32
      %dma_start3A_165 = tpu.memref_slice %arg9[%dma_start3A_164] : memref<2048xf32, #tpu.memory_space<vmem>> -> memref<128xf32, #tpu.memory_space<vmem>>
      tpu.enqueue_dma source(%dma_start3A_165 : memref<128xf32, #tpu.memory_space<vmem>>) target(%dma_start3A_163 : memref<128xf32, #tpu.memory_space<hbm>>) target_semaphore(%run_scoped3A_157 : memref<!tpu.dma_semaphore, #tpu.memory_space<semaphore_mem>>)
      %dma_wait3A = arith.constant 0 : i32
      %dma_wait3A_166 = tpu.memref_slice %arg9[%dma_wait3A] : memref<2048xf32, #tpu.memory_space<vmem>> -> memref<128xf32, #tpu.memory_space<vmem>>
      %dma_wait3A_167 = tpu.memref_slice %arg4[%arg0, %mul3A_156] : memref<2x2048xf32, #tpu.memory_space<hbm>> -> memref<1x128xf32, #tpu.memory_space<hbm>>
      %dma_wait3A_168 = tpu.memref_squeeze %dma_wait3A_167 : memref<1x128xf32, #tpu.memory_space<hbm>> -> memref<128xf32, #tpu.memory_space<hbm>>
      %dma_wait3A_169 = tpu.memref_slice %arg4[%arg0, %mul3A_156] : memref<2x2048xf32, #tpu.memory_space<hbm>> -> memref<1x128xf32, #tpu.memory_space<hbm>>
      %dma_wait3A_170 = tpu.memref_squeeze %dma_wait3A_169 : memref<1x128xf32, #tpu.memory_space<hbm>> -> memref<128xf32, #tpu.memory_space<hbm>>
      %dma_wait3A_171 = arith.constant 0 : i32
      %dma_wait3A_172 = tpu.memref_slice %arg9[%dma_wait3A_171] : memref<2048xf32, #tpu.memory_space<vmem>> -> memref<128xf32, #tpu.memory_space<vmem>>
      tpu.wait_dma2 semaphore(%run_scoped3A_157 : memref<!tpu.dma_semaphore, #tpu.memory_space<semaphore_mem>>) src(%dma_wait3A_172 : memref<128xf32, #tpu.memory_space<vmem>>) dst(%dma_wait3A_170 : memref<128xf32, #tpu.memory_space<hbm>>)
      tpu.yield
    }) : () -> ()
    return
  }
}

module attributes {stable_mosaic.version = 14 : i64} {
  func.func @_minmax_body(%arg0: i32, %arg1: memref<512x4096xf32, #tpu.memory_space<vmem>>, %arg2: memref<1x1xf32, #tpu.memory_space<smem>>, %arg3: memref<1x1xf32, #tpu.memory_space<smem>>) attributes {dimension_semantics = [#tpu.dimension_semantics<arbitrary>], iteration_bounds = array<i64: 32>, scalar_prefetch = 0 : i64, scratch_operands = 0 : i64, tpu.core_type = #tpu.core_type<tc>, window_params = [{transform_indices = @transform_0, window_bounds = array<i64: 512, 4096>}, {transform_indices = @transform_1, window_bounds = array<i64: 1, 1>}, {transform_indices = @transform_2, window_bounds = array<i64: 1, 1>}]} {
    %eq3A = arith.constant 0 : i32
    %eq3A_0 = arith.cmpi eq, %arg0, %eq3A : i32
    %convert_element_type3A = arith.extui %eq3A_0 : i1 to i32
    %cond3A = arith.constant 0 : i32
    %cond3A_1 = arith.cmpi ne, %convert_element_type3A, %cond3A : i32
    scf.if %cond3A_1 {
      %swap3A_23 = arith.constant 0x7F800000 : f32
      %swap3A_24 = arith.constant 0 : index
      %swap3A_25 = arith.constant 0 : index
      %swap3A_26 = memref.load %arg2[%swap3A_24, %swap3A_25] : memref<1x1xf32, #tpu.memory_space<smem>>
      memref.store %swap3A_23, %arg2[%swap3A_24, %swap3A_25] : memref<1x1xf32, #tpu.memory_space<smem>>
      %swap3A_27 = arith.constant 0xFF800000 : f32
      %swap3A_28 = arith.constant 0 : index
      %swap3A_29 = arith.constant 0 : index
      %swap3A_30 = memref.load %arg3[%swap3A_28, %swap3A_29] : memref<1x1xf32, #tpu.memory_space<smem>>
      memref.store %swap3A_27, %arg3[%swap3A_28, %swap3A_29] : memref<1x1xf32, #tpu.memory_space<smem>>
    } else {
    }
    %get3A = arith.constant 0 : index
    %get3A_2 = arith.constant 0 : index
    %get3A_3 = vector.load %arg1[%get3A, %get3A_2] : memref<512x4096xf32, #tpu.memory_space<vmem>>, vector<512x4096xf32>
    %get3A_4 = arith.constant 0 : index
    %get3A_5 = arith.constant 0 : index
    %get3A_6 = memref.load %arg2[%get3A_4, %get3A_5] : memref<1x1xf32, #tpu.memory_space<smem>>
    %reduce_min3A = vector.shape_cast %get3A_3 : vector<512x4096xf32> to vector<1x512x4096xf32>
    %reduce_min3A_7 = arith.constant dense<0x7F800000> : vector<1xf32>
    %reduce_min3A_8 = vector.multi_reduction <minimumf>, %reduce_min3A, %reduce_min3A_7 [1, 2] : vector<1x512x4096xf32> to vector<1xf32>
    %reduce_min3A_9 = vector.shape_cast %reduce_min3A_8 : vector<1xf32> to vector<1x1x1xf32>
    %reduce_min3A_10 = vector.extract %reduce_min3A_9[0, 0, 0] : f32 from vector<1x1x1xf32>
    %min3A = arith.minimumf %get3A_6, %reduce_min3A_10 : f32
    %swap3A = arith.constant 0 : index
    %swap3A_11 = arith.constant 0 : index
    %swap3A_12 = memref.load %arg2[%swap3A, %swap3A_11] : memref<1x1xf32, #tpu.memory_space<smem>>
    memref.store %min3A, %arg2[%swap3A, %swap3A_11] : memref<1x1xf32, #tpu.memory_space<smem>>
    %get3A_13 = arith.constant 0 : index
    %get3A_14 = arith.constant 0 : index
    %get3A_15 = memref.load %arg3[%get3A_13, %get3A_14] : memref<1x1xf32, #tpu.memory_space<smem>>
    %reduce_max3A = vector.shape_cast %get3A_3 : vector<512x4096xf32> to vector<1x512x4096xf32>
    %reduce_max3A_16 = arith.constant dense<0xFF800000> : vector<1xf32>
    %reduce_max3A_17 = vector.multi_reduction <maximumf>, %reduce_max3A, %reduce_max3A_16 [1, 2] : vector<1x512x4096xf32> to vector<1xf32>
    %reduce_max3A_18 = vector.shape_cast %reduce_max3A_17 : vector<1xf32> to vector<1x1x1xf32>
    %reduce_max3A_19 = vector.extract %reduce_max3A_18[0, 0, 0] : f32 from vector<1x1x1xf32>
    %max3A = arith.maximumf %get3A_15, %reduce_max3A_19 : f32
    %swap3A_20 = arith.constant 0 : index
    %swap3A_21 = arith.constant 0 : index
    %swap3A_22 = memref.load %arg3[%swap3A_20, %swap3A_21] : memref<1x1xf32, #tpu.memory_space<smem>>
    memref.store %max3A, %arg3[%swap3A_20, %swap3A_21] : memref<1x1xf32, #tpu.memory_space<smem>>
    return
  }
  func.func @transform_0(%arg0: i32) -> (i32, i32) {
    %c0_i32 = arith.constant 0 : i32
    %c0_i32_0 = arith.constant 0 : i32
    return %arg0, %c0_i32 : i32, i32
  }
  func.func @transform_1(%arg0: i32) -> (i32, i32) {
    %c0_i32 = arith.constant 0 : i32
    %c0_i32_0 = arith.constant 0 : i32
    %c0_i32_1 = arith.constant 0 : i32
    return %c0_i32, %c0_i32_0 : i32, i32
  }
  func.func @transform_2(%arg0: i32) -> (i32, i32) {
    %c0_i32 = arith.constant 0 : i32
    %c0_i32_0 = arith.constant 0 : i32
    %c0_i32_1 = arith.constant 0 : i32
    return %c0_i32, %c0_i32_0 : i32, i32
  }
}

module attributes {stable_mosaic.version = 14 : i64} {
  func.func @_final_body(%arg0: memref<2x2048xf32, #tpu.memory_space<vmem>>, %arg1: memref<1x2xf32, #tpu.memory_space<smem>>, %arg2: memref<1x2048xf32, #tpu.memory_space<vmem>>, %arg3: memref<1x1xf32, #tpu.memory_space<smem>>, %arg4: memref<1x1xf32, #tpu.memory_space<smem>>) attributes {dimension_semantics = [], scalar_prefetch = 0 : i64, scratch_operands = 0 : i64, tpu.core_type = #tpu.core_type<tc>} {
    %get3A = arith.constant 0 : index
    %get3A_0 = arith.constant 0 : index
    %get3A_1 = vector.load %arg0[%get3A, %get3A_0] : memref<2x2048xf32, #tpu.memory_space<vmem>>, vector<1x2048xf32>
    %get3A_2 = arith.constant 1 : index
    %get3A_3 = arith.constant 0 : index
    %get3A_4 = vector.load %arg0[%get3A_2, %get3A_3] : memref<2x2048xf32, #tpu.memory_space<vmem>>, vector<1x2048xf32>
    %add3A = arith.addf %get3A_1, %get3A_4 : vector<1x2048xf32>
    %swap3A = arith.constant 0 : index
    %swap3A_5 = arith.constant 0 : index
    %swap3A_6 = vector.load %arg2[%swap3A, %swap3A_5] : memref<1x2048xf32, #tpu.memory_space<vmem>>, vector<1x2048xf32>
    tpu.vector_store %arg2[%swap3A, %swap3A_5], %add3A {strides = array<i32>} : memref<1x2048xf32, #tpu.memory_space<vmem>>, vector<1x2048xf32>,
    %get3A_7 = arith.constant 0 : index
    %get3A_8 = arith.constant 0 : index
    %get3A_9 = memref.load %arg1[%get3A_7, %get3A_8] : memref<1x2xf32, #tpu.memory_space<smem>>
    %swap3A_10 = arith.constant 0 : index
    %swap3A_11 = arith.constant 0 : index
    %swap3A_12 = memref.load %arg3[%swap3A_10, %swap3A_11] : memref<1x1xf32, #tpu.memory_space<smem>>
    memref.store %get3A_9, %arg3[%swap3A_10, %swap3A_11] : memref<1x1xf32, #tpu.memory_space<smem>>
    %get3A_13 = arith.constant 0 : index
    %get3A_14 = arith.constant 1 : index
    %get3A_15 = memref.load %arg1[%get3A_13, %get3A_14] : memref<1x2xf32, #tpu.memory_space<smem>>
    %swap3A_16 = arith.constant 0 : index
    %swap3A_17 = arith.constant 0 : index
    %swap3A_18 = memref.load %arg4[%swap3A_16, %swap3A_17] : memref<1x1xf32, #tpu.memory_space<smem>>
    memref.store %get3A_15, %arg4[%swap3A_16, %swap3A_17] : memref<1x1xf32, #tpu.memory_space<smem>>
    return
  }
}

</mosaic_0001>

<sc_bundles>
// kernel: kernel.5.cloned.1.call-start
scs
__scs_entry_jumppad:
0x0: {  	(pc) =	sbr.rel $0x88, $3  }
0x1: {  	(tag) =	ssettag $0x0;
	lr =	simm.s32 $0x1  }
0x2: {  	[smem:$0x3FA0] =	sst lr;
	_ =	strace $0xD0000000  }
0x3: {  	_ = 	snop  }
0x4: {  	_ = 	snop  }
0x5: {  	_ = 	snop  }
0x6: {  	_ = 	snop  }
0x7: {  	_ = 	snop  }
__scs_overlays_trampoline_lowered:
0x8: {  	[smem:$0x3FAF] =	sst s0  }
0x9: {  	[smem:$0x3FB0] =	sst s1  }
0xa: {  	[smem:$0x3FB1] =	sst s2  }
0xb: {  	[smem:$0x3FB2] =	sst s3  }
0xc: {  	[smem:$0x3FB3] =	sst s4  }
0xd: {  	[smem:$0x3FB4] =	sst s5  }
0xe: {  	[smem:$0x3FB5] =	sst s6  }
0xf: {  	[smem:$0x3FB6] =	sst s7  }
0x10: {  	[smem:$0x3FB7] =	sst s8  }
0x11: {  	[smem:$0x3FB8] =	sst s9;
	s0 =	simm.s32 @!p0 $0x0  }
0x12: {  	s1 =	sld [smem:$0x3F9E];
	s0 =	simm.s32 @p0 $0x1  }
0x13: {  	[smem:$0x3FB9] =	sst s0;
	s0 =	simm.s32 @!p1 $0x0  }
0x14: {  	s2 =	sld [smem:$0x3F9D];
	s0 =	simm.s32 @p1 $0x1  }
0x15: {  	[smem:$0x3FBA] =	sst s0;
	s0 =	simm.s32 @!p2 $0x0  }
0x16: {  	s3 =	sld [smem:$0x3FDB];
	s0 =	simm.s32 @p2 $0x1  }
0x17: {  	s4 =	simm.s32 $0x1BF5;
	[smem:$0x3FBC] =	sst s0  }
0x18: {  	s0 =	sld [smem:$0x3F9F];
	_ =	swait.ge [sflag:s4], $0x0  }
0x19: {  	s7 =	sld [smem:$0x3FA0]  }
0x1a: {  	s8 =	sadd.s32 $0xFFFFE003, lr  }
0x1b: {  	s9 =	sadd.s32 $0xFFFFFEF7, lr;
	s5 =	simm.s32 $0xFFFFFFFF;
	p2 =	slt.u32 s8, $0xFFFFF086  }
0x1c: {  	p1 =	slt.u32 s9, $0xF7A;
	s5 =	simm.s32 @!p2 $0x0  }
0x1d: {  	s5 =	simm.s32 @p1 $0x1;
	p0 =	seq.s32 s7, s2  }
0x1e: {  	s7 =	smul.u32 @!p0 $0xF7A, s2;
	p2 =	seq.s32 @!p0 s5, $0x0  }
0x1f: {  	s9 =	smul.u32 $0xF7A, s1;
	s8 =	simm.s32 @!p0 $0x1BF5;
	p2 =	por !p2, p0  }
0x20: {  	[sflag:s8] =	ssyncset.s32 @!p0 $0xFFFFF086;
	s6 =	sadd.s32 @!p0 s3, s7;
	s7 =	simm.s32 @!p0 $0x108  }
0x21: {  	s3 =	sadd.s32 s3, s9;
	s6 =	sadd.s32 @!p0 $0x88, s6;
	s7 =	simm.s32 @p2 $0x1082  }
0x22: {  	[simem:s7], [sflag:s8] =	dma.local @!p0 [hbm:s6], $0xF7A  }
0x23: {  	s9 =	sor.u32 $0xD0000000, s2;
	s6 =	simm.s32 $0x108;
	_ =	swait.ge @!p0 [sflag:s8], $0x0  }
0x24: {  	s3 =	sadd.s32 $0x88, s3;
	s6 =	simm.s32 @!p1 $0x1082;
	[sflag:s4] =	ssyncset.s32 $0xFFFFF086  }
0x25: {  	[simem:s6], [sflag:s4] =	dma.local [hbm:s3], $0xF7A  }
0x26: {  	[smem:$0x3FA0] =	sst s1;
	(tag) =	ssettag s2;
	_ =	strace s9  }
0x27: {  	s1 =	sld [smem:$0x3FB0]  }
0x28: {  	s2 =	sld [smem:$0x3FB1]  }
0x29: {  	s4 =	sld [smem:$0x3FB3]  }
0x2a: {  	p0 =	seq.s32 s5, $0x0;
	s5 =	sld [smem:$0x3FB4]  }
0x2b: {  	s6 =	sld [smem:$0x3FB5]  }
0x2c: {  	s7 =	sld [smem:$0x3FB6]  }
0x2d: {  	s3 =	simm.s32 $0x108;
	s8 =	sld [smem:$0x3FB7]  }
0x2e: {  	s3 =	simm.s32 @!p0 $0x1082;
	s9 =	sld [smem:$0x3FB8]  }
0x2f: {  	lr =	sadd.s32 s0, s3;
	s0 =	sld [smem:$0x3FAF]  }
0x30: {  	s3 =	sld [smem:$0x3FB2]  }
0x31: {  	[smem:$0x3FBB] =	sst s10  }
0x32: {  	s10 =	sld [smem:$0x3FB9];
	_ =	sdelay $0x3  }
0x33: {  	p0 =	seq.s32 s10, $0x1;
	s10 =	sld [smem:$0x3FBB];
	_ =	sdelay $0x3  }
0x34: {  	[smem:$0x3FBB] =	sst s10  }
0x35: {  	s10 =	sld [smem:$0x3FBA];
	_ =	sdelay $0x3  }
0x36: {  	p1 =	seq.s32 s10, $0x1;
	s10 =	sld [smem:$0x3FBB];
	_ =	sdelay $0x3  }
0x37: {  	[smem:$0x3FBB] =	sst s10  }
0x38: {  	s10 =	sld [smem:$0x3FBC]  }
0x39: {  	_ = 	snop;
	(pc) =	sbr.ind lr, $3  }
0x3a: {  	_ = 	snop  }
0x3b: {  	_ = 	snop  }
0x3c: {  	p2 =	seq.s32 s10, $0x1;
	s10 =	sld [smem:$0x3FBB]  }
0x3d: {  	_ =	shalt  }
0x3e: {  	_ =	shalt  }
0x3f: {  	_ =	shalt  }
0x40: {  	_ =	shalt  }
0x41: {  	_ =	shalt  }
0x42: {  	_ =	shalt  }
0x43: {  	_ =	shalt  }
0x44: {  	_ =	shalt  }
0x45: {  	_ =	shalt  }
0x46: {  	_ =	shalt  }
0x47: {  	_ =	shalt  }
0x48: {  	_ =	shalt  }
0x49: {  	_ =	shalt  }
0x4a: {  	_ =	shalt  }
0x4b: {  	_ =	shalt  }
0x4c: {  	_ =	shalt  }
0x4d: {  	_ =	shalt  }
0x4e: {  	_ =	shalt  }
0x4f: {  	_ =	shalt  }
0x50: {  	_ =	shalt  }
0x51: {  	_ =	shalt  }
0x52: {  	_ =	shalt  }
0x53: {  	_ =	shalt  }
0x54: {  	_ =	shalt  }
0x55: {  	_ =	shalt  }
0x56: {  	_ =	shalt  }
0x57: {  	_ =	shalt  }
0x58: {  	_ =	shalt  }
0x59: {  	_ =	shalt  }
0x5a: {  	_ =	shalt  }
0x5b: {  	_ =	shalt  }
0x5c: {  	_ =	shalt  }
0x5d: {  	_ =	shalt  }
0x5e: {  	_ =	shalt  }
0x5f: {  	_ =	shalt  }
0x60: {  	_ =	shalt  }
0x61: {  	_ =	shalt  }
0x62: {  	_ =	shalt  }
0x63: {  	_ =	shalt  }
0x64: {  	_ =	shalt  }
0x65: {  	_ =	shalt  }
0x66: {  	_ =	shalt  }
0x67: {  	_ =	shalt  }
0x68: {  	_ =	shalt  }
0x69: {  	_ =	shalt  }
0x6a: {  	_ =	shalt  }
0x6b: {  	_ =	shalt  }
0x6c: {  	_ =	shalt  }
0x6d: {  	_ =	shalt  }
0x6e: {  	_ =	shalt  }
0x6f: {  	_ =	shalt  }
0x70: {  	_ =	shalt  }
0x71: {  	_ =	shalt  }
0x72: {  	_ =	shalt  }
0x73: {  	_ =	shalt  }
0x74: {  	_ =	shalt  }
0x75: {  	_ =	shalt  }
0x76: {  	_ =	shalt  }
0x77: {  	_ =	shalt  }
0x78: {  	_ =	shalt  }
0x79: {  	_ =	shalt  }
0x7a: {  	_ =	shalt  }
0x7b: {  	_ =	shalt  }
0x7c: {  	_ =	shalt  }
0x7d: {  	_ =	shalt  }
0x7e: {  	_ =	shalt  }
0x7f: {  	_ =	shalt  }
0x80: {  	_ =	shalt  }
0x81: {  	_ =	shalt  }
0x82: {  	_ =	shalt  }
0x83: {  	_ =	shalt  }
0x84: {  	_ =	shalt  }
0x85: {  	_ =	shalt  }
0x86: {  	_ =	shalt  }
0x87: {  	_ =	shalt  }
.Lfunc_end0:
.L_simem_size_0:
called_computation_lowered:
.L_overlay_start_0:
0x88: {  	s2 =	sld [smem:$0x3FD9]  }
0x89: {  	s3 =	sld [smem:$0x3FFE];
	_ =	sdelay $0x1  }
0x8a: {  	s1 =	srdreg.scid  }
0x8b: {  	s0 =	sand.u32 $0x1, s1  }
0x8c: {  	s15 =	sshll.u32 s0, $0xA;
	s2 =	sadd.s32 s3, s2  }
0x8d: {  	s2 =	sadd.s32 s2, s15  }
0x8e: {  	[smem:$0x3FC7] =	sst s2  }
0x8f: {  	_ = 	snop  }
0x90: {  	s2 =	sld [smem:$0x3FD0];
	_ =	sdelay $0x2  }
0x91: {  	s4 =	simm.s32 $0xA;
	s5 =	simm.s32 $0x10;
	s16 =	sld [smem:$0x3FC9]  }
0x92: {  	[smem:s5], [sflag:s4] =	dma.local [hbm:s2], $0x1  }
0x93: {  	_ =	swait.eq [sflag:s4], $0x1  }
0x94: {  	[sflag:s4] =	ssyncset.done $0x0  }
0x95: {  	s17 =	sld [smem:$0x10];
	[sflag:s4] =	ssyncadd.s32 $0xFFFFFFFF  }
0x96: {  	s18 =	sld [smem:$0x11];
	(tm) =	ssettm $0x1  }
0x97: {  	s19 =	sld [smem:$0x3FFB];
	_ =	sdelay $0x3  }
0x98: {  	_ =	strace s19  }
0x99: {  	s5 =	sld [smem:$0x3FFC];
	_ =	sdelay $0x3  }
0x9a: {  	_ =	strace s5  }
0x9b: {  	s5 =	sld [smem:$0x3FFD];
	_ =	sdelay $0x3  }
0x9c: {  	_ =	strace s5  }
0x9d: {  	_ =	strace $0x8FFFFFFF  }
0x9e: {  	s20 =	sld [smem:$0x3FDB];
	_ =	sdelay $0x1  }
0x9f: {  	s6 =	simm.s32 $_scs_section_size  }
0xa0: {  	s7 =	simm.s32 $_size__tile_overlayer_lowered;
	s8 =	simm.s32 $_tile_overlayer_lowered  }
0xa1: {  	s23 =	simm.s32 $0x1BFF;
	s22 =	sshll.u32 s8, $0x1;
	s5 =	sadd.s32 s6, s20  }
0xa2: {  	s9 =	simm.s32 $0x0;
	s21 =	sshll.u32 s7, $0x1;
	s7 =	sadd.s32 s22, s5  }
0xa3: {  	[timem:s9], [sflag:s23] =	dma.local [hbm:s7], s21  }
0xa4: {  	_ =	swait.ge [sflag:s23], s21  }
0xa5: {  	s6 =	ssub.s32 $0x0, s21;
	[sflag:s23] =	ssyncset.done $0x0  }
0xa6: {  	[sflag:s23] =	ssyncadd.s32 s6;
	_ =	sdelay $0x1  }
0xa7: {  	s24 =	simm.s32 $0x1B8B  }
0xa8: {  	_ =	swait.ge [sflag:s24], $0x1  }
0xa9: {  	[sflag:s24] =	ssyncset.done $0x0  }
0xaa: {  	s25 =	simm.s32 $0x1B8E;
	[sflag:s24] =	ssyncadd.s32 $0xFFFFFFFF  }
0xab: {  	s26 =	simm.s32 $execute0_lowered;
	[smem:$0x3FD2] =	sst s25  }
0xac: {  	s6 =	sshll.u32 s26, $0x1;
	_ =	strace $0x80000046;
	[dreg:$0x1] =	wrdreg $0xFFFFFFFF  }
0xad: {  	s28 =	simm.s32 $_size_execute0_lowered;
	s5 =	sadd.s32 s5, s6;
	[dreg:$0x0] =	wrdreg $0x0  }
0xae: {  	s6 =	sshll.u32 s28, $0x1;
	[dreg:$0x2] =	wrdreg s5  }
0xaf: {  	[dreg:$0x3] =	wrdreg s6  }
0xb0: {  	[dreg:$0x4] =	wrdreg $0xC0  }
0xb1: {  	_ =	task [dreg:s9], $0x5FFFF  }
0xb2: {  	[dreg:$0x1] =	wrdreg $0xFFFFFFFF  }
0xb3: {  	[dreg:$0x0] =	wrdreg $0x60  }
0xb4: {  	[dreg:$0x2] =	wrdreg s16  }
0xb5: {  	[dreg:$0x3] =	wrdreg s18  }
0xb6: {  	[dreg:$0x4] =	wrdreg s17  }
0xb7: {  	[dreg:$0x5] =	wrdreg $0x189000  }
0xb8: {  	[dreg:$0x6] =	wrdreg $0x9  }
0xb9: {  	_ =	task.clear_ibuf [dreg:s9], $0x7FFFF;
	_ =	strace $0x90000046  }
0xba: {  	s29 =	simm.s32 $0x9;
	_ =	strace $0x80000048  }
0xbb: {  	_ =	swait.ge [sflag:s29], $0x1  }
0xbc: {  	[sflag:s29] =	ssyncadd.s32 $0xFFFFFFFF  }
0xbd: {  	_ =	strace $0x90000048  }
0xbe: {  	_ =	sfence  }
0xbf: {  	s30 =	sld [smem:$0x0];
	_ =	sdelay $0x2  }
0xc0: {  	s31 =	sshll.u32 s1, $0xD;
	s1 =	sshrl.u32 s1, $0x2  }
0xc1: {  	s3 =	sand.u32 $0x4000, s31;
	s1 =	sadd.s32 s1, s30  }
0xc2: {  	s0 =	sor.u32 s3, s0;
	s1 =	sshll.u32 s1, $0x11  }
0xc3: {  	s0 =	sor.u32 s1, s0  }
0xc4: {  	s0 =	sadd.s32 $0x8F2B, s0  }
0xc5: {  	[sflag:s0] =	ssyncadd.remote.s32 $0x1  }
0xc6: {  	_ =	sfence.sel $0xFFFF  }
0xc7: {  	[dreg:$0x0] =	wrdreg $0xFFFFFFFF;
	(pc) =	sbr.abs _section_cstart, $3  }
0xc8: {  	[dreg:$0x1] =	wrdreg $0xFFFFFFFF  }
0xc9: {  	_ =	task.clear_ibuf [dreg:s9], $0x2FFFF;
	_ =	strace $0x9FFFFFFF  }
0xca: {  	(tm) =	ssettm $0x7FFFFFFF  }
0xcb: {  	_ =	shalt  }
tec
execute0_lowered:
.L_overlay_start_1:
0x0: {  	(tag) =	ssettag $0x1  }
0x1: {  	s1 =	rddreg [dreg:$0x0]  }
0x2: {  	s0 =	srdreg.scid;
	s2 =	rddreg [dreg:$0x2]  }
0x3: {  	s21 =	stileid.u32;
	s3 =	rddreg [dreg:$0x3]  }
0x4: {  	s4 =	simm.s32 $0x0;
	s29 =	simm.s32 $0x3;
	s30 =	simm.s32 $0x8000  }
0x5: {  	s31 =	simm.s32 $0x1;
	s28 =	simm.s32 $0x0;
	s0 =	sand.u32 $0x1, s0  }
0x6: {  	s6 =	sshll.u32 s21, $0xA;
	[smem:$0x7FF] =	sst s4;
	s22 =	sshll.u32 s21, $0xB  }
0x7: {  	s10 =	sshll.u32 s21, $0x7;
	s26 =	sshll.u32 s21, $0x5;
	s5 =	sshll.u32 s0, $0x9  }
0x8: {  	s8 =	ssub.s32 $0x2, s0;
	_ =	strace $0x80000047;
	s10 =	sand.u32 $0x380, s10  }
0x9: {  	s0 =	sshll.u32 s0, $0x4;
	s7 =	sor.u32 s5, s6;
	s9 =	sshrl.u32 s8, $0x1  }
0xa: {  	s0 =	sadd.s32 s2, s0;
	s5 =	sshll.u32 s7, $0x9;
	s9 =	ssub.s32 s8, s9  }
0xb: {  	s7 =	sshrl.u32 s7, $0x3;
	s8 =	sand.u32 $0x4000, s22;
	s5 =	sadd.s32 s1, s5  }
0xc: {  	s11 =	sadd.s32 s8, s3;
	s8 =	sadd.s32 s6, s3;
	s3 =	simm.s32 $0x10080  }
0xd: {  	s20 =	sadd.s32 $0x1000, s5;
	s23 =	sadd.s32 s10, s11;
	s24 =	sadd.s32 $0x80, s8  }
0xe: {  	s25 =	sadd.s32 $0x100, s8;
	s12 =	sadd.s32 $0x180, s8;
	s13 =	sadd.s32 $0x200, s8  }
0xf: {  	s14 =	sadd.s32 $0x280, s8;
	s15 =	sadd.s32 $0x300, s8;
	[dreg:$0x5] =	wrdreg s20  }
0x10: {  	v0 =	vlaneseq.u32;
	s16 =	sadd.s32 $0x380, s8;
	s17 =	sadd.s32 $0x4000, s8;
	[dreg:$0x6] =	wrdreg s23  }
0x11: {  	v0 =	vmul.u32 $0x803, v0;
	s18 =	sadd.s32 $0x4080, s8;
	s19 =	sadd.s32 $0x4100, s8;
	[dreg:$0x7] =	wrdreg s24  }
0x12: {  	s21 =	sadd.s32 $0x4200, s8;
	s22 =	sadd.s32 $0x4280, s8;
	[dreg:$0x8] =	wrdreg s25  }
0x13: {  	v1 =	vimm.f32 $0.0e+00;
	v2 =	vimm.f32 $1.000000000e+00;
	v3 =	vadd.s32 $0x800, v0;
	s20 =	sadd.s32 $0x4180, s8;
	s23 =	sadd.s32 s26, s0;
	s24 =	sadd.s32 $0x4300, s8  }
0x14: {  	v4 =	vadd.s32 $0x801, v0;
	v5 =	vadd.s32 $0x802, v0;
	v6 =	vadd.s32 $0x7FF, v0;
	s25 =	smax.u32 s9, $0x1;
	s26 =	sadd.s32 $0x4380, s8;
	s0 =	simm.s32 $0x2  }
.LBB2_1:
0x15: {  	s2 =	rddreg [dreg:$0x1];
	s6 =	simm.s32 $0x10000  }
0x16: {  	[tilespmem:s6], [sflag:$0x3] =	stream.linear.gather [hbm4b:s2+s4], $0x80, $0x38;
	[tilespmem:$0x19100] =	vst v63  }
0x17: {  	_ =	swait.ge [sflag:s29], $0x80  }
0x18: {  	[sflag:s29] =	ssyncset.done $0x0  }
0x19: {  	[sflag:s29] =	ssyncadd.s32 $0xFFFFFF80  }
0x1a: {  	v7 =	vld [tilespmem:$0x10000];
	_ =	sdelay $0x3  }
0x1b: {  	s2 =	simm.s32 $0x40;
	s6 =	simm.s32 $0x0;
	v8 =	vld [tilespmem:$0x10010]  }
.LBB2_2:
0x1c: {  	p0 =	sne.s32 s2, $0x20080;
	[tilespmem:s6+$0x10080] =	vst v1;
	s6 =	smov.u32 s2;
	s2 =	sadd.s32 $0x40, s2  }
.Ltmp0:
0x1d: {  	(pc) =	sbr.rel @p0 .LBB2_2-.Ltmp0, $2  }
0x1e: {  	_ =	sdelay $0x2  }
0x1f: {  	s6 =	sshra.s32 s6, $0x2  }
0x20: {  	v8 =	vsub.f32 v8, v7;
	_ =	sdelay $0x1  }
0x21: {  	v8 =	vmul.f32 $4.882812500e-04, v8;
	_ =	sdelay $0x1  }
0x22: {  	vm0 =	veq.f32 v8, $0.0e+00  }
0x23: {  	v8 =	vsel vm0, $0x3F800000, v8  }
0x24: {  	(erf) = vrcp.f32 v8;
	_ =	sdelay $0x5  }
0x25: {  	[tilespmem:s6+$0x10080] =	vst v1;
	s2 =	simm.s32 $0x0  }
0x26: {  	[tilespmem:s2], [sflag:$0x1] =	stream.linear.gather [hbm4b:s5+s2], $0x8000, $0x38;
	[tilespmem:$0x19100] =	vst v63  }
0x27: {  	s11 =	rddreg [dreg:$0x5]  }
0x28: {  	[tilespmem:s30], [sflag:$0x2] =	stream.linear.gather [hbm4b:s11+s2], $0x8000, $0x38;
	v8 =	vpop (erf);
	[tilespmem:$0x19100] =	vst v63  }
.LBB2_4:
0x29: {  	_ =	swait.ge [sflag:s31], $0x8000  }
0x2a: {  	[sflag:s31] =	ssyncset.done $0x0  }
0x2b: {  	s6 =	simm.s32 $0x40;
	[sflag:s31] =	ssyncadd.s32 $0xFFFF8000  }
0x2c: {  	v9 =	vld [tilespmem:s6+$0x30]  }
0x2d: {  	v10 =	vld [tilespmem:s6+$0x20]  }
0x2e: {  	v11 =	vld [tilespmem:s6+$0xFFFFFFF0]  }
0x2f: {  	v12 =	vld [tilespmem:s6+$0xFFFFFFC0]  }
0x30: {  	v13 =	vld [tilespmem:s6+$0x10]  }
0x31: {  	v14 =	vld [tilespmem:s6+$0x0];
	v9 =	vsub.f32 v9, v7  }
0x32: {  	v15 =	vld [tilespmem:s6+$0xFFFFFFD0]  }
0x33: {  	v10 =	vsub.f32 v10, v7;
	v9 =	vmul.f32 v9, v8  }
0x34: {  	v17 =	vld [tilespmem:s6+$0xFFFFFFE0];
	v11 =	vsub.f32 v11, v7;
	v12 =	vsub.f32 v12, v7  }
0x35: {  	v13 =	vsub.f32 v13, v7;
	v10 =	vmul.f32 v10, v8;
	v9 =	vtrunc.f32 v9  }
0x36: {  	v14 =	vsub.f32 v14, v7;
	v11 =	vmul.f32 v11, v8;
	v16 =	vcvt.f32.s32 v9  }
0x37: {  	s6 =	simm.s32 $0x440;
	v15 =	vsub.f32 v15, v7;
	v12 =	vmul.f32 v12, v8;
	v10 =	vtrunc.f32 v10  }
0x38: {  	v18 =	vld [tilespmem:s6+$0x20];
	v11 =	vtrunc.f32 v11;
	v10 =	vcvt.f32.s32 v10;
	v16 =	vadd.s32 v0, v16  }
0x39: {  	v19 =	vld [tilespmem:s6+$0xFFFFFFF0];
	v17 =	vsub.f32 v17, v7;
	v13 =	vmul.f32 v13, v8;
	v11 =	vcvt.f32.s32 v11  }
0x3a: {  	v20 =	vld [tilespmem:s6+$0xFFFFFFC0];
	v14 =	vmul.f32 v14, v8;
	v12 =	vtrunc.f32 v12;
	v10 =	vadd.s32 v0, v10  }
0x3b: {  	v21 =	vld [tilespmem:s6+$0x30];
	v13 =	vtrunc.f32 v13;
	v12 =	vcvt.f32.s32 v12;
	v11 =	vadd.s32 v0, v11  }
0x3c: {  	v15 =	vmul.f32 v15, v8;
	v9 =	vld [tilespmem:s6+$0xFFFFFFD0];
	v13 =	vcvt.f32.s32 v13  }
0x3d: {  	v14 =	vtrunc.f32 v14;
	v12 =	vadd.s32 v0, v12;
	[tilespmem:v16+s3+$0x0] =	vst.idx.add.f32.msk $0xffff, v2;
	v16 =	vmul.f32 v17, v8  }
0x3e: {  	v14 =	vcvt.f32.s32 v14;
	v22 =	vadd.s32 v0, v13;
	v13 =	vtrunc.f32 v15;
	v15 =	vld [tilespmem:s6+$0x10]  }
0x3f: {  	v13 =	vcvt.f32.s32 v13;
	[tilespmem:v10+s3+$0x0] =	vst.idx.add.f32.msk $0xffff, v2;
	v16 =	vtrunc.f32 v16  }
0x40: {  	[tilespmem:v11+s3+$0x0] =	vst.idx.add.f32.msk $0xffff, v2;
	v11 =	vsub.f32 v20, v7;
	v20 =	vadd.s32 v0, v14;
	v16 =	vcvt.f32.s32 v16  }
0x41: {  	v18 =	vsub.f32 v18, v7;
	v13 =	vadd.s32 v0, v13;
	v17 =	vsub.f32 v21, v7;
	v14 =	vld [tilespmem:s6+$0x0]  }
0x42: {  	[tilespmem:v12+s3+$0x0] =	vst.idx.add.f32.msk $0xffff, v2;
	v11 =	vmul.f32 v11, v8;
	v12 =	vadd.s32 v0, v16  }
0x43: {  	v19 =	vsub.f32 v19, v7;
	v10 =	vld [tilespmem:s6+$0xFFFFFFE0];
	v21 =	vmul.f32 v17, v8  }
0x44: {  	[tilespmem:v22+s3+$0x0] =	vst.idx.add.f32.msk $0xffff, v2;
	v17 =	vmul.f32 v18, v8;
	v11 =	vtrunc.f32 v11  }
0x45: {  	s10 =	simm.s32 $0x8;
	v18 =	vtrunc.f32 v21;
	v16 =	vmul.f32 v19, v8;
	[tilespmem:v20+s3+$0x0] =	vst.idx.add.f32.msk $0xffff, v2  }
.LBB2_5:
0x46: {  	s10 =	sadd.s32 $0x8, s10;
	v15 =	vsub.f32 v15, v7;
	v17 =	vtrunc.f32 v17;
	v18 =	vcvt.f32.s32 v18;
	[tilespmem:v13+s3+$0x0] =	vst.idx.add.f32.msk $0xffff, v2;
	s9 =	simm.s32 $0xF0  }
0x47: {  	s6 =	sadd.s32 $0x400, s6;
	p0 =	slt.u32 s10, $0xF8;
	v13 =	vtrunc.f32 v16;
	v14 =	vsub.f32 v14, v7;
	v16 =	vcvt.f32.s32 v17;
	[tilespmem:v12+s3+$0x0] =	vst.idx.add.f32.msk $0xffff, v2  }
0x48: {  	v12 =	vld [tilespmem:s6+$0xFFFFFFD0];
	v13 =	vcvt.f32.s32 v13;
	v15 =	vmul.f32 v15, v8;
	v17 =	vadd.s32 v0, v18  }
0x49: {  	v10 =	vsub.f32 v10, v7;
	v18 =	vld [tilespmem:s6+$0x20];
	v14 =	vmul.f32 v14, v8;
	v16 =	vadd.s32 v0, v16  }
0x4a: {  	v23 =	vsub.f32 v9, v7;
	v19 =	vld [tilespmem:s6+$0xFFFFFFF0];
	v13 =	vadd.s32 v0, v13;
	v15 =	vtrunc.f32 v15  }
0x4b: {  	v11 =	vcvt.f32.s32 v11;
	v20 =	vld [tilespmem:s6+$0xFFFFFFC0];
	v14 =	vtrunc.f32 v14  }
0x4c: {  	v22 =	vmul.f32 v23, v8;
	v10 =	vmul.f32 v10, v8;
	v21 =	vld [tilespmem:s6+$0x30]  }
0x4d: {  	v15 =	vcvt.f32.s32 v15;
	v14 =	vcvt.f32.s32 v14;
	[tilespmem:v17+s3+$0x0] =	vst.idx.add.f32.msk $0xffff, v2;
	v9 =	vmov v12  }
0x4e: {  	v11 =	vadd.s32 v0, v11;
	v10 =	vtrunc.f32 v10;
	v12 =	vtrunc.f32 v22;
	[tilespmem:v16+s3+$0x0] =	vst.idx.add.f32.msk $0xffff, v2  }
0x4f: {  	v22 =	vadd.s32 v0, v15;
	v12 =	vcvt.f32.s32 v12;
	v16 =	vcvt.f32.s32 v10;
	[tilespmem:v13+s3+$0x0] =	vst.idx.add.f32.msk $0xffff, v2  }
0x50: {  	v17 =	vsub.f32 v20, v7;
	v10 =	vld [tilespmem:s6+$0xFFFFFFE0];
	v20 =	vadd.s32 v0, v14  }
.Ltmp1:
0x51: {  	v13 =	vadd.s32 v0, v12;
	v12 =	vadd.s32 v0, v16;
	v15 =	vld [tilespmem:s6+$0x10];
	v21 =	vsub.f32 v21, v7;
	(pc) =	sbr.rel @p0 .LBB2_5-.Ltmp1, $4  }
0x52: {  	v16 =	vmul.f32 v17, v8;
	v14 =	vld [tilespmem:s6+$0x0];
	v17 =	vsub.f32 v18, v7  }
0x53: {  	v18 =	vsub.f32 v19, v7;
	v19 =	vmul.f32 v21, v8;
	[tilespmem:v11+s3+$0x0] =	vst.idx.add.f32.msk $0xffff, v2  }
0x54: {  	v11 =	vtrunc.f32 v16;
	v17 =	vmul.f32 v17, v8;
	[tilespmem:v22+s3+$0x0] =	vst.idx.add.f32.msk $0xffff, v2  }
0x55: {  	v16 =	vmul.f32 v18, v8;
	v18 =	vtrunc.f32 v19;
	[tilespmem:v20+s3+$0x0] =	vst.idx.add.f32.msk $0xffff, v2  }
0x56: {  	v15 =	vsub.f32 v15, v7;
	v17 =	vtrunc.f32 v17  }
0x57: {  	v18 =	vcvt.f32.s32 v18;
	v9 =	vsub.f32 v9, v7;
	v11 =	vcvt.f32.s32 v11  }
0x58: {  	v10 =	vsub.f32 v10, v7;
	v16 =	vtrunc.f32 v16;
	v17 =	vcvt.f32.s32 v17  }
0x59: {  	v14 =	vsub.f32 v14, v7;
	v16 =	vcvt.f32.s32 v16;
	v15 =	vmul.f32 v15, v8  }
0x5a: {  	v18 =	vadd.s32 v0, v18;
	v9 =	vmul.f32 v9, v8;
	v10 =	vmul.f32 v10, v8  }
0x5b: {  	v11 =	vadd.s32 v0, v11;
	v14 =	vmul.f32 v14, v8;
	v15 =	vtrunc.f32 v15  }
0x5c: {  	v17 =	vadd.s32 v0, v17;
	v9 =	vtrunc.f32 v9;
	v15 =	vcvt.f32.s32 v15  }
0x5d: {  	[tilespmem:v13+s3+$0x0] =	vst.idx.add.f32.msk $0xffff, v2;
	v16 =	vadd.s32 v0, v16;
	v10 =	vtrunc.f32 v10;
	v9 =	vcvt.f32.s32 v9  }
0x5e: {  	[tilespmem:v12+s3+$0x0] =	vst.idx.add.f32.msk $0xffff, v2;
	v14 =	vtrunc.f32 v14;
	v10 =	vcvt.f32.s32 v10;
	v12 =	vadd.s32 v0, v15  }
0x5f: {  	v13 =	vcvt.f32.s32 v14;
	[tilespmem:v18+s3+$0x0] =	vst.idx.add.f32.msk $0xffff, v2;
	v9 =	vadd.s32 v0, v9  }
0x60: {  	v10 =	vadd.s32 v0, v10;
	[tilespmem:v11+s3+$0x0] =	vst.idx.add.f32.msk $0xffff, v2  }
0x61: {  	v13 =	vadd.s32 v0, v13;
	[tilespmem:v17+s3+$0x0] =	vst.idx.add.f32.msk $0xffff, v2  }
0x62: {  	[tilespmem:v16+s3+$0x0] =	vst.idx.add.f32.msk $0xffff, v2  }
0x63: {  	[tilespmem:v12+s3+$0x0] =	vst.idx.add.f32.msk $0xffff, v2  }
0x64: {  	[tilespmem:v9+s3+$0x0] =	vst.idx.add.f32.msk $0xffff, v2  }
0x65: {  	[tilespmem:v10+s3+$0x0] =	vst.idx.add.f32.msk $0xffff, v2  }
0x66: {  	[tilespmem:v13+s3+$0x0] =	vst.idx.add.f32.msk $0xffff, v2  }
0x67: {  	v9 =	vld [tilespmem:s9+$0x0]  }
0x68: {  	v10 =	vld [tilespmem:s9+$0xFFFFFFF0]  }
0x69: {  	v11 =	vld [tilespmem:s9+$0xFFFFFFC0]  }
0x6a: {  	v12 =	vld [tilespmem:s9+$0xFFFFFF90]  }
0x6b: {  	v13 =	vld [tilespmem:s9+$0xFFFFFFE0]  }
0x6c: {  	v14 =	vld [tilespmem:s9+$0xFFFFFFD0];
	v9 =	vsub.f32 v9, v7  }
0x6d: {  	v15 =	vld [tilespmem:s9+$0xFFFFFFA0]  }
0x6e: {  	v10 =	vsub.f32 v10, v7;
	v9 =	vmul.f32 v9, v8  }
0x6f: {  	v17 =	vld [tilespmem:s9+$0xFFFFFFB0];
	v11 =	vsub.f32 v11, v7;
	v12 =	vsub.f32 v12, v7  }
0x70: {  	v13 =	vsub.f32 v13, v7;
	v10 =	vmul.f32 v10, v8;
	v9 =	vtrunc.f32 v9  }
0x71: {  	v14 =	vsub.f32 v14, v7;
	v11 =	vmul.f32 v11, v8;
	v16 =	vcvt.f32.s32 v9  }
0x72: {  	s6 =	simm.s32 $0x4F0;
	v15 =	vsub.f32 v15, v7;
	v12 =	vmul.f32 v12, v8;
	v10 =	vtrunc.f32 v10  }
0x73: {  	v18 =	vld [tilespmem:s6+$0xFFFFFFF0];
	v11 =	vtrunc.f32 v11;
	v10 =	vcvt.f32.s32 v10;
	v16 =	vadd.s32 v0, v16  }
0x74: {  	v19 =	vld [tilespmem:s6+$0xFFFFFFC0];
	v17 =	vsub.f32 v17, v7;
	v13 =	vmul.f32 v13, v8;
	v11 =	vcvt.f32.s32 v11  }
0x75: {  	v20 =	vld [tilespmem:s6+$0xFFFFFF90];
	v14 =	vmul.f32 v14, v8;
	v12 =	vtrunc.f32 v12;
	v10 =	vadd.s32 v0, v10  }
0x76: {  	v21 =	vld [tilespmem:s6+$0x0];
	v13 =	vtrunc.f32 v13;
	v12 =	vcvt.f32.s32 v12;
	v11 =	vadd.s32 v0, v11  }
0x77: {  	v15 =	vmul.f32 v15, v8;
	v9 =	vld [tilespmem:s6+$0xFFFFFFA0];
	v13 =	vcvt.f32.s32 v13  }
0x78: {  	v14 =	vtrunc.f32 v14;
	v12 =	vadd.s32 v0, v12;
	[tilespmem:v16+s3+$0x0] =	vst.idx.add.f32.msk $0xffff, v2;
	v16 =	vmul.f32 v17, v8  }
0x79: {  	v14 =	vcvt.f32.s32 v14;
	v22 =	vadd.s32 v0, v13;
	v13 =	vtrunc.f32 v15;
	v15 =	vld [tilespmem:s6+$0xFFFFFFE0]  }
0x7a: {  	v13 =	vcvt.f32.s32 v13;
	[tilespmem:v10+s3+$0x0] =	vst.idx.add.f32.msk $0xffff, v2;
	v16 =	vtrunc.f32 v16  }
0x7b: {  	[tilespmem:v11+s3+$0x0] =	vst.idx.add.f32.msk $0xffff, v2;
	v11 =	vsub.f32 v20, v7;
	v20 =	vadd.s32 v0, v14;
	v16 =	vcvt.f32.s32 v16  }
0x7c: {  	v18 =	vsub.f32 v18, v7;
	v13 =	vadd.s32 v0, v13;
	v17 =	vsub.f32 v21, v7;
	v14 =	vld [tilespmem:s6+$0xFFFFFFD0]  }
0x7d: {  	[tilespmem:v12+s3+$0x0] =	vst.idx.add.f32.msk $0xffff, v2;
	v11 =	vmul.f32 v11, v8;
	v12 =	vadd.s32 v0, v16  }
0x7e: {  	v19 =	vsub.f32 v19, v7;
	v10 =	vld [tilespmem:s6+$0xFFFFFFB0];
	v21 =	vmul.f32 v17, v8  }
0x7f: {  	[tilespmem:v22+s3+$0x0] =	vst.idx.add.f32.msk $0xffff, v2;
	v17 =	vmul.f32 v18, v8;
	v11 =	vtrunc.f32 v11  }
0x80: {  	s10 =	simm.s32 $0x8;
	v18 =	vtrunc.f32 v21;
	v16 =	vmul.f32 v19, v8;
	[tilespmem:v20+s3+$0x0] =	vst.idx.add.f32.msk $0xffff, v2  }
.LBB2_7:
0x81: {  	s10 =	sadd.s32 $0x8, s10;
	v15 =	vsub.f32 v15, v7;
	v17 =	vtrunc.f32 v17;
	v18 =	vcvt.f32.s32 v18;
	[tilespmem:v13+s3+$0x0] =	vst.idx.add.f32.msk $0xffff, v2;
	s9 =	simm.s32 $0x170  }
0x82: {  	s6 =	sadd.s32 $0x400, s6;
	p0 =	slt.u32 s10, $0xF8;
	v13 =	vtrunc.f32 v16;
	v14 =	vsub.f32 v14, v7;
	v16 =	vcvt.f32.s32 v17;
	[tilespmem:v12+s3+$0x0] =	vst.idx.add.f32.msk $0xffff, v2  }
0x83: {  	v12 =	vld [tilespmem:s6+$0xFFFFFFA0];
	v13 =	vcvt.f32.s32 v13;
	v15 =	vmul.f32 v15, v8;
	v17 =	vadd.s32 v0, v18  }
0x84: {  	v10 =	vsub.f32 v10, v7;
	v18 =	vld [tilespmem:s6+$0xFFFFFFF0];
	v14 =	vmul.f32 v14, v8;
	v16 =	vadd.s32 v0, v16  }
0x85: {  	v23 =	vsub.f32 v9, v7;
	v19 =	vld [tilespmem:s6+$0xFFFFFFC0];
	v13 =	vadd.s32 v0, v13;
	v15 =	vtrunc.f32 v15  }
0x86: {  	v11 =	vcvt.f32.s32 v11;
	v20 =	vld [tilespmem:s6+$0xFFFFFF90];
	v14 =	vtrunc.f32 v14  }
0x87: {  	v22 =	vmul.f32 v23, v8;
	v10 =	vmul.f32 v10, v8;
	v21 =	vld [tilespmem:s6+$0x0]  }
0x88: {  	v15 =	vcvt.f32.s32 v15;
	v14 =	vcvt.f32.s32 v14;
	[tilespmem:v17+s3+$0x0] =	vst.idx.add.f32.msk $0xffff, v2;
	v9 =	vmov v12  }
0x89: {  	v11 =	vadd.s32 v0, v11;
	v10 =	vtrunc.f32 v10;
	v12 =	vtrunc.f32 v22;
	[tilespmem:v16+s3+$0x0] =	vst.idx.add.f32.msk $0xffff, v2  }
0x8a: {  	v22 =	vadd.s32 v0, v15;
	v12 =	vcvt.f32.s32 v12;
	v16 =	vcvt.f32.s32 v10;
	[tilespmem:v13+s3+$0x0] =	vst.idx.add.f32.msk $0xffff, v2  }
0x8b: {  	v17 =	vsub.f32 v20, v7;
	v10 =	vld [tilespmem:s6+$0xFFFFFFB0];
	v20 =	vadd.s32 v0, v14  }
.Ltmp2:
0x8c: {  	v13 =	vadd.s32 v0, v12;
	v12 =	vadd.s32 v0, v16;
	v15 =	vld [tilespmem:s6+$0xFFFFFFE0];
	v21 =	vsub.f32 v21, v7;
	(pc) =	sbr.rel @p0 .LBB2_7-.Ltmp2, $4  }
0x8d: {  	v16 =	vmul.f32 v17, v8;
	v14 =	vld [tilespmem:s6+$0xFFFFFFD0];
	v17 =	vsub.f32 v18, v7  }
0x8e: {  	v18 =	vsub.f32 v19, v7;
	v19 =	vmul.f32 v21, v8;
	[tilespmem:v11+s3+$0x0] =	vst.idx.add.f32.msk $0xffff, v2  }
0x8f: {  	v11 =	vtrunc.f32 v16;
	v17 =	vmul.f32 v17, v8;
	[tilespmem:v22+s3+$0x0] =	vst.idx.add.f32.msk $0xffff, v2  }
0x90: {  	v16 =	vmul.f32 v18, v8;
	v18 =	vtrunc.f32 v19;
	[tilespmem:v20+s3+$0x0] =	vst.idx.add.f32.msk $0xffff, v2  }
0x91: {  	v15 =	vsub.f32 v15, v7;
	v17 =	vtrunc.f32 v17  }
0x92: {  	v18 =	vcvt.f32.s32 v18;
	v9 =	vsub.f32 v9, v7;
	v11 =	vcvt.f32.s32 v11  }
0x93: {  	v10 =	vsub.f32 v10, v7;
	v16 =	vtrunc.f32 v16;
	v17 =	vcvt.f32.s32 v17  }
0x94: {  	v14 =	vsub.f32 v14, v7;
	v16 =	vcvt.f32.s32 v16;
	v15 =	vmul.f32 v15, v8  }
0x95: {  	v18 =	vadd.s32 v0, v18;
	v9 =	vmul.f32 v9, v8;
	v10 =	vmul.f32 v10, v8  }
0x96: {  	v11 =	vadd.s32 v0, v11;
	v14 =	vmul.f32 v14, v8;
	v15 =	vtrunc.f32 v15  }
0x97: {  	v17 =	vadd.s32 v0, v17;
	v9 =	vtrunc.f32 v9;
	v15 =	vcvt.f32.s32 v15  }
0x98: {  	[tilespmem:v13+s3+$0x0] =	vst.idx.add.f32.msk $0xffff, v2;
	v16 =	vadd.s32 v0, v16;
	v10 =	vtrunc.f32 v10;
	v9 =	vcvt.f32.s32 v9  }
0x99: {  	[tilespmem:v12+s3+$0x0] =	vst.idx.add.f32.msk $0xffff, v2;
	v14 =	vtrunc.f32 v14;
	v10 =	vcvt.f32.s32 v10;
	v12 =	vadd.s32 v0, v15  }
0x9a: {  	v13 =	vcvt.f32.s32 v14;
	[tilespmem:v18+s3+$0x0] =	vst.idx.add.f32.msk $0xffff, v2;
	v9 =	vadd.s32 v0, v9  }
0x9b: {  	v10 =	vadd.s32 v0, v10;
	[tilespmem:v11+s3+$0x0] =	vst.idx.add.f32.msk $0xffff, v2  }
0x9c: {  	v13 =	vadd.s32 v0, v13;
	[tilespmem:v17+s3+$0x0] =	vst.idx.add.f32.msk $0xffff, v2  }
0x9d: {  	[tilespmem:v16+s3+$0x0] =	vst.idx.add.f32.msk $0xffff, v2  }
0x9e: {  	[tilespmem:v12+s3+$0x0] =	vst.idx.add.f32.msk $0xffff, v2  }
0x9f: {  	[tilespmem:v9+s3+$0x0] =	vst.idx.add.f32.msk $0xffff, v2  }
0xa0: {  	[tilespmem:v10+s3+$0x0] =	vst.idx.add.f32.msk $0xffff, v2  }
0xa1: {  	[tilespmem:v13+s3+$0x0] =	vst.idx.add.f32.msk $0xffff, v2  }
0xa2: {  	v9 =	vld [tilespmem:s9+$0x0]  }
0xa3: {  	v10 =	vld [tilespmem:s9+$0xFFFFFFF0]  }
0xa4: {  	v11 =	vld [tilespmem:s9+$0xFFFFFFC0]  }
0xa5: {  	v12 =	vld [tilespmem:s9+$0xFFFFFF90]  }
0xa6: {  	v13 =	vld [tilespmem:s9+$0xFFFFFFE0]  }
0xa7: {  	v14 =	vld [tilespmem:s9+$0xFFFFFFD0];
	v9 =	vsub.f32 v9, v7  }
0xa8: {  	v15 =	vld [tilespmem:s9+$0xFFFFFFA0]  }
0xa9: {  	v10 =	vsub.f32 v10, v7;
	v9 =	vmul.f32 v9, v8  }
0xaa: {  	v17 =	vld [tilespmem:s9+$0xFFFFFFB0];
	v11 =	vsub.f32 v11, v7;
	v12 =	vsub.f32 v12, v7  }
0xab: {  	v13 =	vsub.f32 v13, v7;
	v10 =	vmul.f32 v10, v8;
	v9 =	vtrunc.f32 v9  }
0xac: {  	v14 =	vsub.f32 v14, v7;
	v11 =	vmul.f32 v11, v8;
	v16 =	vcvt.f32.s32 v9  }
0xad: {  	s6 =	simm.s32 $0x570;
	v15 =	vsub.f32 v15, v7;
	v12 =	vmul.f32 v12, v8;
	v10 =	vtrunc.f32 v10  }
0xae: {  	v18 =	vld [tilespmem:s6+$0xFFFFFFF0];
	v11 =	vtrunc.f32 v11;
	v10 =	vcvt.f32.s32 v10;
	v16 =	vadd.s32 v0, v16  }
0xaf: {  	v19 =	vld [tilespmem:s6+$0xFFFFFFC0];
	v17 =	vsub.f32 v17, v7;
	v13 =	vmul.f32 v13, v8;
	v11 =	vcvt.f32.s32 v11  }
0xb0: {  	v20 =	vld [tilespmem:s6+$0xFFFFFF90];
	v14 =	vmul.f32 v14, v8;
	v12 =	vtrunc.f32 v12;
	v10 =	vadd.s32 v0, v10  }
0xb1: {  	v21 =	vld [tilespmem:s6+$0x0];
	v13 =	vtrunc.f32 v13;
	v12 =	vcvt.f32.s32 v12;
	v11 =	vadd.s32 v0, v11  }
0xb2: {  	v15 =	vmul.f32 v15, v8;
	v9 =	vld [tilespmem:s6+$0xFFFFFFA0];
	v13 =	vcvt.f32.s32 v13  }
0xb3: {  	v14 =	vtrunc.f32 v14;
	v12 =	vadd.s32 v0, v12;
	[tilespmem:v16+s3+$0x0] =	vst.idx.add.f32.msk $0xffff, v2;
	v16 =	vmul.f32 v17, v8  }
0xb4: {  	v14 =	vcvt.f32.s32 v14;
	v22 =	vadd.s32 v0, v13;
	v13 =	vtrunc.f32 v15;
	v15 =	vld [tilespmem:s6+$0xFFFFFFE0]  }
0xb5: {  	v13 =	vcvt.f32.s32 v13;
	[tilespmem:v10+s3+$0x0] =	vst.idx.add.f32.msk $0xffff, v2;
	v16 =	vtrunc.f32 v16  }
0xb6: {  	[tilespmem:v11+s3+$0x0] =	vst.idx.add.f32.msk $0xffff, v2;
	v11 =	vsub.f32 v20, v7;
	v20 =	vadd.s32 v0, v14;
	v16 =	vcvt.f32.s32 v16  }
0xb7: {  	v18 =	vsub.f32 v18, v7;
	v13 =	vadd.s32 v0, v13;
	v17 =	vsub.f32 v21, v7;
	v14 =	vld [tilespmem:s6+$0xFFFFFFD0]  }
0xb8: {  	[tilespmem:v12+s3+$0x0] =	vst.idx.add.f32.msk $0xffff, v2;
	v11 =	vmul.f32 v11, v8;
	v12 =	vadd.s32 v0, v16  }
0xb9: {  	v19 =	vsub.f32 v19, v7;
	v10 =	vld [tilespmem:s6+$0xFFFFFFB0];
	v21 =	vmul.f32 v17, v8  }
0xba: {  	[tilespmem:v22+s3+$0x0] =	vst.idx.add.f32.msk $0xffff, v2;
	v17 =	vmul.f32 v18, v8;
	v11 =	vtrunc.f32 v11  }
0xbb: {  	s10 =	simm.s32 $0x8;
	v18 =	vtrunc.f32 v21;
	v16 =	vmul.f32 v19, v8;
	[tilespmem:v20+s3+$0x0] =	vst.idx.add.f32.msk $0xffff, v2  }
.LBB2_9:
0xbc: {  	s10 =	sadd.s32 $0x8, s10;
	v15 =	vsub.f32 v15, v7;
	v17 =	vtrunc.f32 v17;
	v18 =	vcvt.f32.s32 v18;
	[tilespmem:v13+s3+$0x0] =	vst.idx.add.f32.msk $0xffff, v2;
	s9 =	simm.s32 $0x1F0  }
0xbd: {  	s6 =	sadd.s32 $0x400, s6;
	p0 =	slt.u32 s10, $0xF8;
	v13 =	vtrunc.f32 v16;
	v14 =	vsub.f32 v14, v7;
	v16 =	vcvt.f32.s32 v17;
	[tilespmem:v12+s3+$0x0] =	vst.idx.add.f32.msk $0xffff, v2  }
0xbe: {  	v12 =	vld [tilespmem:s6+$0xFFFFFFA0];
	v13 =	vcvt.f32.s32 v13;
	v15 =	vmul.f32 v15, v8;
	v17 =	vadd.s32 v0, v18  }
0xbf: {  	v10 =	vsub.f32 v10, v7;
	v18 =	vld [tilespmem:s6+$0xFFFFFFF0];
	v14 =	vmul.f32 v14, v8;
	v16 =	vadd.s32 v0, v16  }
0xc0: {  	v23 =	vsub.f32 v9, v7;
	v19 =	vld [tilespmem:s6+$0xFFFFFFC0];
	v13 =	vadd.s32 v0, v13;
	v15 =	vtrunc.f32 v15  }
0xc1: {  	v11 =	vcvt.f32.s32 v11;
	v20 =	vld [tilespmem:s6+$0xFFFFFF90];
	v14 =	vtrunc.f32 v14  }
0xc2: {  	v22 =	vmul.f32 v23, v8;
	v10 =	vmul.f32 v10, v8;
	v21 =	vld [tilespmem:s6+$0x0]  }
0xc3: {  	v15 =	vcvt.f32.s32 v15;
	v14 =	vcvt.f32.s32 v14;
	[tilespmem:v17+s3+$0x0] =	vst.idx.add.f32.msk $0xffff, v2;
	v9 =	vmov v12  }
0xc4: {  	v11 =	vadd.s32 v0, v11;
	v10 =	vtrunc.f32 v10;
	v12 =	vtrunc.f32 v22;
	[tilespmem:v16+s3+$0x0] =	vst.idx.add.f32.msk $0xffff, v2  }
0xc5: {  	v22 =	vadd.s32 v0, v15;
	v12 =	vcvt.f32.s32 v12;
	v16 =	vcvt.f32.s32 v10;
	[tilespmem:v13+s3+$0x0] =	vst.idx.add.f32.msk $0xffff, v2  }
0xc6: {  	v17 =	vsub.f32 v20, v7;
	v10 =	vld [tilespmem:s6+$0xFFFFFFB0];
	v20 =	vadd.s32 v0, v14  }
.Ltmp3:
0xc7: {  	v13 =	vadd.s32 v0, v12;
	v12 =	vadd.s32 v0, v16;
	v15 =	vld [tilespmem:s6+$0xFFFFFFE0];
	v21 =	vsub.f32 v21, v7;
	(pc) =	sbr.rel @p0 .LBB2_9-.Ltmp3, $4  }
0xc8: {  	v16 =	vmul.f32 v17, v8;
	v14 =	vld [tilespmem:s6+$0xFFFFFFD0];
	v17 =	vsub.f32 v18, v7  }
0xc9: {  	v18 =	vsub.f32 v19, v7;
	v19 =	vmul.f32 v21, v8;
	[tilespmem:v11+s3+$0x0] =	vst.idx.add.f32.msk $0xffff, v2  }
0xca: {  	v11 =	vtrunc.f32 v16;
	v17 =	vmul.f32 v17, v8;
	[tilespmem:v22+s3+$0x0] =	vst.idx.add.f32.msk $0xffff, v2  }
0xcb: {  	v16 =	vmul.f32 v18, v8;
	v18 =	vtrunc.f32 v19;
	[tilespmem:v20+s3+$0x0] =	vst.idx.add.f32.msk $0xffff, v2  }
0xcc: {  	v15 =	vsub.f32 v15, v7;
	v17 =	vtrunc.f32 v17  }
0xcd: {  	v18 =	vcvt.f32.s32 v18;
	v9 =	vsub.f32 v9, v7;
	v11 =	vcvt.f32.s32 v11  }
0xce: {  	v10 =	vsub.f32 v10, v7;
	v16 =	vtrunc.f32 v16;
	v17 =	vcvt.f32.s32 v17  }
0xcf: {  	v14 =	vsub.f32 v14, v7;
	v16 =	vcvt.f32.s32 v16;
	v15 =	vmul.f32 v15, v8  }
0xd0: {  	v18 =	vadd.s32 v0, v18;
	v9 =	vmul.f32 v9, v8;
	v10 =	vmul.f32 v10, v8  }
0xd1: {  	v11 =	vadd.s32 v0, v11;
	v14 =	vmul.f32 v14, v8;
	v15 =	vtrunc.f32 v15  }
0xd2: {  	v17 =	vadd.s32 v0, v17;
	v9 =	vtrunc.f32 v9;
	v15 =	vcvt.f32.s32 v15  }
0xd3: {  	[tilespmem:v13+s3+$0x0] =	vst.idx.add.f32.msk $0xffff, v2;
	v16 =	vadd.s32 v0, v16;
	v10 =	vtrunc.f32 v10;
	v9 =	vcvt.f32.s32 v9  }
0xd4: {  	[tilespmem:v12+s3+$0x0] =	vst.idx.add.f32.msk $0xffff, v2;
	v14 =	vtrunc.f32 v14;
	v10 =	vcvt.f32.s32 v10;
	v12 =	vadd.s32 v0, v15  }
0xd5: {  	v13 =	vcvt.f32.s32 v14;
	[tilespmem:v18+s3+$0x0] =	vst.idx.add.f32.msk $0xffff, v2;
	v9 =	vadd.s32 v0, v9  }
0xd6: {  	v10 =	vadd.s32 v0, v10;
	[tilespmem:v11+s3+$0x0] =	vst.idx.add.f32.msk $0xffff, v2  }
0xd7: {  	v13 =	vadd.s32 v0, v13;
	[tilespmem:v17+s3+$0x0] =	vst.idx.add.f32.msk $0xffff, v2  }
0xd8: {  	[tilespmem:v16+s3+$0x0] =	vst.idx.add.f32.msk $0xffff, v2  }
0xd9: {  	[tilespmem:v12+s3+$0x0] =	vst.idx.add.f32.msk $0xffff, v2  }
0xda: {  	[tilespmem:v9+s3+$0x0] =	vst.idx.add.f32.msk $0xffff, v2  }
0xdb: {  	[tilespmem:v10+s3+$0x0] =	vst.idx.add.f32.msk $0xffff, v2  }
0xdc: {  	[tilespmem:v13+s3+$0x0] =	vst.idx.add.f32.msk $0xffff, v2  }
0xdd: {  	v9 =	vld [tilespmem:s9+$0x0]  }
0xde: {  	v10 =	vld [tilespmem:s9+$0xFFFFFFF0]  }
0xdf: {  	v11 =	vld [tilespmem:s9+$0xFFFFFFC0]  }
0xe0: {  	v12 =	vld [tilespmem:s9+$0xFFFFFF90]  }
0xe1: {  	v13 =	vld [tilespmem:s9+$0xFFFFFFE0]  }
0xe2: {  	v14 =	vld [tilespmem:s9+$0xFFFFFFD0];
	v9 =	vsub.f32 v9, v7  }
0xe3: {  	v15 =	vld [tilespmem:s9+$0xFFFFFFA0]  }
0xe4: {  	v10 =	vsub.f32 v10, v7;
	v9 =	vmul.f32 v9, v8  }
0xe5: {  	v17 =	vld [tilespmem:s9+$0xFFFFFFB0];
	v11 =	vsub.f32 v11, v7;
	v12 =	vsub.f32 v12, v7  }
0xe6: {  	v13 =	vsub.f32 v13, v7;
	v10 =	vmul.f32 v10, v8;
	v9 =	vtrunc.f32 v9  }
0xe7: {  	v14 =	vsub.f32 v14, v7;
	v11 =	vmul.f32 v11, v8;
	v16 =	vcvt.f32.s32 v9  }
0xe8: {  	s6 =	simm.s32 $0x5F0;
	v15 =	vsub.f32 v15, v7;
	v12 =	vmul.f32 v12, v8;
	v10 =	vtrunc.f32 v10  }
0xe9: {  	v18 =	vld [tilespmem:s6+$0xFFFFFFF0];
	v11 =	vtrunc.f32 v11;
	v10 =	vcvt.f32.s32 v10;
	v16 =	vadd.s32 v0, v16  }
0xea: {  	v19 =	vld [tilespmem:s6+$0xFFFFFFC0];
	v17 =	vsub.f32 v17, v7;
	v13 =	vmul.f32 v13, v8;
	v11 =	vcvt.f32.s32 v11  }
0xeb: {  	v20 =	vld [tilespmem:s6+$0xFFFFFF90];
	v14 =	vmul.f32 v14, v8;
	v12 =	vtrunc.f32 v12;
	v10 =	vadd.s32 v0, v10  }
0xec: {  	v21 =	vld [tilespmem:s6+$0x0];
	v13 =	vtrunc.f32 v13;
	v12 =	vcvt.f32.s32 v12;
	v11 =	vadd.s32 v0, v11  }
0xed: {  	v15 =	vmul.f32 v15, v8;
	v9 =	vld [tilespmem:s6+$0xFFFFFFA0];
	v13 =	vcvt.f32.s32 v13  }
0xee: {  	v14 =	vtrunc.f32 v14;
	v12 =	vadd.s32 v0, v12;
	[tilespmem:v16+s3+$0x0] =	vst.idx.add.f32.msk $0xffff, v2;
	v16 =	vmul.f32 v17, v8  }
0xef: {  	v14 =	vcvt.f32.s32 v14;
	v22 =	vadd.s32 v0, v13;
	v13 =	vtrunc.f32 v15;
	v15 =	vld [tilespmem:s6+$0xFFFFFFE0]  }
0xf0: {  	v13 =	vcvt.f32.s32 v13;
	[tilespmem:v10+s3+$0x0] =	vst.idx.add.f32.msk $0xffff, v2;
	v16 =	vtrunc.f32 v16  }
0xf1: {  	[tilespmem:v11+s3+$0x0] =	vst.idx.add.f32.msk $0xffff, v2;
	v11 =	vsub.f32 v20, v7;
	v20 =	vadd.s32 v0, v14;
	v16 =	vcvt.f32.s32 v16  }
0xf2: {  	v18 =	vsub.f32 v18, v7;
	v13 =	vadd.s32 v0, v13;
	v17 =	vsub.f32 v21, v7;
	v14 =	vld [tilespmem:s6+$0xFFFFFFD0]  }
0xf3: {  	[tilespmem:v12+s3+$0x0] =	vst.idx.add.f32.msk $0xffff, v2;
	v11 =	vmul.f32 v11, v8;
	v12 =	vadd.s32 v0, v16  }
0xf4: {  	v19 =	vsub.f32 v19, v7;
	v10 =	vld [tilespmem:s6+$0xFFFFFFB0];
	v21 =	vmul.f32 v17, v8  }
0xf5: {  	[tilespmem:v22+s3+$0x0] =	vst.idx.add.f32.msk $0xffff, v2;
	v17 =	vmul.f32 v18, v8;
	v11 =	vtrunc.f32 v11  }
0xf6: {  	s10 =	simm.s32 $0x8;
	v18 =	vtrunc.f32 v21;
	v16 =	vmul.f32 v19, v8;
	[tilespmem:v20+s3+$0x0] =	vst.idx.add.f32.msk $0xffff, v2  }
.LBB2_11:
0xf7: {  	s10 =	sadd.s32 $0x8, s10;
	v15 =	vsub.f32 v15, v7;
	v17 =	vtrunc.f32 v17;
	v18 =	vcvt.f32.s32 v18;
	[tilespmem:v13+s3+$0x0] =	vst.idx.add.f32.msk $0xffff, v2;
	s9 =	simm.s32 $0x270  }
0xf8: {  	s6 =	sadd.s32 $0x400, s6;
	p0 =	slt.u32 s10, $0xF8;
	v13 =	vtrunc.f32 v16;
	v14 =	vsub.f32 v14, v7;
	v16 =	vcvt.f32.s32 v17;
	[tilespmem:v12+s3+$0x0] =	vst.idx.add.f32.msk $0xffff, v2  }
0xf9: {  	v12 =	vld [tilespmem:s6+$0xFFFFFFA0];
	v13 =	vcvt.f32.s32 v13;
	v15 =	vmul.f32 v15, v8;
	v17 =	vadd.s32 v0, v18  }
0xfa: {  	v10 =	vsub.f32 v10, v7;
	v18 =	vld [tilespmem:s6+$0xFFFFFFF0];
	v14 =	vmul.f32 v14, v8;
	v16 =	vadd.s32 v0, v16  }
0xfb: {  	v23 =	vsub.f32 v9, v7;
	v19 =	vld [tilespmem:s6+$0xFFFFFFC0];
	v13 =	vadd.s32 v0, v13;
	v15 =	vtrunc.f32 v15  }
0xfc: {  	v11 =	vcvt.f32.s32 v11;
	v20 =	vld [tilespmem:s6+$0xFFFFFF90];
	v14 =	vtrunc.f32 v14  }
0xfd: {  	v22 =	vmul.f32 v23, v8;
	v10 =	vmul.f32 v10, v8;
	v21 =	vld [tilespmem:s6+$0x0]  }
0xfe: {  	v15 =	vcvt.f32.s32 v15;
	v14 =	vcvt.f32.s32 v14;
	[tilespmem:v17+s3+$0x0] =	vst.idx.add.f32.msk $0xffff, v2;
	v9 =	vmov v12  }
0xff: {  	v11 =	vadd.s32 v0, v11;
	v10 =	vtrunc.f32 v10;
	v12 =	vtrunc.f32 v22;
	[tilespmem:v16+s3+$0x0] =	vst.idx.add.f32.msk $0xffff, v2  }
0x100: {  	v22 =	vadd.s32 v0, v15;
	v12 =	vcvt.f32.s32 v12;
	v16 =	vcvt.f32.s32 v10;
	[tilespmem:v13+s3+$0x0] =	vst.idx.add.f32.msk $0xffff, v2  }
0x101: {  	v17 =	vsub.f32 v20, v7;
	v10 =	vld [tilespmem:s6+$0xFFFFFFB0];
	v20 =	vadd.s32 v0, v14  }
.Ltmp4:
0x102: {  	v13 =	vadd.s32 v0, v12;
	v12 =	vadd.s32 v0, v16;
	v15 =	vld [tilespmem:s6+$0xFFFFFFE0];
	v21 =	vsub.f32 v21, v7;
	(pc) =	sbr.rel @p0 .LBB2_11-.Ltmp4, $4  }
0x103: {  	v16 =	vmul.f32 v17, v8;
	v14 =	vld [tilespmem:s6+$0xFFFFFFD0];
	v17 =	vsub.f32 v18, v7  }
0x104: {  	v18 =	vsub.f32 v19, v7;
	v19 =	vmul.f32 v21, v8;
	[tilespmem:v11+s3+$0x0] =	vst.idx.add.f32.msk $0xffff, v2  }
0x105: {  	v11 =	vtrunc.f32 v16;
	v17 =	vmul.f32 v17, v8;
	[tilespmem:v22+s3+$0x0] =	vst.idx.add.f32.msk $0xffff, v2  }
0x106: {  	v16 =	vmul.f32 v18, v8;
	v18 =	vtrunc.f32 v19;
	[tilespmem:v20+s3+$0x0] =	vst.idx.add.f32.msk $0xffff, v2  }
0x107: {  	v15 =	vsub.f32 v15, v7;
	v17 =	vtrunc.f32 v17  }
0x108: {  	v18 =	vcvt.f32.s32 v18;
	v9 =	vsub.f32 v9, v7;
	v11 =	vcvt.f32.s32 v11  }
0x109: {  	v10 =	vsub.f32 v10, v7;
	v16 =	vtrunc.f32 v16;
	v17 =	vcvt.f32.s32 v17  }
0x10a: {  	v14 =	vsub.f32 v14, v7;
	v16 =	vcvt.f32.s32 v16;
	v15 =	vmul.f32 v15, v8  }
0x10b: {  	v18 =	vadd.s32 v0, v18;
	v9 =	vmul.f32 v9, v8;
	v10 =	vmul.f32 v10, v8  }
0x10c: {  	v11 =	vadd.s32 v0, v11;
	v14 =	vmul.f32 v14, v8;
	v15 =	vtrunc.f32 v15  }
0x10d: {  	v17 =	vadd.s32 v0, v17;
	v9 =	vtrunc.f32 v9;
	v15 =	vcvt.f32.s32 v15  }
0x10e: {  	[tilespmem:v13+s3+$0x0] =	vst.idx.add.f32.msk $0xffff, v2;
	v16 =	vadd.s32 v0, v16;
	v10 =	vtrunc.f32 v10;
	v9 =	vcvt.f32.s32 v9  }
0x10f: {  	[tilespmem:v12+s3+$0x0] =	vst.idx.add.f32.msk $0xffff, v2;
	v14 =	vtrunc.f32 v14;
	v10 =	vcvt.f32.s32 v10;
	v12 =	vadd.s32 v0, v15  }
0x110: {  	v13 =	vcvt.f32.s32 v14;
	[tilespmem:v18+s3+$0x0] =	vst.idx.add.f32.msk $0xffff, v2;
	v9 =	vadd.s32 v0, v9  }
0x111: {  	v10 =	vadd.s32 v0, v10;
	[tilespmem:v11+s3+$0x0] =	vst.idx.add.f32.msk $0xffff, v2  }
0x112: {  	v13 =	vadd.s32 v0, v13;
	[tilespmem:v17+s3+$0x0] =	vst.idx.add.f32.msk $0xffff, v2  }
0x113: {  	[tilespmem:v16+s3+$0x0] =	vst.idx.add.f32.msk $0xffff, v2  }
0x114: {  	[tilespmem:v12+s3+$0x0] =	vst.idx.add.f32.msk $0xffff, v2  }
0x115: {  	[tilespmem:v9+s3+$0x0] =	vst.idx.add.f32.msk $0xffff, v2  }
0x116: {  	[tilespmem:v10+s3+$0x0] =	vst.idx.add.f32.msk $0xffff, v2  }
0x117: {  	[tilespmem:v13+s3+$0x0] =	vst.idx.add.f32.msk $0xffff, v2  }
0x118: {  	v9 =	vld [tilespmem:s9+$0x0]  }
0x119: {  	v10 =	vld [tilespmem:s9+$0xFFFFFFF0]  }
0x11a: {  	v11 =	vld [tilespmem:s9+$0xFFFFFFC0]  }
0x11b: {  	v12 =	vld [tilespmem:s9+$0xFFFFFF90]  }
0x11c: {  	v13 =	vld [tilespmem:s9+$0xFFFFFFE0]  }
0x11d: {  	v14 =	vld [tilespmem:s9+$0xFFFFFFD0];
	v9 =	vsub.f32 v9, v7  }
0x11e: {  	v15 =	vld [tilespmem:s9+$0xFFFFFFA0]  }
0x11f: {  	v10 =	vsub.f32 v10, v7;
	v9 =	vmul.f32 v9, v8  }
0x120: {  	v17 =	vld [tilespmem:s9+$0xFFFFFFB0];
	v11 =	vsub.f32 v11, v7;
	v12 =	vsub.f32 v12, v7  }
0x121: {  	v13 =	vsub.f32 v13, v7;
	v10 =	vmul.f32 v10, v8;
	v9 =	vtrunc.f32 v9  }
0x122: {  	v14 =	vsub.f32 v14, v7;
	v11 =	vmul.f32 v11, v8;
	v16 =	vcvt.f32.s32 v9  }
0x123: {  	s6 =	simm.s32 $0x670;
	v15 =	vsub.f32 v15, v7;
	v12 =	vmul.f32 v12, v8;
	v10 =	vtrunc.f32 v10  }
0x124: {  	v18 =	vld [tilespmem:s6+$0xFFFFFFF0];
	v11 =	vtrunc.f32 v11;
	v10 =	vcvt.f32.s32 v10;
	v16 =	vadd.s32 v0, v16  }
0x125: {  	v19 =	vld [tilespmem:s6+$0xFFFFFFC0];
	v17 =	vsub.f32 v17, v7;
	v13 =	vmul.f32 v13, v8;
	v11 =	vcvt.f32.s32 v11  }
0x126: {  	v20 =	vld [tilespmem:s6+$0xFFFFFF90];
	v14 =	vmul.f32 v14, v8;
	v12 =	vtrunc.f32 v12;
	v10 =	vadd.s32 v0, v10  }
0x127: {  	v21 =	vld [tilespmem:s6+$0x0];
	v13 =	vtrunc.f32 v13;
	v12 =	vcvt.f32.s32 v12;
	v11 =	vadd.s32 v0, v11  }
0x128: {  	v15 =	vmul.f32 v15, v8;
	v9 =	vld [tilespmem:s6+$0xFFFFFFA0];
	v13 =	vcvt.f32.s32 v13  }
0x129: {  	v14 =	vtrunc.f32 v14;
	v12 =	vadd.s32 v0, v12;
	[tilespmem:v16+s3+$0x0] =	vst.idx.add.f32.msk $0xffff, v2;
	v16 =	vmul.f32 v17, v8  }
0x12a: {  	v14 =	vcvt.f32.s32 v14;
	v22 =	vadd.s32 v0, v13;
	v13 =	vtrunc.f32 v15;
	v15 =	vld [tilespmem:s6+$0xFFFFFFE0]  }
0x12b: {  	v13 =	vcvt.f32.s32 v13;
	[tilespmem:v10+s3+$0x0] =	vst.idx.add.f32.msk $0xffff, v2;
	v16 =	vtrunc.f32 v16  }
0x12c: {  	[tilespmem:v11+s3+$0x0] =	vst.idx.add.f32.msk $0xffff, v2;
	v11 =	vsub.f32 v20, v7;
	v20 =	vadd.s32 v0, v14;
	v16 =	vcvt.f32.s32 v16  }
0x12d: {  	v18 =	vsub.f32 v18, v7;
	v13 =	vadd.s32 v0, v13;
	v17 =	vsub.f32 v21, v7;
	v14 =	vld [tilespmem:s6+$0xFFFFFFD0]  }
0x12e: {  	[tilespmem:v12+s3+$0x0] =	vst.idx.add.f32.msk $0xffff, v2;
	v11 =	vmul.f32 v11, v8;
	v12 =	vadd.s32 v0, v16  }
0x12f: {  	v19 =	vsub.f32 v19, v7;
	v10 =	vld [tilespmem:s6+$0xFFFFFFB0];
	v21 =	vmul.f32 v17, v8  }
0x130: {  	[tilespmem:v22+s3+$0x0] =	vst.idx.add.f32.msk $0xffff, v2;
	v17 =	vmul.f32 v18, v8;
	v11 =	vtrunc.f32 v11  }
0x131: {  	s10 =	simm.s32 $0x8;
	v18 =	vtrunc.f32 v21;
	v16 =	vmul.f32 v19, v8;
	[tilespmem:v20+s3+$0x0] =	vst.idx.add.f32.msk $0xffff, v2  }
.LBB2_13:
0x132: {  	s10 =	sadd.s32 $0x8, s10;
	v15 =	vsub.f32 v15, v7;
	v17 =	vtrunc.f32 v17;
	v18 =	vcvt.f32.s32 v18;
	[tilespmem:v13+s3+$0x0] =	vst.idx.add.f32.msk $0xffff, v2;
	s9 =	simm.s32 $0x2F0  }
0x133: {  	s6 =	sadd.s32 $0x400, s6;
	p0 =	slt.u32 s10, $0xF8;
	v13 =	vtrunc.f32 v16;
	v14 =	vsub.f32 v14, v7;
	v16 =	vcvt.f32.s32 v17;
	[tilespmem:v12+s3+$0x0] =	vst.idx.add.f32.msk $0xffff, v2  }
0x134: {  	v12 =	vld [tilespmem:s6+$0xFFFFFFA0];
	v13 =	vcvt.f32.s32 v13;
	v15 =	vmul.f32 v15, v8;
	v17 =	vadd.s32 v0, v18  }
0x135: {  	v10 =	vsub.f32 v10, v7;
	v18 =	vld [tilespmem:s6+$0xFFFFFFF0];
	v14 =	vmul.f32 v14, v8;
	v16 =	vadd.s32 v0, v16  }
0x136: {  	v23 =	vsub.f32 v9, v7;
	v19 =	vld [tilespmem:s6+$0xFFFFFFC0];
	v13 =	vadd.s32 v0, v13;
	v15 =	vtrunc.f32 v15  }
0x137: {  	v11 =	vcvt.f32.s32 v11;
	v20 =	vld [tilespmem:s6+$0xFFFFFF90];
	v14 =	vtrunc.f32 v14  }
0x138: {  	v22 =	vmul.f32 v23, v8;
	v10 =	vmul.f32 v10, v8;
	v21 =	vld [tilespmem:s6+$0x0]  }
0x139: {  	v15 =	vcvt.f32.s32 v15;
	v14 =	vcvt.f32.s32 v14;
	[tilespmem:v17+s3+$0x0] =	vst.idx.add.f32.msk $0xffff, v2;
	v9 =	vmov v12  }
0x13a: {  	v11 =	vadd.s32 v0, v11;
	v10 =	vtrunc.f32 v10;
	v12 =	vtrunc.f32 v22;
	[tilespmem:v16+s3+$0x0] =	vst.idx.add.f32.msk $0xffff, v2  }
0x13b: {  	v22 =	vadd.s32 v0, v15;
	v12 =	vcvt.f32.s32 v12;
	v16 =	vcvt.f32.s32 v10;
	[tilespmem:v13+s3+$0x0] =	vst.idx.add.f32.msk $0xffff, v2  }
0x13c: {  	v17 =	vsub.f32 v20, v7;
	v10 =	vld [tilespmem:s6+$0xFFFFFFB0];
	v20 =	vadd.s32 v0, v14  }
.Ltmp5:
0x13d: {  	v13 =	vadd.s32 v0, v12;
	v12 =	vadd.s32 v0, v16;
	v15 =	vld [tilespmem:s6+$0xFFFFFFE0];
	v21 =	vsub.f32 v21, v7;
	(pc) =	sbr.rel @p0 .LBB2_13-.Ltmp5, $4  }
0x13e: {  	v16 =	vmul.f32 v17, v8;
	v14 =	vld [tilespmem:s6+$0xFFFFFFD0];
	v17 =	vsub.f32 v18, v7  }
0x13f: {  	v18 =	vsub.f32 v19, v7;
	v19 =	vmul.f32 v21, v8;
	[tilespmem:v11+s3+$0x0] =	vst.idx.add.f32.msk $0xffff, v2  }
0x140: {  	v11 =	vtrunc.f32 v16;
	v17 =	vmul.f32 v17, v8;
	[tilespmem:v22+s3+$0x0] =	vst.idx.add.f32.msk $0xffff, v2  }
0x141: {  	v16 =	vmul.f32 v18, v8;
	v18 =	vtrunc.f32 v19;
	[tilespmem:v20+s3+$0x0] =	vst.idx.add.f32.msk $0xffff, v2  }
0x142: {  	v15 =	vsub.f32 v15, v7;
	v17 =	vtrunc.f32 v17  }
0x143: {  	v18 =	vcvt.f32.s32 v18;
	v9 =	vsub.f32 v9, v7;
	v11 =	vcvt.f32.s32 v11  }
0x144: {  	v10 =	vsub.f32 v10, v7;
	v16 =	vtrunc.f32 v16;
	v17 =	vcvt.f32.s32 v17  }
0x145: {  	v14 =	vsub.f32 v14, v7;
	v16 =	vcvt.f32.s32 v16;
	v15 =	vmul.f32 v15, v8  }
0x146: {  	v18 =	vadd.s32 v0, v18;
	v9 =	vmul.f32 v9, v8;
	v10 =	vmul.f32 v10, v8  }
0x147: {  	v11 =	vadd.s32 v0, v11;
	v14 =	vmul.f32 v14, v8;
	v15 =	vtrunc.f32 v15  }
0x148: {  	v17 =	vadd.s32 v0, v17;
	v9 =	vtrunc.f32 v9;
	v15 =	vcvt.f32.s32 v15  }
0x149: {  	[tilespmem:v13+s3+$0x0] =	vst.idx.add.f32.msk $0xffff, v2;
	v16 =	vadd.s32 v0, v16;
	v10 =	vtrunc.f32 v10;
	v9 =	vcvt.f32.s32 v9  }
0x14a: {  	[tilespmem:v12+s3+$0x0] =	vst.idx.add.f32.msk $0xffff, v2;
	v14 =	vtrunc.f32 v14;
	v10 =	vcvt.f32.s32 v10;
	v12 =	vadd.s32 v0, v15  }
0x14b: {  	v13 =	vcvt.f32.s32 v14;
	[tilespmem:v18+s3+$0x0] =	vst.idx.add.f32.msk $0xffff, v2;
	v9 =	vadd.s32 v0, v9  }
0x14c: {  	v10 =	vadd.s32 v0, v10;
	[tilespmem:v11+s3+$0x0] =	vst.idx.add.f32.msk $0xffff, v2  }
0x14d: {  	v13 =	vadd.s32 v0, v13;
	[tilespmem:v17+s3+$0x0] =	vst.idx.add.f32.msk $0xffff, v2  }
0x14e: {  	[tilespmem:v16+s3+$0x0] =	vst.idx.add.f32.msk $0xffff, v2  }
0x14f: {  	[tilespmem:v12+s3+$0x0] =	vst.idx.add.f32.msk $0xffff, v2  }
0x150: {  	[tilespmem:v9+s3+$0x0] =	vst.idx.add.f32.msk $0xffff, v2  }
0x151: {  	[tilespmem:v10+s3+$0x0] =	vst.idx.add.f32.msk $0xffff, v2  }
0x152: {  	[tilespmem:v13+s3+$0x0] =	vst.idx.add.f32.msk $0xffff, v2  }
0x153: {  	v9 =	vld [tilespmem:s9+$0x0]  }
0x154: {  	v10 =	vld [tilespmem:s9+$0xFFFFFFF0]  }
0x155: {  	v11 =	vld [tilespmem:s9+$0xFFFFFFC0]  }
0x156: {  	v12 =	vld [tilespmem:s9+$0xFFFFFF90]  }
0x157: {  	v13 =	vld [tilespmem:s9+$0xFFFFFFE0]  }
0x158: {  	v14 =	vld [tilespmem:s9+$0xFFFFFFD0];
	v9 =	vsub.f32 v9, v7  }
0x159: {  	v15 =	vld [tilespmem:s9+$0xFFFFFFA0]  }
0x15a: {  	v10 =	vsub.f32 v10, v7;
	v9 =	vmul.f32 v9, v8  }
0x15b: {  	v17 =	vld [tilespmem:s9+$0xFFFFFFB0];
	v11 =	vsub.f32 v11, v7;
	v12 =	vsub.f32 v12, v7  }
0x15c: {  	v13 =	vsub.f32 v13, v7;
	v10 =	vmul.f32 v10, v8;
	v9 =	vtrunc.f32 v9  }
0x15d: {  	v14 =	vsub.f32 v14, v7;
	v11 =	vmul.f32 v11, v8;
	v16 =	vcvt.f32.s32 v9  }
0x15e: {  	s6 =	simm.s32 $0x6F0;
	v15 =	vsub.f32 v15, v7;
	v12 =	vmul.f32 v12, v8;
	v10 =	vtrunc.f32 v10  }
0x15f: {  	v18 =	vld [tilespmem:s6+$0xFFFFFFF0];
	v11 =	vtrunc.f32 v11;
	v10 =	vcvt.f32.s32 v10;
	v16 =	vadd.s32 v0, v16  }
0x160: {  	v19 =	vld [tilespmem:s6+$0xFFFFFFC0];
	v17 =	vsub.f32 v17, v7;
	v13 =	vmul.f32 v13, v8;
	v11 =	vcvt.f32.s32 v11  }
0x161: {  	v20 =	vld [tilespmem:s6+$0xFFFFFF90];
	v14 =	vmul.f32 v14, v8;
	v12 =	vtrunc.f32 v12;
	v10 =	vadd.s32 v0, v10  }
0x162: {  	v21 =	vld [tilespmem:s6+$0x0];
	v13 =	vtrunc.f32 v13;
	v12 =	vcvt.f32.s32 v12;
	v11 =	vadd.s32 v0, v11  }
0x163: {  	v15 =	vmul.f32 v15, v8;
	v9 =	vld [tilespmem:s6+$0xFFFFFFA0];
	v13 =	vcvt.f32.s32 v13  }
0x164: {  	v14 =	vtrunc.f32 v14;
	v12 =	vadd.s32 v0, v12;
	[tilespmem:v16+s3+$0x0] =	vst.idx.add.f32.msk $0xffff, v2;
	v16 =	vmul.f32 v17, v8  }
0x165: {  	v14 =	vcvt.f32.s32 v14;
	v22 =	vadd.s32 v0, v13;
	v13 =	vtrunc.f32 v15;
	v15 =	vld [tilespmem:s6+$0xFFFFFFE0]  }
0x166: {  	v13 =	vcvt.f32.s32 v13;
	[tilespmem:v10+s3+$0x0] =	vst.idx.add.f32.msk $0xffff, v2;
	v16 =	vtrunc.f32 v16  }
0x167: {  	[tilespmem:v11+s3+$0x0] =	vst.idx.add.f32.msk $0xffff, v2;
	v11 =	vsub.f32 v20, v7;
	v20 =	vadd.s32 v0, v14;
	v16 =	vcvt.f32.s32 v16  }
0x168: {  	v18 =	vsub.f32 v18, v7;
	v13 =	vadd.s32 v0, v13;
	v17 =	vsub.f32 v21, v7;
	v14 =	vld [tilespmem:s6+$0xFFFFFFD0]  }
0x169: {  	[tilespmem:v12+s3+$0x0] =	vst.idx.add.f32.msk $0xffff, v2;
	v11 =	vmul.f32 v11, v8;
	v12 =	vadd.s32 v0, v16  }
0x16a: {  	v19 =	vsub.f32 v19, v7;
	v10 =	vld [tilespmem:s6+$0xFFFFFFB0];
	v21 =	vmul.f32 v17, v8  }
0x16b: {  	[tilespmem:v22+s3+$0x0] =	vst.idx.add.f32.msk $0xffff, v2;
	v17 =	vmul.f32 v18, v8;
	v11 =	vtrunc.f32 v11  }
0x16c: {  	s10 =	simm.s32 $0x8;
	v18 =	vtrunc.f32 v21;
	v16 =	vmul.f32 v19, v8;
	[tilespmem:v20+s3+$0x0] =	vst.idx.add.f32.msk $0xffff, v2  }
.LBB2_15:
0x16d: {  	s10 =	sadd.s32 $0x8, s10;
	v15 =	vsub.f32 v15, v7;
	v17 =	vtrunc.f32 v17;
	v18 =	vcvt.f32.s32 v18;
	[tilespmem:v13+s3+$0x0] =	vst.idx.add.f32.msk $0xffff, v2;
	s9 =	simm.s32 $0x370  }
0x16e: {  	s6 =	sadd.s32 $0x400, s6;
	p0 =	slt.u32 s10, $0xF8;
	v13 =	vtrunc.f32 v16;
	v14 =	vsub.f32 v14, v7;
	v16 =	vcvt.f32.s32 v17;
	[tilespmem:v12+s3+$0x0] =	vst.idx.add.f32.msk $0xffff, v2  }
0x16f: {  	v12 =	vld [tilespmem:s6+$0xFFFFFFA0];
	v13 =	vcvt.f32.s32 v13;
	v15 =	vmul.f32 v15, v8;
	v17 =	vadd.s32 v0, v18  }
0x170: {  	v10 =	vsub.f32 v10, v7;
	v18 =	vld [tilespmem:s6+$0xFFFFFFF0];
	v14 =	vmul.f32 v14, v8;
	v16 =	vadd.s32 v0, v16  }
0x171: {  	v23 =	vsub.f32 v9, v7;
	v19 =	vld [tilespmem:s6+$0xFFFFFFC0];
	v13 =	vadd.s32 v0, v13;
	v15 =	vtrunc.f32 v15  }
0x172: {  	v11 =	vcvt.f32.s32 v11;
	v20 =	vld [tilespmem:s6+$0xFFFFFF90];
	v14 =	vtrunc.f32 v14  }
0x173: {  	v22 =	vmul.f32 v23, v8;
	v10 =	vmul.f32 v10, v8;
	v21 =	vld [tilespmem:s6+$0x0]  }
0x174: {  	v15 =	vcvt.f32.s32 v15;
	v14 =	vcvt.f32.s32 v14;
	[tilespmem:v17+s3+$0x0] =	vst.idx.add.f32.msk $0xffff, v2;
	v9 =	vmov v12  }
0x175: {  	v11 =	vadd.s32 v0, v11;
	v10 =	vtrunc.f32 v10;
	v12 =	vtrunc.f32 v22;
	[tilespmem:v16+s3+$0x0] =	vst.idx.add.f32.msk $0xffff, v2  }
0x176: {  	v22 =	vadd.s32 v0, v15;
	v12 =	vcvt.f32.s32 v12;
	v16 =	vcvt.f32.s32 v10;
	[tilespmem:v13+s3+$0x0] =	vst.idx.add.f32.msk $0xffff, v2  }
0x177: {  	v17 =	vsub.f32 v20, v7;
	v10 =	vld [tilespmem:s6+$0xFFFFFFB0];
	v20 =	vadd.s32 v0, v14  }
.Ltmp6:
0x178: {  	v13 =	vadd.s32 v0, v12;
	v12 =	vadd.s32 v0, v16;
	v15 =	vld [tilespmem:s6+$0xFFFFFFE0];
	v21 =	vsub.f32 v21, v7;
	(pc) =	sbr.rel @p0 .LBB2_15-.Ltmp6, $4  }
0x179: {  	v16 =	vmul.f32 v17, v8;
	v14 =	vld [tilespmem:s6+$0xFFFFFFD0];
	v17 =	vsub.f32 v18, v7  }
0x17a: {  	v18 =	vsub.f32 v19, v7;
	v19 =	vmul.f32 v21, v8;
	[tilespmem:v11+s3+$0x0] =	vst.idx.add.f32.msk $0xffff, v2  }
0x17b: {  	v11 =	vtrunc.f32 v16;
	v17 =	vmul.f32 v17, v8;
	[tilespmem:v22+s3+$0x0] =	vst.idx.add.f32.msk $0xffff, v2  }
0x17c: {  	v16 =	vmul.f32 v18, v8;
	v18 =	vtrunc.f32 v19;
	[tilespmem:v20+s3+$0x0] =	vst.idx.add.f32.msk $0xffff, v2  }
0x17d: {  	v15 =	vsub.f32 v15, v7;
	v17 =	vtrunc.f32 v17  }
0x17e: {  	v18 =	vcvt.f32.s32 v18;
	v9 =	vsub.f32 v9, v7;
	v11 =	vcvt.f32.s32 v11  }
0x17f: {  	v10 =	vsub.f32 v10, v7;
	v16 =	vtrunc.f32 v16;
	v17 =	vcvt.f32.s32 v17  }
0x180: {  	v14 =	vsub.f32 v14, v7;
	v16 =	vcvt.f32.s32 v16;
	v15 =	vmul.f32 v15, v8  }
0x181: {  	v18 =	vadd.s32 v0, v18;
	v9 =	vmul.f32 v9, v8;
	v10 =	vmul.f32 v10, v8  }
0x182: {  	v11 =	vadd.s32 v0, v11;
	v14 =	vmul.f32 v14, v8;
	v15 =	vtrunc.f32 v15  }
0x183: {  	v17 =	vadd.s32 v0, v17;
	v9 =	vtrunc.f32 v9;
	v15 =	vcvt.f32.s32 v15  }
0x184: {  	[tilespmem:v13+s3+$0x0] =	vst.idx.add.f32.msk $0xffff, v2;
	v16 =	vadd.s32 v0, v16;
	v10 =	vtrunc.f32 v10;
	v9 =	vcvt.f32.s32 v9  }
0x185: {  	[tilespmem:v12+s3+$0x0] =	vst.idx.add.f32.msk $0xffff, v2;
	v14 =	vtrunc.f32 v14;
	v10 =	vcvt.f32.s32 v10;
	v12 =	vadd.s32 v0, v15  }
0x186: {  	v13 =	vcvt.f32.s32 v14;
	[tilespmem:v18+s3+$0x0] =	vst.idx.add.f32.msk $0xffff, v2;
	v9 =	vadd.s32 v0, v9  }
0x187: {  	v10 =	vadd.s32 v0, v10;
	[tilespmem:v11+s3+$0x0] =	vst.idx.add.f32.msk $0xffff, v2  }
0x188: {  	v13 =	vadd.s32 v0, v13;
	[tilespmem:v17+s3+$0x0] =	vst.idx.add.f32.msk $0xffff, v2  }
0x189: {  	[tilespmem:v16+s3+$0x0] =	vst.idx.add.f32.msk $0xffff, v2  }
0x18a: {  	[tilespmem:v12+s3+$0x0] =	vst.idx.add.f32.msk $0xffff, v2  }
0x18b: {  	[tilespmem:v9+s3+$0x0] =	vst.idx.add.f32.msk $0xffff, v2  }
0x18c: {  	[tilespmem:v10+s3+$0x0] =	vst.idx.add.f32.msk $0xffff, v2  }
0x18d: {  	[tilespmem:v13+s3+$0x0] =	vst.idx.add.f32.msk $0xffff, v2  }
0x18e: {  	v9 =	vld [tilespmem:s9+$0x0]  }
0x18f: {  	v10 =	vld [tilespmem:s9+$0xFFFFFFF0]  }
0x190: {  	v11 =	vld [tilespmem:s9+$0xFFFFFFC0]  }
0x191: {  	v12 =	vld [tilespmem:s9+$0xFFFFFF90]  }
0x192: {  	v13 =	vld [tilespmem:s9+$0xFFFFFFE0]  }
0x193: {  	v14 =	vld [tilespmem:s9+$0xFFFFFFD0];
	v9 =	vsub.f32 v9, v7  }
0x194: {  	v15 =	vld [tilespmem:s9+$0xFFFFFFA0]  }
0x195: {  	v10 =	vsub.f32 v10, v7;
	v9 =	vmul.f32 v9, v8  }
0x196: {  	v17 =	vld [tilespmem:s9+$0xFFFFFFB0];
	v11 =	vsub.f32 v11, v7;
	v12 =	vsub.f32 v12, v7  }
0x197: {  	v13 =	vsub.f32 v13, v7;
	v10 =	vmul.f32 v10, v8;
	v9 =	vtrunc.f32 v9  }
0x198: {  	v14 =	vsub.f32 v14, v7;
	v11 =	vmul.f32 v11, v8;
	v16 =	vcvt.f32.s32 v9  }
0x199: {  	s6 =	simm.s32 $0x770;
	v15 =	vsub.f32 v15, v7;
	v12 =	vmul.f32 v12, v8;
	v10 =	vtrunc.f32 v10  }
0x19a: {  	v18 =	vld [tilespmem:s6+$0xFFFFFFF0];
	v11 =	vtrunc.f32 v11;
	v10 =	vcvt.f32.s32 v10;
	v16 =	vadd.s32 v0, v16  }
0x19b: {  	v19 =	vld [tilespmem:s6+$0xFFFFFFC0];
	v17 =	vsub.f32 v17, v7;
	v13 =	vmul.f32 v13, v8;
	v11 =	vcvt.f32.s32 v11  }
0x19c: {  	v20 =	vld [tilespmem:s6+$0xFFFFFF90];
	v14 =	vmul.f32 v14, v8;
	v12 =	vtrunc.f32 v12;
	v10 =	vadd.s32 v0, v10  }
0x19d: {  	v21 =	vld [tilespmem:s6+$0x0];
	v13 =	vtrunc.f32 v13;
	v12 =	vcvt.f32.s32 v12;
	v11 =	vadd.s32 v0, v11  }
0x19e: {  	v15 =	vmul.f32 v15, v8;
	v9 =	vld [tilespmem:s6+$0xFFFFFFA0];
	v13 =	vcvt.f32.s32 v13  }
0x19f: {  	v14 =	vtrunc.f32 v14;
	v12 =	vadd.s32 v0, v12;
	[tilespmem:v16+s3+$0x0] =	vst.idx.add.f32.msk $0xffff, v2;
	v16 =	vmul.f32 v17, v8  }
0x1a0: {  	v14 =	vcvt.f32.s32 v14;
	v22 =	vadd.s32 v0, v13;
	v13 =	vtrunc.f32 v15;
	v15 =	vld [tilespmem:s6+$0xFFFFFFE0]  }
0x1a1: {  	v13 =	vcvt.f32.s32 v13;
	[tilespmem:v10+s3+$0x0] =	vst.idx.add.f32.msk $0xffff, v2;
	v16 =	vtrunc.f32 v16  }
0x1a2: {  	[tilespmem:v11+s3+$0x0] =	vst.idx.add.f32.msk $0xffff, v2;
	v11 =	vsub.f32 v20, v7;
	v20 =	vadd.s32 v0, v14;
	v16 =	vcvt.f32.s32 v16  }
0x1a3: {  	v18 =	vsub.f32 v18, v7;
	v13 =	vadd.s32 v0, v13;
	v17 =	vsub.f32 v21, v7;
	v14 =	vld [tilespmem:s6+$0xFFFFFFD0]  }
0x1a4: {  	[tilespmem:v12+s3+$0x0] =	vst.idx.add.f32.msk $0xffff, v2;
	v11 =	vmul.f32 v11, v8;
	v12 =	vadd.s32 v0, v16  }
0x1a5: {  	v19 =	vsub.f32 v19, v7;
	v10 =	vld [tilespmem:s6+$0xFFFFFFB0];
	v21 =	vmul.f32 v17, v8  }
0x1a6: {  	[tilespmem:v22+s3+$0x0] =	vst.idx.add.f32.msk $0xffff, v2;
	v17 =	vmul.f32 v18, v8;
	v11 =	vtrunc.f32 v11  }
0x1a7: {  	s10 =	simm.s32 $0x8;
	v18 =	vtrunc.f32 v21;
	v16 =	vmul.f32 v19, v8;
	[tilespmem:v20+s3+$0x0] =	vst.idx.add.f32.msk $0xffff, v2  }
.LBB2_17:
0x1a8: {  	s10 =	sadd.s32 $0x8, s10;
	v15 =	vsub.f32 v15, v7;
	v17 =	vtrunc.f32 v17;
	v18 =	vcvt.f32.s32 v18;
	[tilespmem:v13+s3+$0x0] =	vst.idx.add.f32.msk $0xffff, v2;
	s9 =	simm.s32 $0x3F0  }
0x1a9: {  	s6 =	sadd.s32 $0x400, s6;
	p0 =	slt.u32 s10, $0xF8;
	v13 =	vtrunc.f32 v16;
	v14 =	vsub.f32 v14, v7;
	v16 =	vcvt.f32.s32 v17;
	[tilespmem:v12+s3+$0x0] =	vst.idx.add.f32.msk $0xffff, v2  }
0x1aa: {  	v12 =	vld [tilespmem:s6+$0xFFFFFFA0];
	v13 =	vcvt.f32.s32 v13;
	v15 =	vmul.f32 v15, v8;
	v17 =	vadd.s32 v0, v18  }
0x1ab: {  	v10 =	vsub.f32 v10, v7;
	v18 =	vld [tilespmem:s6+$0xFFFFFFF0];
	v14 =	vmul.f32 v14, v8;
	v16 =	vadd.s32 v0, v16  }
0x1ac: {  	v23 =	vsub.f32 v9, v7;
	v19 =	vld [tilespmem:s6+$0xFFFFFFC0];
	v13 =	vadd.s32 v0, v13;
	v15 =	vtrunc.f32 v15  }
0x1ad: {  	v11 =	vcvt.f32.s32 v11;
	v20 =	vld [tilespmem:s6+$0xFFFFFF90];
	v14 =	vtrunc.f32 v14  }
0x1ae: {  	v22 =	vmul.f32 v23, v8;
	v10 =	vmul.f32 v10, v8;
	v21 =	vld [tilespmem:s6+$0x0]  }
0x1af: {  	v15 =	vcvt.f32.s32 v15;
	v14 =	vcvt.f32.s32 v14;
	[tilespmem:v17+s3+$0x0] =	vst.idx.add.f32.msk $0xffff, v2;
	v9 =	vmov v12  }
0x1b0: {  	v11 =	vadd.s32 v0, v11;
	v10 =	vtrunc.f32 v10;
	v12 =	vtrunc.f32 v22;
	[tilespmem:v16+s3+$0x0] =	vst.idx.add.f32.msk $0xffff, v2  }
0x1b1: {  	v22 =	vadd.s32 v0, v15;
	v12 =	vcvt.f32.s32 v12;
	v16 =	vcvt.f32.s32 v10;
	[tilespmem:v13+s3+$0x0] =	vst.idx.add.f32.msk $0xffff, v2  }
0x1b2: {  	v17 =	vsub.f32 v20, v7;
	v10 =	vld [tilespmem:s6+$0xFFFFFFB0];
	v20 =	vadd.s32 v0, v14  }
.Ltmp7:
0x1b3: {  	v13 =	vadd.s32 v0, v12;
	v12 =	vadd.s32 v0, v16;
	v15 =	vld [tilespmem:s6+$0xFFFFFFE0];
	v21 =	vsub.f32 v21, v7;
	(pc) =	sbr.rel @p0 .LBB2_17-.Ltmp7, $4  }
0x1b4: {  	v16 =	vmul.f32 v17, v8;
	v14 =	vld [tilespmem:s6+$0xFFFFFFD0];
	v17 =	vsub.f32 v18, v7  }
0x1b5: {  	v18 =	vsub.f32 v19, v7;
	v19 =	vmul.f32 v21, v8;
	[tilespmem:v11+s3+$0x0] =	vst.idx.add.f32.msk $0xffff, v2  }
0x1b6: {  	v11 =	vtrunc.f32 v16;
	v17 =	vmul.f32 v17, v8;
	[tilespmem:v22+s3+$0x0] =	vst.idx.add.f32.msk $0xffff, v2  }
0x1b7: {  	v16 =	vmul.f32 v18, v8;
	v18 =	vtrunc.f32 v19;
	[tilespmem:v20+s3+$0x0] =	vst.idx.add.f32.msk $0xffff, v2  }
0x1b8: {  	v15 =	vsub.f32 v15, v7;
	v17 =	vtrunc.f32 v17  }
0x1b9: {  	v18 =	vcvt.f32.s32 v18;
	v9 =	vsub.f32 v9, v7;
	v11 =	vcvt.f32.s32 v11  }
0x1ba: {  	v10 =	vsub.f32 v10, v7;
	v16 =	vtrunc.f32 v16;
	v17 =	vcvt.f32.s32 v17  }
0x1bb: {  	v14 =	vsub.f32 v14, v7;
	v16 =	vcvt.f32.s32 v16;
	v15 =	vmul.f32 v15, v8  }
0x1bc: {  	v18 =	vadd.s32 v0, v18;
	v9 =	vmul.f32 v9, v8;
	v10 =	vmul.f32 v10, v8  }
0x1bd: {  	v11 =	vadd.s32 v0, v11;
	v14 =	vmul.f32 v14, v8;
	v15 =	vtrunc.f32 v15  }
0x1be: {  	v17 =	vadd.s32 v0, v17;
	v9 =	vtrunc.f32 v9;
	v15 =	vcvt.f32.s32 v15  }
0x1bf: {  	[tilespmem:v13+s3+$0x0] =	vst.idx.add.f32.msk $0xffff, v2;
	v16 =	vadd.s32 v0, v16;
	v10 =	vtrunc.f32 v10;
	v9 =	vcvt.f32.s32 v9  }
0x1c0: {  	[tilespmem:v12+s3+$0x0] =	vst.idx.add.f32.msk $0xffff, v2;
	v14 =	vtrunc.f32 v14;
	v10 =	vcvt.f32.s32 v10;
	v12 =	vadd.s32 v0, v15  }
0x1c1: {  	v13 =	vcvt.f32.s32 v14;
	[tilespmem:v18+s3+$0x0] =	vst.idx.add.f32.msk $0xffff, v2;
	v9 =	vadd.s32 v0, v9  }
0x1c2: {  	v10 =	vadd.s32 v0, v10;
	[tilespmem:v11+s3+$0x0] =	vst.idx.add.f32.msk $0xffff, v2  }
0x1c3: {  	v13 =	vadd.s32 v0, v13;
	[tilespmem:v17+s3+$0x0] =	vst.idx.add.f32.msk $0xffff, v2  }
0x1c4: {  	[tilespmem:v16+s3+$0x0] =	vst.idx.add.f32.msk $0xffff, v2  }
0x1c5: {  	[tilespmem:v12+s3+$0x0] =	vst.idx.add.f32.msk $0xffff, v2  }
0x1c6: {  	[tilespmem:v9+s3+$0x0] =	vst.idx.add.f32.msk $0xffff, v2  }
0x1c7: {  	[tilespmem:v10+s3+$0x0] =	vst.idx.add.f32.msk $0xffff, v2  }
0x1c8: {  	[tilespmem:v13+s3+$0x0] =	vst.idx.add.f32.msk $0xffff, v2  }
0x1c9: {  	v9 =	vld [tilespmem:s9+$0x0]  }
0x1ca: {  	v10 =	vld [tilespmem:s9+$0xFFFFFFF0]  }
0x1cb: {  	v11 =	vld [tilespmem:s9+$0xFFFFFFC0];
	_ =	sdelay $0x1  }
0x1cc: {  	v12 =	vld [tilespmem:s9+$0xFFFFFF90]  }
0x1cd: {  	v13 =	vld [tilespmem:s9+$0xFFFFFFE0];
	v9 =	vsub.f32 v9, v7  }
0x1ce: {  	v14 =	vld [tilespmem:s9+$0xFFFFFFD0];
	v10 =	vsub.f32 v10, v7  }
0x1cf: {  	v11 =	vsub.f32 v11, v7;
	v9 =	vmul.f32 v9, v8  }
0x1d0: {  	v15 =	vld [tilespmem:s9+$0xFFFFFFA0];
	v10 =	vmul.f32 v10, v8  }
0x1d1: {  	v12 =	vsub.f32 v12, v7;
	v11 =	vmul.f32 v11, v8;
	v9 =	vtrunc.f32 v9  }
0x1d2: {  	v17 =	vld [tilespmem:s9+$0xFFFFFFB0];
	v13 =	vsub.f32 v13, v7;
	v10 =	vtrunc.f32 v10;
	v16 =	vcvt.f32.s32 v9  }
0x1d3: {  	s6 =	simm.s32 $0x7F0;
	v14 =	vsub.f32 v14, v7;
	v11 =	vtrunc.f32 v11;
	v10 =	vcvt.f32.s32 v10  }
0x1d4: {  	v18 =	vld [tilespmem:s6+$0xFFFFFFF0];
	v12 =	vmul.f32 v12, v8;
	v11 =	vcvt.f32.s32 v11;
	v16 =	vadd.s32 v0, v16  }
0x1d5: {  	v19 =	vld [tilespmem:s6+$0xFFFFFFC0];
	v15 =	vsub.f32 v15, v7;
	v13 =	vmul.f32 v13, v8;
	v10 =	vadd.s32 v0, v10  }
0x1d6: {  	v21 =	vld [tilespmem:s6+$0x0];
	v14 =	vmul.f32 v14, v8;
	v12 =	vtrunc.f32 v12;
	v11 =	vadd.s32 v0, v11  }
0x1d7: {  	v20 =	vld [tilespmem:s6+$0xFFFFFF90];
	v17 =	vsub.f32 v17, v7;
	v13 =	vtrunc.f32 v13;
	v12 =	vcvt.f32.s32 v12  }
0x1d8: {  	v15 =	vmul.f32 v15, v8;
	v9 =	vld [tilespmem:s6+$0xFFFFFFA0];
	v13 =	vcvt.f32.s32 v13  }
0x1d9: {  	v14 =	vtrunc.f32 v14;
	v12 =	vadd.s32 v0, v12;
	[tilespmem:v16+s3+$0x0] =	vst.idx.add.f32.msk $0xffff, v2;
	v16 =	vmul.f32 v17, v8  }
0x1da: {  	v14 =	vcvt.f32.s32 v14;
	[tilespmem:v10+s3+$0x0] =	vst.idx.add.f32.msk $0xffff, v2;
	v17 =	vadd.s32 v0, v13;
	v13 =	vtrunc.f32 v15  }
0x1db: {  	v21 =	vsub.f32 v21, v7;
	[tilespmem:v11+s3+$0x0] =	vst.idx.add.f32.msk $0xffff, v2;
	v13 =	vcvt.f32.s32 v13;
	v16 =	vtrunc.f32 v16  }
0x1dc: {  	v11 =	vsub.f32 v20, v7;
	v20 =	vadd.s32 v0, v14;
	v15 =	vld [tilespmem:s6+$0xFFFFFFE0];
	v22 =	vcvt.f32.s32 v16  }
0x1dd: {  	v18 =	vsub.f32 v18, v7;
	v14 =	vld [tilespmem:s6+$0xFFFFFFD0];
	v13 =	vadd.s32 v0, v13  }
0x1de: {  	v21 =	vmul.f32 v21, v8;
	[tilespmem:v12+s3+$0x0] =	vst.idx.add.f32.msk $0xffff, v2;
	v12 =	vadd.s32 v0, v22  }
0x1df: {  	v19 =	vsub.f32 v19, v7;
	v10 =	vld [tilespmem:s6+$0xFFFFFFB0];
	v11 =	vmul.f32 v11, v8  }
0x1e0: {  	v16 =	vmul.f32 v18, v8;
	v18 =	vtrunc.f32 v21;
	[tilespmem:v17+s3+$0x0] =	vst.idx.add.f32.msk $0xffff, v2  }
0x1e1: {  	s9 =	simm.s32 $0x8;
	v11 =	vtrunc.f32 v11;
	v17 =	vmul.f32 v19, v8;
	[tilespmem:v20+s3+$0x0] =	vst.idx.add.f32.msk $0xffff, v2  }
.LBB2_19:
0x1e2: {  	s9 =	sadd.s32 $0x8, s9;
	v15 =	vsub.f32 v15, v7;
	v16 =	vtrunc.f32 v16;
	v18 =	vcvt.f32.s32 v18;
	[tilespmem:v13+s3+$0x0] =	vst.idx.add.f32.msk $0xffff, v2  }
0x1e3: {  	s6 =	sadd.s32 $0x400, s6;
	p0 =	slt.u32 s9, $0xF8;
	v13 =	vtrunc.f32 v17;
	v14 =	vsub.f32 v14, v7;
	v16 =	vcvt.f32.s32 v16;
	[tilespmem:v12+s3+$0x0] =	vst.idx.add.f32.msk $0xffff, v2  }
0x1e4: {  	v12 =	vld [tilespmem:s6+$0xFFFFFFA0];
	v13 =	vcvt.f32.s32 v13;
	v15 =	vmul.f32 v15, v8;
	v17 =	vadd.s32 v0, v18  }
0x1e5: {  	v10 =	vsub.f32 v10, v7;
	v18 =	vld [tilespmem:s6+$0xFFFFFFF0];
	v14 =	vmul.f32 v14, v8;
	v16 =	vadd.s32 v0, v16  }
0x1e6: {  	v23 =	vsub.f32 v9, v7;
	v19 =	vld [tilespmem:s6+$0xFFFFFFC0];
	v13 =	vadd.s32 v0, v13;
	v15 =	vtrunc.f32 v15  }
0x1e7: {  	v11 =	vcvt.f32.s32 v11;
	v20 =	vld [tilespmem:s6+$0xFFFFFF90];
	v14 =	vtrunc.f32 v14  }
0x1e8: {  	v22 =	vmul.f32 v23, v8;
	v10 =	vmul.f32 v10, v8;
	v21 =	vld [tilespmem:s6+$0x0]  }
0x1e9: {  	v15 =	vcvt.f32.s32 v15;
	v14 =	vcvt.f32.s32 v14;
	[tilespmem:v17+s3+$0x0] =	vst.idx.add.f32.msk $0xffff, v2;
	v9 =	vmov v12  }
0x1ea: {  	v11 =	vadd.s32 v0, v11;
	v10 =	vtrunc.f32 v10;
	v12 =	vtrunc.f32 v22;
	[tilespmem:v16+s3+$0x0] =	vst.idx.add.f32.msk $0xffff, v2  }
0x1eb: {  	v17 =	vadd.s32 v0, v15;
	v12 =	vcvt.f32.s32 v12;
	v16 =	vcvt.f32.s32 v10;
	[tilespmem:v13+s3+$0x0] =	vst.idx.add.f32.msk $0xffff, v2  }
0x1ec: {  	v22 =	vadd.s32 v0, v14;
	v20 =	vsub.f32 v20, v7;
	v10 =	vld [tilespmem:s6+$0xFFFFFFB0]  }
.Ltmp8:
0x1ed: {  	v13 =	vadd.s32 v0, v12;
	v12 =	vadd.s32 v0, v16;
	v15 =	vld [tilespmem:s6+$0xFFFFFFE0];
	v21 =	vsub.f32 v21, v7;
	(pc) =	sbr.rel @p0 .LBB2_19-.Ltmp8, $4  }
0x1ee: {  	v18 =	vsub.f32 v18, v7;
	v16 =	vmul.f32 v20, v8;
	v14 =	vld [tilespmem:s6+$0xFFFFFFD0]  }
0x1ef: {  	v19 =	vsub.f32 v19, v7;
	v20 =	vmul.f32 v21, v8;
	[tilespmem:v11+s3+$0x0] =	vst.idx.add.f32.msk $0xffff, v2  }
0x1f0: {  	v11 =	vtrunc.f32 v16;
	v16 =	vmul.f32 v18, v8;
	[tilespmem:v17+s3+$0x0] =	vst.idx.add.f32.msk $0xffff, v2  }
0x1f1: {  	v17 =	vmul.f32 v19, v8;
	v18 =	vtrunc.f32 v20;
	[tilespmem:v22+s3+$0x0] =	vst.idx.add.f32.msk $0xffff, v2  }
0x1f2: {  	v15 =	vsub.f32 v15, v7;
	v16 =	vtrunc.f32 v16  }
0x1f3: {  	v18 =	vcvt.f32.s32 v18;
	v9 =	vsub.f32 v9, v7;
	v11 =	vcvt.f32.s32 v11  }
0x1f4: {  	v10 =	vsub.f32 v10, v7;
	v17 =	vtrunc.f32 v17;
	v16 =	vcvt.f32.s32 v16  }
0x1f5: {  	v14 =	vsub.f32 v14, v7;
	v17 =	vcvt.f32.s32 v17;
	v15 =	vmul.f32 v15, v8  }
0x1f6: {  	v18 =	vadd.s32 v0, v18;
	v9 =	vmul.f32 v9, v8;
	v10 =	vmul.f32 v10, v8  }
0x1f7: {  	v11 =	vadd.s32 v0, v11;
	v14 =	vmul.f32 v14, v8;
	v15 =	vtrunc.f32 v15  }
0x1f8: {  	v16 =	vadd.s32 v0, v16;
	v9 =	vtrunc.f32 v9;
	v15 =	vcvt.f32.s32 v15  }
0x1f9: {  	[tilespmem:v13+s3+$0x0] =	vst.idx.add.f32.msk $0xffff, v2;
	v17 =	vadd.s32 v0, v17;
	v10 =	vtrunc.f32 v10;
	v9 =	vcvt.f32.s32 v9  }
0x1fa: {  	[tilespmem:v12+s3+$0x0] =	vst.idx.add.f32.msk $0xffff, v2;
	v14 =	vtrunc.f32 v14;
	v10 =	vcvt.f32.s32 v10;
	v12 =	vadd.s32 v0, v15  }
0x1fb: {  	s6 =	sshll.u32 s2, $0x1;
	p0 =	seq.s32 s2, $0x1F;
	v13 =	vcvt.f32.s32 v14;
	[tilespmem:v18+s3+$0x0] =	vst.idx.add.f32.msk $0xffff, v2;
	v9 =	vadd.s32 v0, v9  }
0x1fc: {  	s9 =	sadd.s32 @!p0 $0x2, s6;
	v10 =	vadd.s32 v0, v10;
	[tilespmem:v11+s3+$0x0] =	vst.idx.add.f32.msk $0xffff, v2  }
0x1fd: {  	s10 =	sand.u32 @!p0 $0x3E, s9;
	v13 =	vadd.s32 v0, v13;
	[tilespmem:v16+s3+$0x0] =	vst.idx.add.f32.msk $0xffff, v2  }
0x1fe: {  	s9 =	sshrl.u32 @!p0 s9, $0x6;
	s10 =	sor.u32 @!p0 s10, s7;
	[tilespmem:v17+s3+$0x0] =	vst.idx.add.f32.msk $0xffff, v2  }
0x1ff: {  	s9 =	sadd.s32 @!p0 s9, s10;
	[tilespmem:v12+s3+$0x0] =	vst.idx.add.f32.msk $0xffff, v2  }
0x200: {  	s9 =	sshll.u32 @!p0 s9, $0xC;
	[tilespmem:v9+s3+$0x0] =	vst.idx.add.f32.msk $0xffff, v2  }
0x201: {  	s9 =	sand.u32 @!p0 $0x1FFFF000, s9;
	[tilespmem:v10+s3+$0x0] =	vst.idx.add.f32.msk $0xffff, v2  }
0x202: {  	s10 =	simm.s32 @!p0 $0x0;
	s9 =	sadd.s32 @!p0 s1, s9;
	[tilespmem:v13+s3+$0x0] =	vst.idx.add.f32.msk $0xffff, v2  }
0x203: {  	[tilespmem:s10], [sflag:$0x1] =	stream.linear.gather @!p0 [hbm4b:s9+s10], $0x8000, $0x38;
	[tilespmem:$0x19100] =	vst v63  }
0x204: {  	_ =	swait.ge [sflag:s0], $0x8000  }
0x205: {  	[sflag:s0] =	ssyncset.done $0x0  }
0x206: {  	s11 =	simm.s32 $0x8040;
	[sflag:s0] =	ssyncadd.s32 $0xFFFF8000  }
0x207: {  	v9 =	vld [tilespmem:s11+$0x30]  }
0x208: {  	v10 =	vld [tilespmem:s11+$0x20]  }
0x209: {  	v11 =	vld [tilespmem:s11+$0xFFFFFFF0]  }
0x20a: {  	v12 =	vld [tilespmem:s11+$0xFFFFFFC0]  }
0x20b: {  	v13 =	vld [tilespmem:s11+$0x10]  }
0x20c: {  	v14 =	vld [tilespmem:s11+$0x0];
	v9 =	vsub.f32 v9, v7  }
0x20d: {  	v15 =	vld [tilespmem:s11+$0xFFFFFFD0]  }
0x20e: {  	v10 =	vsub.f32 v10, v7;
	v9 =	vmul.f32 v9, v8  }
0x20f: {  	v17 =	vld [tilespmem:s11+$0xFFFFFFE0];
	v11 =	vsub.f32 v11, v7;
	v12 =	vsub.f32 v12, v7  }
0x210: {  	v13 =	vsub.f32 v13, v7;
	v10 =	vmul.f32 v10, v8;
	v9 =	vtrunc.f32 v9  }
0x211: {  	v14 =	vsub.f32 v14, v7;
	v11 =	vmul.f32 v11, v8;
	v16 =	vcvt.f32.s32 v9  }
0x212: {  	s9 =	simm.s32 $0x8440;
	v15 =	vsub.f32 v15, v7;
	v12 =	vmul.f32 v12, v8;
	v10 =	vtrunc.f32 v10  }
0x213: {  	v18 =	vld [tilespmem:s9+$0x20];
	v11 =	vtrunc.f32 v11;
	v10 =	vcvt.f32.s32 v10;
	v16 =	vadd.s32 v0, v16  }
0x214: {  	v19 =	vld [tilespmem:s9+$0xFFFFFFF0];
	v17 =	vsub.f32 v17, v7;
	v13 =	vmul.f32 v13, v8;
	v11 =	vcvt.f32.s32 v11  }
0x215: {  	v20 =	vld [tilespmem:s9+$0xFFFFFFC0];
	v14 =	vmul.f32 v14, v8;
	v12 =	vtrunc.f32 v12;
	v10 =	vadd.s32 v0, v10  }
0x216: {  	v21 =	vld [tilespmem:s9+$0x30];
	v13 =	vtrunc.f32 v13;
	v12 =	vcvt.f32.s32 v12;
	v11 =	vadd.s32 v0, v11  }
0x217: {  	v15 =	vmul.f32 v15, v8;
	v9 =	vld [tilespmem:s9+$0xFFFFFFD0];
	v13 =	vcvt.f32.s32 v13  }
0x218: {  	v14 =	vtrunc.f32 v14;
	v12 =	vadd.s32 v0, v12;
	[tilespmem:v16+s3+$0x0] =	vst.idx.add.f32.msk $0xffff, v2;
	v16 =	vmul.f32 v17, v8  }
0x219: {  	v14 =	vcvt.f32.s32 v14;
	v22 =	vadd.s32 v0, v13;
	v13 =	vtrunc.f32 v15;
	v15 =	vld [tilespmem:s9+$0x10]  }
0x21a: {  	v13 =	vcvt.f32.s32 v13;
	[tilespmem:v10+s3+$0x0] =	vst.idx.add.f32.msk $0xffff, v2;
	v16 =	vtrunc.f32 v16  }
0x21b: {  	[tilespmem:v11+s3+$0x0] =	vst.idx.add.f32.msk $0xffff, v2;
	v11 =	vsub.f32 v20, v7;
	v20 =	vadd.s32 v0, v14;
	v16 =	vcvt.f32.s32 v16  }
0x21c: {  	v18 =	vsub.f32 v18, v7;
	v13 =	vadd.s32 v0, v13;
	v17 =	vsub.f32 v21, v7;
	v14 =	vld [tilespmem:s9+$0x0]  }
0x21d: {  	[tilespmem:v12+s3+$0x0] =	vst.idx.add.f32.msk $0xffff, v2;
	v11 =	vmul.f32 v11, v8;
	v12 =	vadd.s32 v0, v16  }
0x21e: {  	v19 =	vsub.f32 v19, v7;
	v10 =	vld [tilespmem:s9+$0xFFFFFFE0];
	v21 =	vmul.f32 v17, v8  }
0x21f: {  	[tilespmem:v22+s3+$0x0] =	vst.idx.add.f32.msk $0xffff, v2;
	v17 =	vmul.f32 v18, v8;
	v11 =	vtrunc.f32 v11  }
0x220: {  	s11 =	simm.s32 $0x8;
	v18 =	vtrunc.f32 v21;
	v16 =	vmul.f32 v19, v8;
	[tilespmem:v20+s3+$0x0] =	vst.idx.add.f32.msk $0xffff, v2  }
.LBB2_21:
0x221: {  	s11 =	sadd.s32 $0x8, s11;
	v15 =	vsub.f32 v15, v7;
	v17 =	vtrunc.f32 v17;
	v18 =	vcvt.f32.s32 v18;
	[tilespmem:v13+s3+$0x0] =	vst.idx.add.f32.msk $0xffff, v2;
	s10 =	simm.s32 $0x80F0  }
0x222: {  	s9 =	sadd.s32 $0x400, s9;
	p1 =	slt.u32 s11, $0xF8;
	v13 =	vtrunc.f32 v16;
	v14 =	vsub.f32 v14, v7;
	v16 =	vcvt.f32.s32 v17;
	[tilespmem:v12+s3+$0x0] =	vst.idx.add.f32.msk $0xffff, v2  }
0x223: {  	v12 =	vld [tilespmem:s9+$0xFFFFFFD0];
	v13 =	vcvt.f32.s32 v13;
	v15 =	vmul.f32 v15, v8;
	v17 =	vadd.s32 v0, v18  }
0x224: {  	v10 =	vsub.f32 v10, v7;
	v18 =	vld [tilespmem:s9+$0x20];
	v14 =	vmul.f32 v14, v8;
	v16 =	vadd.s32 v0, v16  }
0x225: {  	v23 =	vsub.f32 v9, v7;
	v19 =	vld [tilespmem:s9+$0xFFFFFFF0];
	v13 =	vadd.s32 v0, v13;
	v15 =	vtrunc.f32 v15  }
0x226: {  	v11 =	vcvt.f32.s32 v11;
	v20 =	vld [tilespmem:s9+$0xFFFFFFC0];
	v14 =	vtrunc.f32 v14  }
0x227: {  	v22 =	vmul.f32 v23, v8;
	v10 =	vmul.f32 v10, v8;
	v21 =	vld [tilespmem:s9+$0x30]  }
0x228: {  	v15 =	vcvt.f32.s32 v15;
	v14 =	vcvt.f32.s32 v14;
	[tilespmem:v17+s3+$0x0] =	vst.idx.add.f32.msk $0xffff, v2;
	v9 =	vmov v12  }
0x229: {  	v11 =	vadd.s32 v0, v11;
	v10 =	vtrunc.f32 v10;
	v12 =	vtrunc.f32 v22;
	[tilespmem:v16+s3+$0x0] =	vst.idx.add.f32.msk $0xffff, v2  }
0x22a: {  	v22 =	vadd.s32 v0, v15;
	v12 =	vcvt.f32.s32 v12;
	v16 =	vcvt.f32.s32 v10;
	[tilespmem:v13+s3+$0x0] =	vst.idx.add.f32.msk $0xffff, v2  }
0x22b: {  	v17 =	vsub.f32 v20, v7;
	v10 =	vld [tilespmem:s9+$0xFFFFFFE0];
	v20 =	vadd.s32 v0, v14  }
.Ltmp9:
0x22c: {  	v13 =	vadd.s32 v0, v12;
	v12 =	vadd.s32 v0, v16;
	v15 =	vld [tilespmem:s9+$0x10];
	v21 =	vsub.f32 v21, v7;
	(pc) =	sbr.rel @p1 .LBB2_21-.Ltmp9, $4  }
0x22d: {  	v16 =	vmul.f32 v17, v8;
	v14 =	vld [tilespmem:s9+$0x0];
	v17 =	vsub.f32 v18, v7  }
0x22e: {  	v18 =	vsub.f32 v19, v7;
	v19 =	vmul.f32 v21, v8;
	[tilespmem:v11+s3+$0x0] =	vst.idx.add.f32.msk $0xffff, v2  }
0x22f: {  	v11 =	vtrunc.f32 v16;
	v17 =	vmul.f32 v17, v8;
	[tilespmem:v22+s3+$0x0] =	vst.idx.add.f32.msk $0xffff, v2  }
0x230: {  	v16 =	vmul.f32 v18, v8;
	v18 =	vtrunc.f32 v19;
	[tilespmem:v20+s3+$0x0] =	vst.idx.add.f32.msk $0xffff, v2  }
0x231: {  	v15 =	vsub.f32 v15, v7;
	v17 =	vtrunc.f32 v17  }
0x232: {  	v18 =	vcvt.f32.s32 v18;
	v9 =	vsub.f32 v9, v7;
	v11 =	vcvt.f32.s32 v11  }
0x233: {  	v10 =	vsub.f32 v10, v7;
	v16 =	vtrunc.f32 v16;
	v17 =	vcvt.f32.s32 v17  }
0x234: {  	v14 =	vsub.f32 v14, v7;
	v16 =	vcvt.f32.s32 v16;
	v15 =	vmul.f32 v15, v8  }
0x235: {  	v18 =	vadd.s32 v0, v18;
	v9 =	vmul.f32 v9, v8;
	v10 =	vmul.f32 v10, v8  }
0x236: {  	v11 =	vadd.s32 v0, v11;
	v14 =	vmul.f32 v14, v8;
	v15 =	vtrunc.f32 v15  }
0x237: {  	v17 =	vadd.s32 v0, v17;
	v9 =	vtrunc.f32 v9;
	v15 =	vcvt.f32.s32 v15  }
0x238: {  	[tilespmem:v13+s3+$0x0] =	vst.idx.add.f32.msk $0xffff, v2;
	v16 =	vadd.s32 v0, v16;
	v10 =	vtrunc.f32 v10;
	v9 =	vcvt.f32.s32 v9  }
0x239: {  	[tilespmem:v12+s3+$0x0] =	vst.idx.add.f32.msk $0xffff, v2;
	v14 =	vtrunc.f32 v14;
	v10 =	vcvt.f32.s32 v10;
	v12 =	vadd.s32 v0, v15  }
0x23a: {  	v13 =	vcvt.f32.s32 v14;
	[tilespmem:v18+s3+$0x0] =	vst.idx.add.f32.msk $0xffff, v2;
	v9 =	vadd.s32 v0, v9  }
0x23b: {  	v10 =	vadd.s32 v0, v10;
	[tilespmem:v11+s3+$0x0] =	vst.idx.add.f32.msk $0xffff, v2  }
0x23c: {  	v13 =	vadd.s32 v0, v13;
	[tilespmem:v17+s3+$0x0] =	vst.idx.add.f32.msk $0xffff, v2  }
0x23d: {  	[tilespmem:v16+s3+$0x0] =	vst.idx.add.f32.msk $0xffff, v2  }
0x23e: {  	[tilespmem:v12+s3+$0x0] =	vst.idx.add.f32.msk $0xffff, v2  }
0x23f: {  	[tilespmem:v9+s3+$0x0] =	vst.idx.add.f32.msk $0xffff, v2  }
0x240: {  	[tilespmem:v10+s3+$0x0] =	vst.idx.add.f32.msk $0xffff, v2  }
0x241: {  	[tilespmem:v13+s3+$0x0] =	vst.idx.add.f32.msk $0xffff, v2  }
0x242: {  	v9 =	vld [tilespmem:s10+$0x0]  }
0x243: {  	v10 =	vld [tilespmem:s10+$0xFFFFFFF0]  }
0x244: {  	v11 =	vld [tilespmem:s10+$0xFFFFFFC0]  }
0x245: {  	v12 =	vld [tilespmem:s10+$0xFFFFFF90]  }
0x246: {  	v13 =	vld [tilespmem:s10+$0xFFFFFFE0]  }
0x247: {  	v14 =	vld [tilespmem:s10+$0xFFFFFFD0];
	v9 =	vsub.f32 v9, v7  }
0x248: {  	v15 =	vld [tilespmem:s10+$0xFFFFFFA0]  }
0x249: {  	v10 =	vsub.f32 v10, v7;
	v9 =	vmul.f32 v9, v8  }
0x24a: {  	v17 =	vld [tilespmem:s10+$0xFFFFFFB0];
	v11 =	vsub.f32 v11, v7;
	v12 =	vsub.f32 v12, v7  }
0x24b: {  	v13 =	vsub.f32 v13, v7;
	v10 =	vmul.f32 v10, v8;
	v9 =	vtrunc.f32 v9  }
0x24c: {  	v14 =	vsub.f32 v14, v7;
	v11 =	vmul.f32 v11, v8;
	v16 =	vcvt.f32.s32 v9  }
0x24d: {  	s9 =	simm.s32 $0x84F0;
	v15 =	vsub.f32 v15, v7;
	v12 =	vmul.f32 v12, v8;
	v10 =	vtrunc.f32 v10  }
0x24e: {  	v18 =	vld [tilespmem:s9+$0xFFFFFFF0];
	v11 =	vtrunc.f32 v11;
	v10 =	vcvt.f32.s32 v10;
	v16 =	vadd.s32 v0, v16  }
0x24f: {  	v19 =	vld [tilespmem:s9+$0xFFFFFFC0];
	v17 =	vsub.f32 v17, v7;
	v13 =	vmul.f32 v13, v8;
	v11 =	vcvt.f32.s32 v11  }
0x250: {  	v20 =	vld [tilespmem:s9+$0xFFFFFF90];
	v14 =	vmul.f32 v14, v8;
	v12 =	vtrunc.f32 v12;
	v10 =	vadd.s32 v0, v10  }
0x251: {  	v21 =	vld [tilespmem:s9+$0x0];
	v13 =	vtrunc.f32 v13;
	v12 =	vcvt.f32.s32 v12;
	v11 =	vadd.s32 v0, v11  }
0x252: {  	v15 =	vmul.f32 v15, v8;
	v9 =	vld [tilespmem:s9+$0xFFFFFFA0];
	v13 =	vcvt.f32.s32 v13  }
0x253: {  	v14 =	vtrunc.f32 v14;
	v12 =	vadd.s32 v0, v12;
	[tilespmem:v16+s3+$0x0] =	vst.idx.add.f32.msk $0xffff, v2;
	v16 =	vmul.f32 v17, v8  }
0x254: {  	v14 =	vcvt.f32.s32 v14;
	v22 =	vadd.s32 v0, v13;
	v13 =	vtrunc.f32 v15;
	v15 =	vld [tilespmem:s9+$0xFFFFFFE0]  }
0x255: {  	v13 =	vcvt.f32.s32 v13;
	[tilespmem:v10+s3+$0x0] =	vst.idx.add.f32.msk $0xffff, v2;
	v16 =	vtrunc.f32 v16  }
0x256: {  	[tilespmem:v11+s3+$0x0] =	vst.idx.add.f32.msk $0xffff, v2;
	v11 =	vsub.f32 v20, v7;
	v20 =	vadd.s32 v0, v14;
	v16 =	vcvt.f32.s32 v16  }
0x257: {  	v18 =	vsub.f32 v18, v7;
	v13 =	vadd.s32 v0, v13;
	v17 =	vsub.f32 v21, v7;
	v14 =	vld [tilespmem:s9+$0xFFFFFFD0]  }
0x258: {  	[tilespmem:v12+s3+$0x0] =	vst.idx.add.f32.msk $0xffff, v2;
	v11 =	vmul.f32 v11, v8;
	v12 =	vadd.s32 v0, v16  }
0x259: {  	v19 =	vsub.f32 v19, v7;
	v10 =	vld [tilespmem:s9+$0xFFFFFFB0];
	v21 =	vmul.f32 v17, v8  }
0x25a: {  	[tilespmem:v22+s3+$0x0] =	vst.idx.add.f32.msk $0xffff, v2;
	v17 =	vmul.f32 v18, v8;
	v11 =	vtrunc.f32 v11  }
0x25b: {  	s11 =	simm.s32 $0x8;
	v18 =	vtrunc.f32 v21;
	v16 =	vmul.f32 v19, v8;
	[tilespmem:v20+s3+$0x0] =	vst.idx.add.f32.msk $0xffff, v2  }
.LBB2_23:
0x25c: {  	s11 =	sadd.s32 $0x8, s11;
	v15 =	vsub.f32 v15, v7;
	v17 =	vtrunc.f32 v17;
	v18 =	vcvt.f32.s32 v18;
	[tilespmem:v13+s3+$0x0] =	vst.idx.add.f32.msk $0xffff, v2;
	s10 =	simm.s32 $0x8170  }
0x25d: {  	s9 =	sadd.s32 $0x400, s9;
	p1 =	slt.u32 s11, $0xF8;
	v13 =	vtrunc.f32 v16;
	v14 =	vsub.f32 v14, v7;
	v16 =	vcvt.f32.s32 v17;
	[tilespmem:v12+s3+$0x0] =	vst.idx.add.f32.msk $0xffff, v2  }
0x25e: {  	v12 =	vld [tilespmem:s9+$0xFFFFFFA0];
	v13 =	vcvt.f32.s32 v13;
	v15 =	vmul.f32 v15, v8;
	v17 =	vadd.s32 v0, v18  }
0x25f: {  	v10 =	vsub.f32 v10, v7;
	v18 =	vld [tilespmem:s9+$0xFFFFFFF0];
	v14 =	vmul.f32 v14, v8;
	v16 =	vadd.s32 v0, v16  }
0x260: {  	v23 =	vsub.f32 v9, v7;
	v19 =	vld [tilespmem:s9+$0xFFFFFFC0];
	v13 =	vadd.s32 v0, v13;
	v15 =	vtrunc.f32 v15  }
0x261: {  	v11 =	vcvt.f32.s32 v11;
	v20 =	vld [tilespmem:s9+$0xFFFFFF90];
	v14 =	vtrunc.f32 v14  }
0x262: {  	v22 =	vmul.f32 v23, v8;
	v10 =	vmul.f32 v10, v8;
	v21 =	vld [tilespmem:s9+$0x0]  }
0x263: {  	v15 =	vcvt.f32.s32 v15;
	v14 =	vcvt.f32.s32 v14;
	[tilespmem:v17+s3+$0x0] =	vst.idx.add.f32.msk $0xffff, v2;
	v9 =	vmov v12  }
0x264: {  	v11 =	vadd.s32 v0, v11;
	v10 =	vtrunc.f32 v10;
	v12 =	vtrunc.f32 v22;
	[tilespmem:v16+s3+$0x0] =	vst.idx.add.f32.msk $0xffff, v2  }
0x265: {  	v22 =	vadd.s32 v0, v15;
	v12 =	vcvt.f32.s32 v12;
	v16 =	vcvt.f32.s32 v10;
	[tilespmem:v13+s3+$0x0] =	vst.idx.add.f32.msk $0xffff, v2  }
0x266: {  	v17 =	vsub.f32 v20, v7;
	v10 =	vld [tilespmem:s9+$0xFFFFFFB0];
	v20 =	vadd.s32 v0, v14  }
.Ltmp10:
0x267: {  	v13 =	vadd.s32 v0, v12;
	v12 =	vadd.s32 v0, v16;
	v15 =	vld [tilespmem:s9+$0xFFFFFFE0];
	v21 =	vsub.f32 v21, v7;
	(pc) =	sbr.rel @p1 .LBB2_23-.Ltmp10, $4  }
0x268: {  	v16 =	vmul.f32 v17, v8;
	v14 =	vld [tilespmem:s9+$0xFFFFFFD0];
	v17 =	vsub.f32 v18, v7  }
0x269: {  	v18 =	vsub.f32 v19, v7;
	v19 =	vmul.f32 v21, v8;
	[tilespmem:v11+s3+$0x0] =	vst.idx.add.f32.msk $0xffff, v2  }
0x26a: {  	v11 =	vtrunc.f32 v16;
	v17 =	vmul.f32 v17, v8;
	[tilespmem:v22+s3+$0x0] =	vst.idx.add.f32.msk $0xffff, v2  }
0x26b: {  	v16 =	vmul.f32 v18, v8;
	v18 =	vtrunc.f32 v19;
	[tilespmem:v20+s3+$0x0] =	vst.idx.add.f32.msk $0xffff, v2  }
0x26c: {  	v15 =	vsub.f32 v15, v7;
	v17 =	vtrunc.f32 v17  }
0x26d: {  	v18 =	vcvt.f32.s32 v18;
	v9 =	vsub.f32 v9, v7;
	v11 =	vcvt.f32.s32 v11  }
0x26e: {  	v10 =	vsub.f32 v10, v7;
	v16 =	vtrunc.f32 v16;
	v17 =	vcvt.f32.s32 v17  }
0x26f: {  	v14 =	vsub.f32 v14, v7;
	v16 =	vcvt.f32.s32 v16;
	v15 =	vmul.f32 v15, v8  }
0x270: {  	v18 =	vadd.s32 v0, v18;
	v9 =	vmul.f32 v9, v8;
	v10 =	vmul.f32 v10, v8  }
0x271: {  	v11 =	vadd.s32 v0, v11;
	v14 =	vmul.f32 v14, v8;
	v15 =	vtrunc.f32 v15  }
0x272: {  	v17 =	vadd.s32 v0, v17;
	v9 =	vtrunc.f32 v9;
	v15 =	vcvt.f32.s32 v15  }
0x273: {  	[tilespmem:v13+s3+$0x0] =	vst.idx.add.f32.msk $0xffff, v2;
	v16 =	vadd.s32 v0, v16;
	v10 =	vtrunc.f32 v10;
	v9 =	vcvt.f32.s32 v9  }
0x274: {  	[tilespmem:v12+s3+$0x0] =	vst.idx.add.f32.msk $0xffff, v2;
	v14 =	vtrunc.f32 v14;
	v10 =	vcvt.f32.s32 v10;
	v12 =	vadd.s32 v0, v15  }
0x275: {  	v13 =	vcvt.f32.s32 v14;
	[tilespmem:v18+s3+$0x0] =	vst.idx.add.f32.msk $0xffff, v2;
	v9 =	vadd.s32 v0, v9  }
0x276: {  	v10 =	vadd.s32 v0, v10;
	[tilespmem:v11+s3+$0x0] =	vst.idx.add.f32.msk $0xffff, v2  }
0x277: {  	v13 =	vadd.s32 v0, v13;
	[tilespmem:v17+s3+$0x0] =	vst.idx.add.f32.msk $0xffff, v2  }
0x278: {  	[tilespmem:v16+s3+$0x0] =	vst.idx.add.f32.msk $0xffff, v2  }
0x279: {  	[tilespmem:v12+s3+$0x0] =	vst.idx.add.f32.msk $0xffff, v2  }
0x27a: {  	[tilespmem:v9+s3+$0x0] =	vst.idx.add.f32.msk $0xffff, v2  }
0x27b: {  	[tilespmem:v10+s3+$0x0] =	vst.idx.add.f32.msk $0xffff, v2  }
0x27c: {  	[tilespmem:v13+s3+$0x0] =	vst.idx.add.f32.msk $0xffff, v2  }
0x27d: {  	v9 =	vld [tilespmem:s10+$0x0]  }
0x27e: {  	v10 =	vld [tilespmem:s10+$0xFFFFFFF0]  }
0x27f: {  	v11 =	vld [tilespmem:s10+$0xFFFFFFC0]  }
0x280: {  	v12 =	vld [tilespmem:s10+$0xFFFFFF90]  }
0x281: {  	v13 =	vld [tilespmem:s10+$0xFFFFFFE0]  }
0x282: {  	v14 =	vld [tilespmem:s10+$0xFFFFFFD0];
	v9 =	vsub.f32 v9, v7  }
0x283: {  	v15 =	vld [tilespmem:s10+$0xFFFFFFA0]  }
0x284: {  	v10 =	vsub.f32 v10, v7;
	v9 =	vmul.f32 v9, v8  }
0x285: {  	v17 =	vld [tilespmem:s10+$0xFFFFFFB0];
	v11 =	vsub.f32 v11, v7;
	v12 =	vsub.f32 v12, v7  }
0x286: {  	v13 =	vsub.f32 v13, v7;
	v10 =	vmul.f32 v10, v8;
	v9 =	vtrunc.f32 v9  }
0x287: {  	v14 =	vsub.f32 v14, v7;
	v11 =	vmul.f32 v11, v8;
	v16 =	vcvt.f32.s32 v9  }
0x288: {  	s9 =	simm.s32 $0x8570;
	v15 =	vsub.f32 v15, v7;
	v12 =	vmul.f32 v12, v8;
	v10 =	vtrunc.f32 v10  }
0x289: {  	v18 =	vld [tilespmem:s9+$0xFFFFFFF0];
	v11 =	vtrunc.f32 v11;
	v10 =	vcvt.f32.s32 v10;
	v16 =	vadd.s32 v0, v16  }
0x28a: {  	v19 =	vld [tilespmem:s9+$0xFFFFFFC0];
	v17 =	vsub.f32 v17, v7;
	v13 =	vmul.f32 v13, v8;
	v11 =	vcvt.f32.s32 v11  }
0x28b: {  	v20 =	vld [tilespmem:s9+$0xFFFFFF90];
	v14 =	vmul.f32 v14, v8;
	v12 =	vtrunc.f32 v12;
	v10 =	vadd.s32 v0, v10  }
0x28c: {  	v21 =	vld [tilespmem:s9+$0x0];
	v13 =	vtrunc.f32 v13;
	v12 =	vcvt.f32.s32 v12;
	v11 =	vadd.s32 v0, v11  }
0x28d: {  	v15 =	vmul.f32 v15, v8;
	v9 =	vld [tilespmem:s9+$0xFFFFFFA0];
	v13 =	vcvt.f32.s32 v13  }
0x28e: {  	v14 =	vtrunc.f32 v14;
	v12 =	vadd.s32 v0, v12;
	[tilespmem:v16+s3+$0x0] =	vst.idx.add.f32.msk $0xffff, v2;
	v16 =	vmul.f32 v17, v8  }
0x28f: {  	v14 =	vcvt.f32.s32 v14;
	v22 =	vadd.s32 v0, v13;
	v13 =	vtrunc.f32 v15;
	v15 =	vld [tilespmem:s9+$0xFFFFFFE0]  }
0x290: {  	v13 =	vcvt.f32.s32 v13;
	[tilespmem:v10+s3+$0x0] =	vst.idx.add.f32.msk $0xffff, v2;
	v16 =	vtrunc.f32 v16  }
0x291: {  	[tilespmem:v11+s3+$0x0] =	vst.idx.add.f32.msk $0xffff, v2;
	v11 =	vsub.f32 v20, v7;
	v20 =	vadd.s32 v0, v14;
	v16 =	vcvt.f32.s32 v16  }
0x292: {  	v18 =	vsub.f32 v18, v7;
	v13 =	vadd.s32 v0, v13;
	v17 =	vsub.f32 v21, v7;
	v14 =	vld [tilespmem:s9+$0xFFFFFFD0]  }
0x293: {  	[tilespmem:v12+s3+$0x0] =	vst.idx.add.f32.msk $0xffff, v2;
	v11 =	vmul.f32 v11, v8;
	v12 =	vadd.s32 v0, v16  }
0x294: {  	v19 =	vsub.f32 v19, v7;
	v10 =	vld [tilespmem:s9+$0xFFFFFFB0];
	v21 =	vmul.f32 v17, v8  }
0x295: {  	[tilespmem:v22+s3+$0x0] =	vst.idx.add.f32.msk $0xffff, v2;
	v17 =	vmul.f32 v18, v8;
	v11 =	vtrunc.f32 v11  }
0x296: {  	s11 =	simm.s32 $0x8;
	v18 =	vtrunc.f32 v21;
	v16 =	vmul.f32 v19, v8;
	[tilespmem:v20+s3+$0x0] =	vst.idx.add.f32.msk $0xffff, v2  }
.LBB2_25:
0x297: {  	s11 =	sadd.s32 $0x8, s11;
	v15 =	vsub.f32 v15, v7;
	v17 =	vtrunc.f32 v17;
	v18 =	vcvt.f32.s32 v18;
	[tilespmem:v13+s3+$0x0] =	vst.idx.add.f32.msk $0xffff, v2;
	s10 =	simm.s32 $0x81F0  }
0x298: {  	s9 =	sadd.s32 $0x400, s9;
	p1 =	slt.u32 s11, $0xF8;
	v13 =	vtrunc.f32 v16;
	v14 =	vsub.f32 v14, v7;
	v16 =	vcvt.f32.s32 v17;
	[tilespmem:v12+s3+$0x0] =	vst.idx.add.f32.msk $0xffff, v2  }
0x299: {  	v12 =	vld [tilespmem:s9+$0xFFFFFFA0];
	v13 =	vcvt.f32.s32 v13;
	v15 =	vmul.f32 v15, v8;
	v17 =	vadd.s32 v0, v18  }
0x29a: {  	v10 =	vsub.f32 v10, v7;
	v18 =	vld [tilespmem:s9+$0xFFFFFFF0];
	v14 =	vmul.f32 v14, v8;
	v16 =	vadd.s32 v0, v16  }
0x29b: {  	v23 =	vsub.f32 v9, v7;
	v19 =	vld [tilespmem:s9+$0xFFFFFFC0];
	v13 =	vadd.s32 v0, v13;
	v15 =	vtrunc.f32 v15  }
0x29c: {  	v11 =	vcvt.f32.s32 v11;
	v20 =	vld [tilespmem:s9+$0xFFFFFF90];
	v14 =	vtrunc.f32 v14  }
0x29d: {  	v22 =	vmul.f32 v23, v8;
	v10 =	vmul.f32 v10, v8;
	v21 =	vld [tilespmem:s9+$0x0]  }
0x29e: {  	v15 =	vcvt.f32.s32 v15;
	v14 =	vcvt.f32.s32 v14;
	[tilespmem:v17+s3+$0x0] =	vst.idx.add.f32.msk $0xffff, v2;
	v9 =	vmov v12  }
0x29f: {  	v11 =	vadd.s32 v0, v11;
	v10 =	vtrunc.f32 v10;
	v12 =	vtrunc.f32 v22;
	[tilespmem:v16+s3+$0x0] =	vst.idx.add.f32.msk $0xffff, v2  }
0x2a0: {  	v22 =	vadd.s32 v0, v15;
	v12 =	vcvt.f32.s32 v12;
	v16 =	vcvt.f32.s32 v10;
	[tilespmem:v13+s3+$0x0] =	vst.idx.add.f32.msk $0xffff, v2  }
0x2a1: {  	v17 =	vsub.f32 v20, v7;
	v10 =	vld [tilespmem:s9+$0xFFFFFFB0];
	v20 =	vadd.s32 v0, v14  }
.Ltmp11:
0x2a2: {  	v13 =	vadd.s32 v0, v12;
	v12 =	vadd.s32 v0, v16;
	v15 =	vld [tilespmem:s9+$0xFFFFFFE0];
	v21 =	vsub.f32 v21, v7;
	(pc) =	sbr.rel @p1 .LBB2_25-.Ltmp11, $4  }
0x2a3: {  	v16 =	vmul.f32 v17, v8;
	v14 =	vld [tilespmem:s9+$0xFFFFFFD0];
	v17 =	vsub.f32 v18, v7  }
0x2a4: {  	v18 =	vsub.f32 v19, v7;
	v19 =	vmul.f32 v21, v8;
	[tilespmem:v11+s3+$0x0] =	vst.idx.add.f32.msk $0xffff, v2  }
0x2a5: {  	v11 =	vtrunc.f32 v16;
	v17 =	vmul.f32 v17, v8;
	[tilespmem:v22+s3+$0x0] =	vst.idx.add.f32.msk $0xffff, v2  }
0x2a6: {  	v16 =	vmul.f32 v18, v8;
	v18 =	vtrunc.f32 v19;
	[tilespmem:v20+s3+$0x0] =	vst.idx.add.f32.msk $0xffff, v2  }
0x2a7: {  	v15 =	vsub.f32 v15, v7;
	v17 =	vtrunc.f32 v17  }
0x2a8: {  	v18 =	vcvt.f32.s32 v18;
	v9 =	vsub.f32 v9, v7;
	v11 =	vcvt.f32.s32 v11  }
0x2a9: {  	v10 =	vsub.f32 v10, v7;
	v16 =	vtrunc.f32 v16;
	v17 =	vcvt.f32.s32 v17  }
0x2aa: {  	v14 =	vsub.f32 v14, v7;
	v16 =	vcvt.f32.s32 v16;
	v15 =	vmul.f32 v15, v8  }
0x2ab: {  	v18 =	vadd.s32 v0, v18;
	v9 =	vmul.f32 v9, v8;
	v10 =	vmul.f32 v10, v8  }
0x2ac: {  	v11 =	vadd.s32 v0, v11;
	v14 =	vmul.f32 v14, v8;
	v15 =	vtrunc.f32 v15  }
0x2ad: {  	v17 =	vadd.s32 v0, v17;
	v9 =	vtrunc.f32 v9;
	v15 =	vcvt.f32.s32 v15  }
0x2ae: {  	[tilespmem:v13+s3+$0x0] =	vst.idx.add.f32.msk $0xffff, v2;
	v16 =	vadd.s32 v0, v16;
	v10 =	vtrunc.f32 v10;
	v9 =	vcvt.f32.s32 v9  }
0x2af: {  	[tilespmem:v12+s3+$0x0] =	vst.idx.add.f32.msk $0xffff, v2;
	v14 =	vtrunc.f32 v14;
	v10 =	vcvt.f32.s32 v10;
	v12 =	vadd.s32 v0, v15  }
0x2b0: {  	v13 =	vcvt.f32.s32 v14;
	[tilespmem:v18+s3+$0x0] =	vst.idx.add.f32.msk $0xffff, v2;
	v9 =	vadd.s32 v0, v9  }
0x2b1: {  	v10 =	vadd.s32 v0, v10;
	[tilespmem:v11+s3+$0x0] =	vst.idx.add.f32.msk $0xffff, v2  }
0x2b2: {  	v13 =	vadd.s32 v0, v13;
	[tilespmem:v17+s3+$0x0] =	vst.idx.add.f32.msk $0xffff, v2  }
0x2b3: {  	[tilespmem:v16+s3+$0x0] =	vst.idx.add.f32.msk $0xffff, v2  }
0x2b4: {  	[tilespmem:v12+s3+$0x0] =	vst.idx.add.f32.msk $0xffff, v2  }
0x2b5: {  	[tilespmem:v9+s3+$0x0] =	vst.idx.add.f32.msk $0xffff, v2  }
0x2b6: {  	[tilespmem:v10+s3+$0x0] =	vst.idx.add.f32.msk $0xffff, v2  }
0x2b7: {  	[tilespmem:v13+s3+$0x0] =	vst.idx.add.f32.msk $0xffff, v2  }
0x2b8: {  	v9 =	vld [tilespmem:s10+$0x0]  }
0x2b9: {  	v10 =	vld [tilespmem:s10+$0xFFFFFFF0]  }
0x2ba: {  	v11 =	vld [tilespmem:s10+$0xFFFFFFC0]  }
0x2bb: {  	v12 =	vld [tilespmem:s10+$0xFFFFFF90]  }
0x2bc: {  	v13 =	vld [tilespmem:s10+$0xFFFFFFE0]  }
0x2bd: {  	v14 =	vld [tilespmem:s10+$0xFFFFFFD0];
	v9 =	vsub.f32 v9, v7  }
0x2be: {  	v15 =	vld [tilespmem:s10+$0xFFFFFFA0]  }
0x2bf: {  	v10 =	vsub.f32 v10, v7;
	v9 =	vmul.f32 v9, v8  }
0x2c0: {  	v17 =	vld [tilespmem:s10+$0xFFFFFFB0];
	v11 =	vsub.f32 v11, v7;
	v12 =	vsub.f32 v12, v7  }
0x2c1: {  	v13 =	vsub.f32 v13, v7;
	v10 =	vmul.f32 v10, v8;
	v9 =	vtrunc.f32 v9  }
0x2c2: {  	v14 =	vsub.f32 v14, v7;
	v11 =	vmul.f32 v11, v8;
	v16 =	vcvt.f32.s32 v9  }
0x2c3: {  	s9 =	simm.s32 $0x85F0;
	v15 =	vsub.f32 v15, v7;
	v12 =	vmul.f32 v12, v8;
	v10 =	vtrunc.f32 v10  }
0x2c4: {  	v18 =	vld [tilespmem:s9+$0xFFFFFFF0];
	v11 =	vtrunc.f32 v11;
	v10 =	vcvt.f32.s32 v10;
	v16 =	vadd.s32 v0, v16  }
0x2c5: {  	v19 =	vld [tilespmem:s9+$0xFFFFFFC0];
	v17 =	vsub.f32 v17, v7;
	v13 =	vmul.f32 v13, v8;
	v11 =	vcvt.f32.s32 v11  }
0x2c6: {  	v20 =	vld [tilespmem:s9+$0xFFFFFF90];
	v14 =	vmul.f32 v14, v8;
	v12 =	vtrunc.f32 v12;
	v10 =	vadd.s32 v0, v10  }
0x2c7: {  	v21 =	vld [tilespmem:s9+$0x0];
	v13 =	vtrunc.f32 v13;
	v12 =	vcvt.f32.s32 v12;
	v11 =	vadd.s32 v0, v11  }
0x2c8: {  	v15 =	vmul.f32 v15, v8;
	v9 =	vld [tilespmem:s9+$0xFFFFFFA0];
	v13 =	vcvt.f32.s32 v13  }
0x2c9: {  	v14 =	vtrunc.f32 v14;
	v12 =	vadd.s32 v0, v12;
	[tilespmem:v16+s3+$0x0] =	vst.idx.add.f32.msk $0xffff, v2;
	v16 =	vmul.f32 v17, v8  }
0x2ca: {  	v14 =	vcvt.f32.s32 v14;
	v22 =	vadd.s32 v0, v13;
	v13 =	vtrunc.f32 v15;
	v15 =	vld [tilespmem:s9+$0xFFFFFFE0]  }
0x2cb: {  	v13 =	vcvt.f32.s32 v13;
	[tilespmem:v10+s3+$0x0] =	vst.idx.add.f32.msk $0xffff, v2;
	v16 =	vtrunc.f32 v16  }
0x2cc: {  	[tilespmem:v11+s3+$0x0] =	vst.idx.add.f32.msk $0xffff, v2;
	v11 =	vsub.f32 v20, v7;
	v20 =	vadd.s32 v0, v14;
	v16 =	vcvt.f32.s32 v16  }
0x2cd: {  	v18 =	vsub.f32 v18, v7;
	v13 =	vadd.s32 v0, v13;
	v17 =	vsub.f32 v21, v7;
	v14 =	vld [tilespmem:s9+$0xFFFFFFD0]  }
0x2ce: {  	[tilespmem:v12+s3+$0x0] =	vst.idx.add.f32.msk $0xffff, v2;
	v11 =	vmul.f32 v11, v8;
	v12 =	vadd.s32 v0, v16  }
0x2cf: {  	v19 =	vsub.f32 v19, v7;
	v10 =	vld [tilespmem:s9+$0xFFFFFFB0];
	v21 =	vmul.f32 v17, v8  }
0x2d0: {  	[tilespmem:v22+s3+$0x0] =	vst.idx.add.f32.msk $0xffff, v2;
	v17 =	vmul.f32 v18, v8;
	v11 =	vtrunc.f32 v11  }
0x2d1: {  	s11 =	simm.s32 $0x8;
	v18 =	vtrunc.f32 v21;
	v16 =	vmul.f32 v19, v8;
	[tilespmem:v20+s3+$0x0] =	vst.idx.add.f32.msk $0xffff, v2  }
.LBB2_27:
0x2d2: {  	s11 =	sadd.s32 $0x8, s11;
	v15 =	vsub.f32 v15, v7;
	v17 =	vtrunc.f32 v17;
	v18 =	vcvt.f32.s32 v18;
	[tilespmem:v13+s3+$0x0] =	vst.idx.add.f32.msk $0xffff, v2;
	s10 =	simm.s32 $0x8270  }
0x2d3: {  	s9 =	sadd.s32 $0x400, s9;
	p1 =	slt.u32 s11, $0xF8;
	v13 =	vtrunc.f32 v16;
	v14 =	vsub.f32 v14, v7;
	v16 =	vcvt.f32.s32 v17;
	[tilespmem:v12+s3+$0x0] =	vst.idx.add.f32.msk $0xffff, v2  }
0x2d4: {  	v12 =	vld [tilespmem:s9+$0xFFFFFFA0];
	v13 =	vcvt.f32.s32 v13;
	v15 =	vmul.f32 v15, v8;
	v17 =	vadd.s32 v0, v18  }
0x2d5: {  	v10 =	vsub.f32 v10, v7;
	v18 =	vld [tilespmem:s9+$0xFFFFFFF0];
	v14 =	vmul.f32 v14, v8;
	v16 =	vadd.s32 v0, v16  }
0x2d6: {  	v23 =	vsub.f32 v9, v7;
	v19 =	vld [tilespmem:s9+$0xFFFFFFC0];
	v13 =	vadd.s32 v0, v13;
	v15 =	vtrunc.f32 v15  }
0x2d7: {  	v11 =	vcvt.f32.s32 v11;
	v20 =	vld [tilespmem:s9+$0xFFFFFF90];
	v14 =	vtrunc.f32 v14  }
0x2d8: {  	v22 =	vmul.f32 v23, v8;
	v10 =	vmul.f32 v10, v8;
	v21 =	vld [tilespmem:s9+$0x0]  }
0x2d9: {  	v15 =	vcvt.f32.s32 v15;
	v14 =	vcvt.f32.s32 v14;
	[tilespmem:v17+s3+$0x0] =	vst.idx.add.f32.msk $0xffff, v2;
	v9 =	vmov v12  }
0x2da: {  	v11 =	vadd.s32 v0, v11;
	v10 =	vtrunc.f32 v10;
	v12 =	vtrunc.f32 v22;
	[tilespmem:v16+s3+$0x0] =	vst.idx.add.f32.msk $0xffff, v2  }
0x2db: {  	v22 =	vadd.s32 v0, v15;
	v12 =	vcvt.f32.s32 v12;
	v16 =	vcvt.f32.s32 v10;
	[tilespmem:v13+s3+$0x0] =	vst.idx.add.f32.msk $0xffff, v2  }
0x2dc: {  	v17 =	vsub.f32 v20, v7;
	v10 =	vld [tilespmem:s9+$0xFFFFFFB0];
	v20 =	vadd.s32 v0, v14  }
.Ltmp12:
0x2dd: {  	v13 =	vadd.s32 v0, v12;
	v12 =	vadd.s32 v0, v16;
	v15 =	vld [tilespmem:s9+$0xFFFFFFE0];
	v21 =	vsub.f32 v21, v7;
	(pc) =	sbr.rel @p1 .LBB2_27-.Ltmp12, $4  }
0x2de: {  	v16 =	vmul.f32 v17, v8;
	v14 =	vld [tilespmem:s9+$0xFFFFFFD0];
	v17 =	vsub.f32 v18, v7  }
0x2df: {  	v18 =	vsub.f32 v19, v7;
	v19 =	vmul.f32 v21, v8;
	[tilespmem:v11+s3+$0x0] =	vst.idx.add.f32.msk $0xffff, v2  }
0x2e0: {  	v11 =	vtrunc.f32 v16;
	v17 =	vmul.f32 v17, v8;
	[tilespmem:v22+s3+$0x0] =	vst.idx.add.f32.msk $0xffff, v2  }
0x2e1: {  	v16 =	vmul.f32 v18, v8;
	v18 =	vtrunc.f32 v19;
	[tilespmem:v20+s3+$0x0] =	vst.idx.add.f32.msk $0xffff, v2  }
0x2e2: {  	v15 =	vsub.f32 v15, v7;
	v17 =	vtrunc.f32 v17  }
0x2e3: {  	v18 =	vcvt.f32.s32 v18;
	v9 =	vsub.f32 v9, v7;
	v11 =	vcvt.f32.s32 v11  }
0x2e4: {  	v10 =	vsub.f32 v10, v7;
	v16 =	vtrunc.f32 v16;
	v17 =	vcvt.f32.s32 v17  }
0x2e5: {  	v14 =	vsub.f32 v14, v7;
	v16 =	vcvt.f32.s32 v16;
	v15 =	vmul.f32 v15, v8  }
0x2e6: {  	v18 =	vadd.s32 v0, v18;
	v9 =	vmul.f32 v9, v8;
	v10 =	vmul.f32 v10, v8  }
0x2e7: {  	v11 =	vadd.s32 v0, v11;
	v14 =	vmul.f32 v14, v8;
	v15 =	vtrunc.f32 v15  }
0x2e8: {  	v17 =	vadd.s32 v0, v17;
	v9 =	vtrunc.f32 v9;
	v15 =	vcvt.f32.s32 v15  }
0x2e9: {  	[tilespmem:v13+s3+$0x0] =	vst.idx.add.f32.msk $0xffff, v2;
	v16 =	vadd.s32 v0, v16;
	v10 =	vtrunc.f32 v10;
	v9 =	vcvt.f32.s32 v9  }
0x2ea: {  	[tilespmem:v12+s3+$0x0] =	vst.idx.add.f32.msk $0xffff, v2;
	v14 =	vtrunc.f32 v14;
	v10 =	vcvt.f32.s32 v10;
	v12 =	vadd.s32 v0, v15  }
0x2eb: {  	v13 =	vcvt.f32.s32 v14;
	[tilespmem:v18+s3+$0x0] =	vst.idx.add.f32.msk $0xffff, v2;
	v9 =	vadd.s32 v0, v9  }
0x2ec: {  	v10 =	vadd.s32 v0, v10;
	[tilespmem:v11+s3+$0x0] =	vst.idx.add.f32.msk $0xffff, v2  }
0x2ed: {  	v13 =	vadd.s32 v0, v13;
	[tilespmem:v17+s3+$0x0] =	vst.idx.add.f32.msk $0xffff, v2  }
0x2ee: {  	[tilespmem:v16+s3+$0x0] =	vst.idx.add.f32.msk $0xffff, v2  }
0x2ef: {  	[tilespmem:v12+s3+$0x0] =	vst.idx.add.f32.msk $0xffff, v2  }
0x2f0: {  	[tilespmem:v9+s3+$0x0] =	vst.idx.add.f32.msk $0xffff, v2  }
0x2f1: {  	[tilespmem:v10+s3+$0x0] =	vst.idx.add.f32.msk $0xffff, v2  }
0x2f2: {  	[tilespmem:v13+s3+$0x0] =	vst.idx.add.f32.msk $0xffff, v2  }
0x2f3: {  	v9 =	vld [tilespmem:s10+$0x0]  }
0x2f4: {  	v10 =	vld [tilespmem:s10+$0xFFFFFFF0]  }
0x2f5: {  	v11 =	vld [tilespmem:s10+$0xFFFFFFC0]  }
0x2f6: {  	v12 =	vld [tilespmem:s10+$0xFFFFFF90]  }
0x2f7: {  	v13 =	vld [tilespmem:s10+$0xFFFFFFE0]  }
0x2f8: {  	v14 =	vld [tilespmem:s10+$0xFFFFFFD0];
	v9 =	vsub.f32 v9, v7  }
0x2f9: {  	v15 =	vld [tilespmem:s10+$0xFFFFFFA0]  }
0x2fa: {  	v10 =	vsub.f32 v10, v7;
	v9 =	vmul.f32 v9, v8  }
0x2fb: {  	v17 =	vld [tilespmem:s10+$0xFFFFFFB0];
	v11 =	vsub.f32 v11, v7;
	v12 =	vsub.f32 v12, v7  }
0x2fc: {  	v13 =	vsub.f32 v13, v7;
	v10 =	vmul.f32 v10, v8;
	v9 =	vtrunc.f32 v9  }
0x2fd: {  	v14 =	vsub.f32 v14, v7;
	v11 =	vmul.f32 v11, v8;
	v16 =	vcvt.f32.s32 v9  }
0x2fe: {  	s9 =	simm.s32 $0x8670;
	v15 =	vsub.f32 v15, v7;
	v12 =	vmul.f32 v12, v8;
	v10 =	vtrunc.f32 v10  }
0x2ff: {  	v18 =	vld [tilespmem:s9+$0xFFFFFFF0];
	v11 =	vtrunc.f32 v11;
	v10 =	vcvt.f32.s32 v10;
	v16 =	vadd.s32 v0, v16  }
0x300: {  	v19 =	vld [tilespmem:s9+$0xFFFFFFC0];
	v17 =	vsub.f32 v17, v7;
	v13 =	vmul.f32 v13, v8;
	v11 =	vcvt.f32.s32 v11  }
0x301: {  	v20 =	vld [tilespmem:s9+$0xFFFFFF90];
	v14 =	vmul.f32 v14, v8;
	v12 =	vtrunc.f32 v12;
	v10 =	vadd.s32 v0, v10  }
0x302: {  	v21 =	vld [tilespmem:s9+$0x0];
	v13 =	vtrunc.f32 v13;
	v12 =	vcvt.f32.s32 v12;
	v11 =	vadd.s32 v0, v11  }
0x303: {  	v15 =	vmul.f32 v15, v8;
	v9 =	vld [tilespmem:s9+$0xFFFFFFA0];
	v13 =	vcvt.f32.s32 v13  }
0x304: {  	v14 =	vtrunc.f32 v14;
	v12 =	vadd.s32 v0, v12;
	[tilespmem:v16+s3+$0x0] =	vst.idx.add.f32.msk $0xffff, v2;
	v16 =	vmul.f32 v17, v8  }
0x305: {  	v14 =	vcvt.f32.s32 v14;
	v22 =	vadd.s32 v0, v13;
	v13 =	vtrunc.f32 v15;
	v15 =	vld [tilespmem:s9+$0xFFFFFFE0]  }
0x306: {  	v13 =	vcvt.f32.s32 v13;
	[tilespmem:v10+s3+$0x0] =	vst.idx.add.f32.msk $0xffff, v2;
	v16 =	vtrunc.f32 v16  }
0x307: {  	[tilespmem:v11+s3+$0x0] =	vst.idx.add.f32.msk $0xffff, v2;
	v11 =	vsub.f32 v20, v7;
	v20 =	vadd.s32 v0, v14;
	v16 =	vcvt.f32.s32 v16  }
0x308: {  	v18 =	vsub.f32 v18, v7;
	v13 =	vadd.s32 v0, v13;
	v17 =	vsub.f32 v21, v7;
	v14 =	vld [tilespmem:s9+$0xFFFFFFD0]  }
0x309: {  	[tilespmem:v12+s3+$0x0] =	vst.idx.add.f32.msk $0xffff, v2;
	v11 =	vmul.f32 v11, v8;
	v12 =	vadd.s32 v0, v16  }
0x30a: {  	v19 =	vsub.f32 v19, v7;
	v10 =	vld [tilespmem:s9+$0xFFFFFFB0];
	v21 =	vmul.f32 v17, v8  }
0x30b: {  	[tilespmem:v22+s3+$0x0] =	vst.idx.add.f32.msk $0xffff, v2;
	v17 =	vmul.f32 v18, v8;
	v11 =	vtrunc.f32 v11  }
0x30c: {  	s11 =	simm.s32 $0x8;
	v18 =	vtrunc.f32 v21;
	v16 =	vmul.f32 v19, v8;
	[tilespmem:v20+s3+$0x0] =	vst.idx.add.f32.msk $0xffff, v2  }
.LBB2_29:
0x30d: {  	s11 =	sadd.s32 $0x8, s11;
	v15 =	vsub.f32 v15, v7;
	v17 =	vtrunc.f32 v17;
	v18 =	vcvt.f32.s32 v18;
	[tilespmem:v13+s3+$0x0] =	vst.idx.add.f32.msk $0xffff, v2;
	s10 =	simm.s32 $0x82F0  }
0x30e: {  	s9 =	sadd.s32 $0x400, s9;
	p1 =	slt.u32 s11, $0xF8;
	v13 =	vtrunc.f32 v16;
	v14 =	vsub.f32 v14, v7;
	v16 =	vcvt.f32.s32 v17;
	[tilespmem:v12+s3+$0x0] =	vst.idx.add.f32.msk $0xffff, v2  }
0x30f: {  	v12 =	vld [tilespmem:s9+$0xFFFFFFA0];
	v13 =	vcvt.f32.s32 v13;
	v15 =	vmul.f32 v15, v8;
	v17 =	vadd.s32 v0, v18  }
0x310: {  	v10 =	vsub.f32 v10, v7;
	v18 =	vld [tilespmem:s9+$0xFFFFFFF0];
	v14 =	vmul.f32 v14, v8;
	v16 =	vadd.s32 v0, v16  }
0x311: {  	v23 =	vsub.f32 v9, v7;
	v19 =	vld [tilespmem:s9+$0xFFFFFFC0];
	v13 =	vadd.s32 v0, v13;
	v15 =	vtrunc.f32 v15  }
0x312: {  	v11 =	vcvt.f32.s32 v11;
	v20 =	vld [tilespmem:s9+$0xFFFFFF90];
	v14 =	vtrunc.f32 v14  }
0x313: {  	v22 =	vmul.f32 v23, v8;
	v10 =	vmul.f32 v10, v8;
	v21 =	vld [tilespmem:s9+$0x0]  }
0x314: {  	v15 =	vcvt.f32.s32 v15;
	v14 =	vcvt.f32.s32 v14;
	[tilespmem:v17+s3+$0x0] =	vst.idx.add.f32.msk $0xffff, v2;
	v9 =	vmov v12  }
0x315: {  	v11 =	vadd.s32 v0, v11;
	v10 =	vtrunc.f32 v10;
	v12 =	vtrunc.f32 v22;
	[tilespmem:v16+s3+$0x0] =	vst.idx.add.f32.msk $0xffff, v2  }
0x316: {  	v22 =	vadd.s32 v0, v15;
	v12 =	vcvt.f32.s32 v12;
	v16 =	vcvt.f32.s32 v10;
	[tilespmem:v13+s3+$0x0] =	vst.idx.add.f32.msk $0xffff, v2  }
0x317: {  	v17 =	vsub.f32 v20, v7;
	v10 =	vld [tilespmem:s9+$0xFFFFFFB0];
	v20 =	vadd.s32 v0, v14  }
.Ltmp13:
0x318: {  	v13 =	vadd.s32 v0, v12;
	v12 =	vadd.s32 v0, v16;
	v15 =	vld [tilespmem:s9+$0xFFFFFFE0];
	v21 =	vsub.f32 v21, v7;
	(pc) =	sbr.rel @p1 .LBB2_29-.Ltmp13, $4  }
0x319: {  	v16 =	vmul.f32 v17, v8;
	v14 =	vld [tilespmem:s9+$0xFFFFFFD0];
	v17 =	vsub.f32 v18, v7  }
0x31a: {  	v18 =	vsub.f32 v19, v7;
	v19 =	vmul.f32 v21, v8;
	[tilespmem:v11+s3+$0x0] =	vst.idx.add.f32.msk $0xffff, v2  }
0x31b: {  	v11 =	vtrunc.f32 v16;
	v17 =	vmul.f32 v17, v8;
	[tilespmem:v22+s3+$0x0] =	vst.idx.add.f32.msk $0xffff, v2  }
0x31c: {  	v16 =	vmul.f32 v18, v8;
	v18 =	vtrunc.f32 v19;
	[tilespmem:v20+s3+$0x0] =	vst.idx.add.f32.msk $0xffff, v2  }
0x31d: {  	v15 =	vsub.f32 v15, v7;
	v17 =	vtrunc.f32 v17  }
0x31e: {  	v18 =	vcvt.f32.s32 v18;
	v9 =	vsub.f32 v9, v7;
	v11 =	vcvt.f32.s32 v11  }
0x31f: {  	v10 =	vsub.f32 v10, v7;
	v16 =	vtrunc.f32 v16;
	v17 =	vcvt.f32.s32 v17  }
0x320: {  	v14 =	vsub.f32 v14, v7;
	v16 =	vcvt.f32.s32 v16;
	v15 =	vmul.f32 v15, v8  }
0x321: {  	v18 =	vadd.s32 v0, v18;
	v9 =	vmul.f32 v9, v8;
	v10 =	vmul.f32 v10, v8  }
0x322: {  	v11 =	vadd.s32 v0, v11;
	v14 =	vmul.f32 v14, v8;
	v15 =	vtrunc.f32 v15  }
0x323: {  	v17 =	vadd.s32 v0, v17;
	v9 =	vtrunc.f32 v9;
	v15 =	vcvt.f32.s32 v15  }
0x324: {  	[tilespmem:v13+s3+$0x0] =	vst.idx.add.f32.msk $0xffff, v2;
	v16 =	vadd.s32 v0, v16;
	v10 =	vtrunc.f32 v10;
	v9 =	vcvt.f32.s32 v9  }
0x325: {  	[tilespmem:v12+s3+$0x0] =	vst.idx.add.f32.msk $0xffff, v2;
	v14 =	vtrunc.f32 v14;
	v10 =	vcvt.f32.s32 v10;
	v12 =	vadd.s32 v0, v15  }
0x326: {  	v13 =	vcvt.f32.s32 v14;
	[tilespmem:v18+s3+$0x0] =	vst.idx.add.f32.msk $0xffff, v2;
	v9 =	vadd.s32 v0, v9  }
0x327: {  	v10 =	vadd.s32 v0, v10;
	[tilespmem:v11+s3+$0x0] =	vst.idx.add.f32.msk $0xffff, v2  }
0x328: {  	v13 =	vadd.s32 v0, v13;
	[tilespmem:v17+s3+$0x0] =	vst.idx.add.f32.msk $0xffff, v2  }
0x329: {  	[tilespmem:v16+s3+$0x0] =	vst.idx.add.f32.msk $0xffff, v2  }
0x32a: {  	[tilespmem:v12+s3+$0x0] =	vst.idx.add.f32.msk $0xffff, v2  }
0x32b: {  	[tilespmem:v9+s3+$0x0] =	vst.idx.add.f32.msk $0xffff, v2  }
0x32c: {  	[tilespmem:v10+s3+$0x0] =	vst.idx.add.f32.msk $0xffff, v2  }
0x32d: {  	[tilespmem:v13+s3+$0x0] =	vst.idx.add.f32.msk $0xffff, v2  }
0x32e: {  	v9 =	vld [tilespmem:s10+$0x0]  }
0x32f: {  	v10 =	vld [tilespmem:s10+$0xFFFFFFF0]  }
0x330: {  	v11 =	vld [tilespmem:s10+$0xFFFFFFC0]  }
0x331: {  	v12 =	vld [tilespmem:s10+$0xFFFFFF90]  }
0x332: {  	v13 =	vld [tilespmem:s10+$0xFFFFFFE0]  }
0x333: {  	v14 =	vld [tilespmem:s10+$0xFFFFFFD0];
	v9 =	vsub.f32 v9, v7  }
0x334: {  	v15 =	vld [tilespmem:s10+$0xFFFFFFA0]  }
0x335: {  	v10 =	vsub.f32 v10, v7;
	v9 =	vmul.f32 v9, v8  }
0x336: {  	v17 =	vld [tilespmem:s10+$0xFFFFFFB0];
	v11 =	vsub.f32 v11, v7;
	v12 =	vsub.f32 v12, v7  }
0x337: {  	v13 =	vsub.f32 v13, v7;
	v10 =	vmul.f32 v10, v8;
	v9 =	vtrunc.f32 v9  }
0x338: {  	v14 =	vsub.f32 v14, v7;
	v11 =	vmul.f32 v11, v8;
	v16 =	vcvt.f32.s32 v9  }
0x339: {  	s9 =	simm.s32 $0x86F0;
	v15 =	vsub.f32 v15, v7;
	v12 =	vmul.f32 v12, v8;
	v10 =	vtrunc.f32 v10  }
0x33a: {  	v18 =	vld [tilespmem:s9+$0xFFFFFFF0];
	v11 =	vtrunc.f32 v11;
	v10 =	vcvt.f32.s32 v10;
	v16 =	vadd.s32 v0, v16  }
0x33b: {  	v19 =	vld [tilespmem:s9+$0xFFFFFFC0];
	v17 =	vsub.f32 v17, v7;
	v13 =	vmul.f32 v13, v8;
	v11 =	vcvt.f32.s32 v11  }
0x33c: {  	v20 =	vld [tilespmem:s9+$0xFFFFFF90];
	v14 =	vmul.f32 v14, v8;
	v12 =	vtrunc.f32 v12;
	v10 =	vadd.s32 v0, v10  }
0x33d: {  	v21 =	vld [tilespmem:s9+$0x0];
	v13 =	vtrunc.f32 v13;
	v12 =	vcvt.f32.s32 v12;
	v11 =	vadd.s32 v0, v11  }
0x33e: {  	v15 =	vmul.f32 v15, v8;
	v9 =	vld [tilespmem:s9+$0xFFFFFFA0];
	v13 =	vcvt.f32.s32 v13  }
0x33f: {  	v14 =	vtrunc.f32 v14;
	v12 =	vadd.s32 v0, v12;
	[tilespmem:v16+s3+$0x0] =	vst.idx.add.f32.msk $0xffff, v2;
	v16 =	vmul.f32 v17, v8  }
0x340: {  	v14 =	vcvt.f32.s32 v14;
	v22 =	vadd.s32 v0, v13;
	v13 =	vtrunc.f32 v15;
	v15 =	vld [tilespmem:s9+$0xFFFFFFE0]  }
0x341: {  	v13 =	vcvt.f32.s32 v13;
	[tilespmem:v10+s3+$0x0] =	vst.idx.add.f32.msk $0xffff, v2;
	v16 =	vtrunc.f32 v16  }
0x342: {  	[tilespmem:v11+s3+$0x0] =	vst.idx.add.f32.msk $0xffff, v2;
	v11 =	vsub.f32 v20, v7;
	v20 =	vadd.s32 v0, v14;
	v16 =	vcvt.f32.s32 v16  }
0x343: {  	v18 =	vsub.f32 v18, v7;
	v13 =	vadd.s32 v0, v13;
	v17 =	vsub.f32 v21, v7;
	v14 =	vld [tilespmem:s9+$0xFFFFFFD0]  }
0x344: {  	[tilespmem:v12+s3+$0x0] =	vst.idx.add.f32.msk $0xffff, v2;
	v11 =	vmul.f32 v11, v8;
	v12 =	vadd.s32 v0, v16  }
0x345: {  	v19 =	vsub.f32 v19, v7;
	v10 =	vld [tilespmem:s9+$0xFFFFFFB0];
	v21 =	vmul.f32 v17, v8  }
0x346: {  	[tilespmem:v22+s3+$0x0] =	vst.idx.add.f32.msk $0xffff, v2;
	v17 =	vmul.f32 v18, v8;
	v11 =	vtrunc.f32 v11  }
0x347: {  	s11 =	simm.s32 $0x8;
	v18 =	vtrunc.f32 v21;
	v16 =	vmul.f32 v19, v8;
	[tilespmem:v20+s3+$0x0] =	vst.idx.add.f32.msk $0xffff, v2  }
.LBB2_31:
0x348: {  	s11 =	sadd.s32 $0x8, s11;
	v15 =	vsub.f32 v15, v7;
	v17 =	vtrunc.f32 v17;
	v18 =	vcvt.f32.s32 v18;
	[tilespmem:v13+s3+$0x0] =	vst.idx.add.f32.msk $0xffff, v2;
	s10 =	simm.s32 $0x8370  }
0x349: {  	s9 =	sadd.s32 $0x400, s9;
	p1 =	slt.u32 s11, $0xF8;
	v13 =	vtrunc.f32 v16;
	v14 =	vsub.f32 v14, v7;
	v16 =	vcvt.f32.s32 v17;
	[tilespmem:v12+s3+$0x0] =	vst.idx.add.f32.msk $0xffff, v2  }
0x34a: {  	v12 =	vld [tilespmem:s9+$0xFFFFFFA0];
	v13 =	vcvt.f32.s32 v13;
	v15 =	vmul.f32 v15, v8;
	v17 =	vadd.s32 v0, v18  }
0x34b: {  	v10 =	vsub.f32 v10, v7;
	v18 =	vld [tilespmem:s9+$0xFFFFFFF0];
	v14 =	vmul.f32 v14, v8;
	v16 =	vadd.s32 v0, v16  }
0x34c: {  	v23 =	vsub.f32 v9, v7;
	v19 =	vld [tilespmem:s9+$0xFFFFFFC0];
	v13 =	vadd.s32 v0, v13;
	v15 =	vtrunc.f32 v15  }
0x34d: {  	v11 =	vcvt.f32.s32 v11;
	v20 =	vld [tilespmem:s9+$0xFFFFFF90];
	v14 =	vtrunc.f32 v14  }
0x34e: {  	v22 =	vmul.f32 v23, v8;
	v10 =	vmul.f32 v10, v8;
	v21 =	vld [tilespmem:s9+$0x0]  }
0x34f: {  	v15 =	vcvt.f32.s32 v15;
	v14 =	vcvt.f32.s32 v14;
	[tilespmem:v17+s3+$0x0] =	vst.idx.add.f32.msk $0xffff, v2;
	v9 =	vmov v12  }
0x350: {  	v11 =	vadd.s32 v0, v11;
	v10 =	vtrunc.f32 v10;
	v12 =	vtrunc.f32 v22;
	[tilespmem:v16+s3+$0x0] =	vst.idx.add.f32.msk $0xffff, v2  }
0x351: {  	v22 =	vadd.s32 v0, v15;
	v12 =	vcvt.f32.s32 v12;
	v16 =	vcvt.f32.s32 v10;
	[tilespmem:v13+s3+$0x0] =	vst.idx.add.f32.msk $0xffff, v2  }
0x352: {  	v17 =	vsub.f32 v20, v7;
	v10 =	vld [tilespmem:s9+$0xFFFFFFB0];
	v20 =	vadd.s32 v0, v14  }
.Ltmp14:
0x353: {  	v13 =	vadd.s32 v0, v12;
	v12 =	vadd.s32 v0, v16;
	v15 =	vld [tilespmem:s9+$0xFFFFFFE0];
	v21 =	vsub.f32 v21, v7;
	(pc) =	sbr.rel @p1 .LBB2_31-.Ltmp14, $4  }
0x354: {  	v16 =	vmul.f32 v17, v8;
	v14 =	vld [tilespmem:s9+$0xFFFFFFD0];
	v17 =	vsub.f32 v18, v7  }
0x355: {  	v18 =	vsub.f32 v19, v7;
	v19 =	vmul.f32 v21, v8;
	[tilespmem:v11+s3+$0x0] =	vst.idx.add.f32.msk $0xffff, v2  }
0x356: {  	v11 =	vtrunc.f32 v16;
	v17 =	vmul.f32 v17, v8;
	[tilespmem:v22+s3+$0x0] =	vst.idx.add.f32.msk $0xffff, v2  }
0x357: {  	v16 =	vmul.f32 v18, v8;
	v18 =	vtrunc.f32 v19;
	[tilespmem:v20+s3+$0x0] =	vst.idx.add.f32.msk $0xffff, v2  }
0x358: {  	v15 =	vsub.f32 v15, v7;
	v17 =	vtrunc.f32 v17  }
0x359: {  	v18 =	vcvt.f32.s32 v18;
	v9 =	vsub.f32 v9, v7;
	v11 =	vcvt.f32.s32 v11  }
0x35a: {  	v10 =	vsub.f32 v10, v7;
	v16 =	vtrunc.f32 v16;
	v17 =	vcvt.f32.s32 v17  }
0x35b: {  	v14 =	vsub.f32 v14, v7;
	v16 =	vcvt.f32.s32 v16;
	v15 =	vmul.f32 v15, v8  }
0x35c: {  	v18 =	vadd.s32 v0, v18;
	v9 =	vmul.f32 v9, v8;
	v10 =	vmul.f32 v10, v8  }
0x35d: {  	v11 =	vadd.s32 v0, v11;
	v14 =	vmul.f32 v14, v8;
	v15 =	vtrunc.f32 v15  }
0x35e: {  	v17 =	vadd.s32 v0, v17;
	v9 =	vtrunc.f32 v9;
	v15 =	vcvt.f32.s32 v15  }
0x35f: {  	[tilespmem:v13+s3+$0x0] =	vst.idx.add.f32.msk $0xffff, v2;
	v16 =	vadd.s32 v0, v16;
	v10 =	vtrunc.f32 v10;
	v9 =	vcvt.f32.s32 v9  }
0x360: {  	[tilespmem:v12+s3+$0x0] =	vst.idx.add.f32.msk $0xffff, v2;
	v14 =	vtrunc.f32 v14;
	v10 =	vcvt.f32.s32 v10;
	v12 =	vadd.s32 v0, v15  }
0x361: {  	v13 =	vcvt.f32.s32 v14;
	[tilespmem:v18+s3+$0x0] =	vst.idx.add.f32.msk $0xffff, v2;
	v9 =	vadd.s32 v0, v9  }
0x362: {  	v10 =	vadd.s32 v0, v10;
	[tilespmem:v11+s3+$0x0] =	vst.idx.add.f32.msk $0xffff, v2  }
0x363: {  	v13 =	vadd.s32 v0, v13;
	[tilespmem:v17+s3+$0x0] =	vst.idx.add.f32.msk $0xffff, v2  }
0x364: {  	[tilespmem:v16+s3+$0x0] =	vst.idx.add.f32.msk $0xffff, v2  }
0x365: {  	[tilespmem:v12+s3+$0x0] =	vst.idx.add.f32.msk $0xffff, v2  }
0x366: {  	[tilespmem:v9+s3+$0x0] =	vst.idx.add.f32.msk $0xffff, v2  }
0x367: {  	[tilespmem:v10+s3+$0x0] =	vst.idx.add.f32.msk $0xffff, v2  }
0x368: {  	[tilespmem:v13+s3+$0x0] =	vst.idx.add.f32.msk $0xffff, v2  }
0x369: {  	v9 =	vld [tilespmem:s10+$0x0]  }
0x36a: {  	v10 =	vld [tilespmem:s10+$0xFFFFFFF0]  }
0x36b: {  	v11 =	vld [tilespmem:s10+$0xFFFFFFC0]  }
0x36c: {  	v12 =	vld [tilespmem:s10+$0xFFFFFF90]  }
0x36d: {  	v13 =	vld [tilespmem:s10+$0xFFFFFFE0]  }
0x36e: {  	v14 =	vld [tilespmem:s10+$0xFFFFFFD0];
	v9 =	vsub.f32 v9, v7  }
0x36f: {  	v15 =	vld [tilespmem:s10+$0xFFFFFFA0]  }
0x370: {  	v10 =	vsub.f32 v10, v7;
	v9 =	vmul.f32 v9, v8  }
0x371: {  	v17 =	vld [tilespmem:s10+$0xFFFFFFB0];
	v11 =	vsub.f32 v11, v7;
	v12 =	vsub.f32 v12, v7  }
0x372: {  	v13 =	vsub.f32 v13, v7;
	v10 =	vmul.f32 v10, v8;
	v9 =	vtrunc.f32 v9  }
0x373: {  	v14 =	vsub.f32 v14, v7;
	v11 =	vmul.f32 v11, v8;
	v16 =	vcvt.f32.s32 v9  }
0x374: {  	s9 =	simm.s32 $0x8770;
	v15 =	vsub.f32 v15, v7;
	v12 =	vmul.f32 v12, v8;
	v10 =	vtrunc.f32 v10  }
0x375: {  	v18 =	vld [tilespmem:s9+$0xFFFFFFF0];
	v11 =	vtrunc.f32 v11;
	v10 =	vcvt.f32.s32 v10;
	v16 =	vadd.s32 v0, v16  }
0x376: {  	v19 =	vld [tilespmem:s9+$0xFFFFFFC0];
	v17 =	vsub.f32 v17, v7;
	v13 =	vmul.f32 v13, v8;
	v11 =	vcvt.f32.s32 v11  }
0x377: {  	v20 =	vld [tilespmem:s9+$0xFFFFFF90];
	v14 =	vmul.f32 v14, v8;
	v12 =	vtrunc.f32 v12;
	v10 =	vadd.s32 v0, v10  }
0x378: {  	v21 =	vld [tilespmem:s9+$0x0];
	v13 =	vtrunc.f32 v13;
	v12 =	vcvt.f32.s32 v12;
	v11 =	vadd.s32 v0, v11  }
0x379: {  	v15 =	vmul.f32 v15, v8;
	v9 =	vld [tilespmem:s9+$0xFFFFFFA0];
	v13 =	vcvt.f32.s32 v13  }
0x37a: {  	v14 =	vtrunc.f32 v14;
	v12 =	vadd.s32 v0, v12;
	[tilespmem:v16+s3+$0x0] =	vst.idx.add.f32.msk $0xffff, v2;
	v16 =	vmul.f32 v17, v8  }
0x37b: {  	v14 =	vcvt.f32.s32 v14;
	v22 =	vadd.s32 v0, v13;
	v13 =	vtrunc.f32 v15;
	v15 =	vld [tilespmem:s9+$0xFFFFFFE0]  }
0x37c: {  	v13 =	vcvt.f32.s32 v13;
	[tilespmem:v10+s3+$0x0] =	vst.idx.add.f32.msk $0xffff, v2;
	v16 =	vtrunc.f32 v16  }
0x37d: {  	[tilespmem:v11+s3+$0x0] =	vst.idx.add.f32.msk $0xffff, v2;
	v11 =	vsub.f32 v20, v7;
	v20 =	vadd.s32 v0, v14;
	v16 =	vcvt.f32.s32 v16  }
0x37e: {  	v18 =	vsub.f32 v18, v7;
	v13 =	vadd.s32 v0, v13;
	v17 =	vsub.f32 v21, v7;
	v14 =	vld [tilespmem:s9+$0xFFFFFFD0]  }
0x37f: {  	[tilespmem:v12+s3+$0x0] =	vst.idx.add.f32.msk $0xffff, v2;
	v11 =	vmul.f32 v11, v8;
	v12 =	vadd.s32 v0, v16  }
0x380: {  	v19 =	vsub.f32 v19, v7;
	v10 =	vld [tilespmem:s9+$0xFFFFFFB0];
	v21 =	vmul.f32 v17, v8  }
0x381: {  	[tilespmem:v22+s3+$0x0] =	vst.idx.add.f32.msk $0xffff, v2;
	v17 =	vmul.f32 v18, v8;
	v11 =	vtrunc.f32 v11  }
0x382: {  	s11 =	simm.s32 $0x8;
	v18 =	vtrunc.f32 v21;
	v16 =	vmul.f32 v19, v8;
	[tilespmem:v20+s3+$0x0] =	vst.idx.add.f32.msk $0xffff, v2  }
.LBB2_33:
0x383: {  	s11 =	sadd.s32 $0x8, s11;
	v15 =	vsub.f32 v15, v7;
	v17 =	vtrunc.f32 v17;
	v18 =	vcvt.f32.s32 v18;
	[tilespmem:v13+s3+$0x0] =	vst.idx.add.f32.msk $0xffff, v2;
	s10 =	simm.s32 $0x83F0  }
0x384: {  	s9 =	sadd.s32 $0x400, s9;
	p1 =	slt.u32 s11, $0xF8;
	v13 =	vtrunc.f32 v16;
	v14 =	vsub.f32 v14, v7;
	v16 =	vcvt.f32.s32 v17;
	[tilespmem:v12+s3+$0x0] =	vst.idx.add.f32.msk $0xffff, v2  }
0x385: {  	v12 =	vld [tilespmem:s9+$0xFFFFFFA0];
	v13 =	vcvt.f32.s32 v13;
	v15 =	vmul.f32 v15, v8;
	v17 =	vadd.s32 v0, v18  }
0x386: {  	v10 =	vsub.f32 v10, v7;
	v18 =	vld [tilespmem:s9+$0xFFFFFFF0];
	v14 =	vmul.f32 v14, v8;
	v16 =	vadd.s32 v0, v16  }
0x387: {  	v23 =	vsub.f32 v9, v7;
	v19 =	vld [tilespmem:s9+$0xFFFFFFC0];
	v13 =	vadd.s32 v0, v13;
	v15 =	vtrunc.f32 v15  }
0x388: {  	v11 =	vcvt.f32.s32 v11;
	v20 =	vld [tilespmem:s9+$0xFFFFFF90];
	v14 =	vtrunc.f32 v14  }
0x389: {  	v22 =	vmul.f32 v23, v8;
	v10 =	vmul.f32 v10, v8;
	v21 =	vld [tilespmem:s9+$0x0]  }
0x38a: {  	v15 =	vcvt.f32.s32 v15;
	v14 =	vcvt.f32.s32 v14;
	[tilespmem:v17+s3+$0x0] =	vst.idx.add.f32.msk $0xffff, v2;
	v9 =	vmov v12  }
0x38b: {  	v11 =	vadd.s32 v0, v11;
	v10 =	vtrunc.f32 v10;
	v12 =	vtrunc.f32 v22;
	[tilespmem:v16+s3+$0x0] =	vst.idx.add.f32.msk $0xffff, v2  }
0x38c: {  	v22 =	vadd.s32 v0, v15;
	v12 =	vcvt.f32.s32 v12;
	v16 =	vcvt.f32.s32 v10;
	[tilespmem:v13+s3+$0x0] =	vst.idx.add.f32.msk $0xffff, v2  }
0x38d: {  	v17 =	vsub.f32 v20, v7;
	v10 =	vld [tilespmem:s9+$0xFFFFFFB0];
	v20 =	vadd.s32 v0, v14  }
.Ltmp15:
0x38e: {  	v13 =	vadd.s32 v0, v12;
	v12 =	vadd.s32 v0, v16;
	v15 =	vld [tilespmem:s9+$0xFFFFFFE0];
	v21 =	vsub.f32 v21, v7;
	(pc) =	sbr.rel @p1 .LBB2_33-.Ltmp15, $4  }
0x38f: {  	v16 =	vmul.f32 v17, v8;
	v14 =	vld [tilespmem:s9+$0xFFFFFFD0];
	v17 =	vsub.f32 v18, v7  }
0x390: {  	v18 =	vsub.f32 v19, v7;
	v19 =	vmul.f32 v21, v8;
	[tilespmem:v11+s3+$0x0] =	vst.idx.add.f32.msk $0xffff, v2  }
0x391: {  	v11 =	vtrunc.f32 v16;
	v17 =	vmul.f32 v17, v8;
	[tilespmem:v22+s3+$0x0] =	vst.idx.add.f32.msk $0xffff, v2  }
0x392: {  	v16 =	vmul.f32 v18, v8;
	v18 =	vtrunc.f32 v19;
	[tilespmem:v20+s3+$0x0] =	vst.idx.add.f32.msk $0xffff, v2  }
0x393: {  	v15 =	vsub.f32 v15, v7;
	v17 =	vtrunc.f32 v17  }
0x394: {  	v18 =	vcvt.f32.s32 v18;
	v9 =	vsub.f32 v9, v7;
	v11 =	vcvt.f32.s32 v11  }
0x395: {  	v10 =	vsub.f32 v10, v7;
	v16 =	vtrunc.f32 v16;
	v17 =	vcvt.f32.s32 v17  }
0x396: {  	v14 =	vsub.f32 v14, v7;
	v16 =	vcvt.f32.s32 v16;
	v15 =	vmul.f32 v15, v8  }
0x397: {  	v18 =	vadd.s32 v0, v18;
	v9 =	vmul.f32 v9, v8;
	v10 =	vmul.f32 v10, v8  }
0x398: {  	v11 =	vadd.s32 v0, v11;
	v14 =	vmul.f32 v14, v8;
	v15 =	vtrunc.f32 v15  }
0x399: {  	v17 =	vadd.s32 v0, v17;
	v9 =	vtrunc.f32 v9;
	v15 =	vcvt.f32.s32 v15  }
0x39a: {  	[tilespmem:v13+s3+$0x0] =	vst.idx.add.f32.msk $0xffff, v2;
	v16 =	vadd.s32 v0, v16;
	v10 =	vtrunc.f32 v10;
	v9 =	vcvt.f32.s32 v9  }
0x39b: {  	[tilespmem:v12+s3+$0x0] =	vst.idx.add.f32.msk $0xffff, v2;
	v14 =	vtrunc.f32 v14;
	v10 =	vcvt.f32.s32 v10;
	v12 =	vadd.s32 v0, v15  }
0x39c: {  	v13 =	vcvt.f32.s32 v14;
	[tilespmem:v18+s3+$0x0] =	vst.idx.add.f32.msk $0xffff, v2;
	v9 =	vadd.s32 v0, v9  }
0x39d: {  	v10 =	vadd.s32 v0, v10;
	[tilespmem:v11+s3+$0x0] =	vst.idx.add.f32.msk $0xffff, v2  }
0x39e: {  	v13 =	vadd.s32 v0, v13;
	[tilespmem:v17+s3+$0x0] =	vst.idx.add.f32.msk $0xffff, v2  }
0x39f: {  	[tilespmem:v16+s3+$0x0] =	vst.idx.add.f32.msk $0xffff, v2  }
0x3a0: {  	[tilespmem:v12+s3+$0x0] =	vst.idx.add.f32.msk $0xffff, v2  }
0x3a1: {  	[tilespmem:v9+s3+$0x0] =	vst.idx.add.f32.msk $0xffff, v2  }
0x3a2: {  	[tilespmem:v10+s3+$0x0] =	vst.idx.add.f32.msk $0xffff, v2  }
0x3a3: {  	[tilespmem:v13+s3+$0x0] =	vst.idx.add.f32.msk $0xffff, v2  }
0x3a4: {  	v9 =	vld [tilespmem:s10+$0x0]  }
0x3a5: {  	v10 =	vld [tilespmem:s10+$0xFFFFFFF0]  }
0x3a6: {  	v11 =	vld [tilespmem:s10+$0xFFFFFFC0];
	_ =	sdelay $0x1  }
0x3a7: {  	v12 =	vld [tilespmem:s10+$0xFFFFFF90]  }
0x3a8: {  	v13 =	vld [tilespmem:s10+$0xFFFFFFE0];
	v9 =	vsub.f32 v9, v7  }
0x3a9: {  	v14 =	vld [tilespmem:s10+$0xFFFFFFD0];
	v10 =	vsub.f32 v10, v7  }
0x3aa: {  	v11 =	vsub.f32 v11, v7;
	v9 =	vmul.f32 v9, v8  }
0x3ab: {  	v15 =	vld [tilespmem:s10+$0xFFFFFFA0];
	v10 =	vmul.f32 v10, v8  }
0x3ac: {  	v12 =	vsub.f32 v12, v7;
	v11 =	vmul.f32 v11, v8;
	v9 =	vtrunc.f32 v9  }
0x3ad: {  	v17 =	vld [tilespmem:s10+$0xFFFFFFB0];
	v13 =	vsub.f32 v13, v7;
	v10 =	vtrunc.f32 v10;
	v16 =	vcvt.f32.s32 v9  }
0x3ae: {  	s9 =	simm.s32 $0x87F0;
	v14 =	vsub.f32 v14, v7;
	v11 =	vtrunc.f32 v11;
	v10 =	vcvt.f32.s32 v10  }
0x3af: {  	v18 =	vld [tilespmem:s9+$0xFFFFFFF0];
	v12 =	vmul.f32 v12, v8;
	v11 =	vcvt.f32.s32 v11;
	v16 =	vadd.s32 v0, v16  }
0x3b0: {  	v19 =	vld [tilespmem:s9+$0xFFFFFFC0];
	v15 =	vsub.f32 v15, v7;
	v13 =	vmul.f32 v13, v8;
	v10 =	vadd.s32 v0, v10  }
0x3b1: {  	v21 =	vld [tilespmem:s9+$0x0];
	v14 =	vmul.f32 v14, v8;
	v12 =	vtrunc.f32 v12;
	v11 =	vadd.s32 v0, v11  }
0x3b2: {  	v20 =	vld [tilespmem:s9+$0xFFFFFF90];
	v17 =	vsub.f32 v17, v7;
	v13 =	vtrunc.f32 v13;
	v12 =	vcvt.f32.s32 v12  }
0x3b3: {  	v15 =	vmul.f32 v15, v8;
	v9 =	vld [tilespmem:s9+$0xFFFFFFA0];
	v13 =	vcvt.f32.s32 v13  }
0x3b4: {  	v14 =	vtrunc.f32 v14;
	v12 =	vadd.s32 v0, v12;
	[tilespmem:v16+s3+$0x0] =	vst.idx.add.f32.msk $0xffff, v2;
	v16 =	vmul.f32 v17, v8  }
0x3b5: {  	v14 =	vcvt.f32.s32 v14;
	[tilespmem:v10+s3+$0x0] =	vst.idx.add.f32.msk $0xffff, v2;
	v17 =	vadd.s32 v0, v13;
	v13 =	vtrunc.f32 v15  }
0x3b6: {  	v21 =	vsub.f32 v21, v7;
	[tilespmem:v11+s3+$0x0] =	vst.idx.add.f32.msk $0xffff, v2;
	v13 =	vcvt.f32.s32 v13;
	v16 =	vtrunc.f32 v16  }
0x3b7: {  	v11 =	vsub.f32 v20, v7;
	v20 =	vadd.s32 v0, v14;
	v15 =	vld [tilespmem:s9+$0xFFFFFFE0];
	v22 =	vcvt.f32.s32 v16  }
0x3b8: {  	v18 =	vsub.f32 v18, v7;
	v14 =	vld [tilespmem:s9+$0xFFFFFFD0];
	v13 =	vadd.s32 v0, v13  }
0x3b9: {  	v21 =	vmul.f32 v21, v8;
	[tilespmem:v12+s3+$0x0] =	vst.idx.add.f32.msk $0xffff, v2;
	v12 =	vadd.s32 v0, v22  }
0x3ba: {  	v19 =	vsub.f32 v19, v7;
	v10 =	vld [tilespmem:s9+$0xFFFFFFB0];
	v11 =	vmul.f32 v11, v8  }
0x3bb: {  	v16 =	vmul.f32 v18, v8;
	v18 =	vtrunc.f32 v21;
	[tilespmem:v17+s3+$0x0] =	vst.idx.add.f32.msk $0xffff, v2  }
0x3bc: {  	s10 =	simm.s32 $0x8;
	v11 =	vtrunc.f32 v11;
	v17 =	vmul.f32 v19, v8;
	[tilespmem:v20+s3+$0x0] =	vst.idx.add.f32.msk $0xffff, v2  }
.LBB2_35:
0x3bd: {  	s10 =	sadd.s32 $0x8, s10;
	v15 =	vsub.f32 v15, v7;
	v16 =	vtrunc.f32 v16;
	v18 =	vcvt.f32.s32 v18;
	[tilespmem:v13+s3+$0x0] =	vst.idx.add.f32.msk $0xffff, v2  }
0x3be: {  	s9 =	sadd.s32 $0x400, s9;
	p1 =	slt.u32 s10, $0xF8;
	v13 =	vtrunc.f32 v17;
	v14 =	vsub.f32 v14, v7;
	v16 =	vcvt.f32.s32 v16;
	[tilespmem:v12+s3+$0x0] =	vst.idx.add.f32.msk $0xffff, v2  }
0x3bf: {  	v12 =	vld [tilespmem:s9+$0xFFFFFFA0];
	v13 =	vcvt.f32.s32 v13;
	v15 =	vmul.f32 v15, v8;
	v17 =	vadd.s32 v0, v18  }
0x3c0: {  	v10 =	vsub.f32 v10, v7;
	v18 =	vld [tilespmem:s9+$0xFFFFFFF0];
	v14 =	vmul.f32 v14, v8;
	v16 =	vadd.s32 v0, v16  }
0x3c1: {  	v23 =	vsub.f32 v9, v7;
	v19 =	vld [tilespmem:s9+$0xFFFFFFC0];
	v13 =	vadd.s32 v0, v13;
	v15 =	vtrunc.f32 v15  }
0x3c2: {  	v11 =	vcvt.f32.s32 v11;
	v20 =	vld [tilespmem:s9+$0xFFFFFF90];
	v14 =	vtrunc.f32 v14  }
0x3c3: {  	v22 =	vmul.f32 v23, v8;
	v10 =	vmul.f32 v10, v8;
	v21 =	vld [tilespmem:s9+$0x0]  }
0x3c4: {  	v15 =	vcvt.f32.s32 v15;
	v14 =	vcvt.f32.s32 v14;
	[tilespmem:v17+s3+$0x0] =	vst.idx.add.f32.msk $0xffff, v2;
	v9 =	vmov v12  }
0x3c5: {  	v11 =	vadd.s32 v0, v11;
	v10 =	vtrunc.f32 v10;
	v12 =	vtrunc.f32 v22;
	[tilespmem:v16+s3+$0x0] =	vst.idx.add.f32.msk $0xffff, v2  }
0x3c6: {  	v17 =	vadd.s32 v0, v15;
	v12 =	vcvt.f32.s32 v12;
	v16 =	vcvt.f32.s32 v10;
	[tilespmem:v13+s3+$0x0] =	vst.idx.add.f32.msk $0xffff, v2  }
0x3c7: {  	v22 =	vadd.s32 v0, v14;
	v20 =	vsub.f32 v20, v7;
	v10 =	vld [tilespmem:s9+$0xFFFFFFB0]  }
.Ltmp16:
0x3c8: {  	v13 =	vadd.s32 v0, v12;
	v12 =	vadd.s32 v0, v16;
	v15 =	vld [tilespmem:s9+$0xFFFFFFE0];
	v21 =	vsub.f32 v21, v7;
	(pc) =	sbr.rel @p1 .LBB2_35-.Ltmp16, $4  }
0x3c9: {  	v18 =	vsub.f32 v18, v7;
	v16 =	vmul.f32 v20, v8;
	v14 =	vld [tilespmem:s9+$0xFFFFFFD0]  }
0x3ca: {  	v19 =	vsub.f32 v19, v7;
	v20 =	vmul.f32 v21, v8;
	[tilespmem:v11+s3+$0x0] =	vst.idx.add.f32.msk $0xffff, v2  }
0x3cb: {  	v11 =	vtrunc.f32 v16;
	v16 =	vmul.f32 v18, v8;
	[tilespmem:v17+s3+$0x0] =	vst.idx.add.f32.msk $0xffff, v2  }
0x3cc: {  	v17 =	vmul.f32 v19, v8;
	v18 =	vtrunc.f32 v20;
	[tilespmem:v22+s3+$0x0] =	vst.idx.add.f32.msk $0xffff, v2  }
0x3cd: {  	v15 =	vsub.f32 v15, v7;
	v16 =	vtrunc.f32 v16  }
0x3ce: {  	v18 =	vcvt.f32.s32 v18;
	v9 =	vsub.f32 v9, v7;
	v11 =	vcvt.f32.s32 v11  }
0x3cf: {  	v10 =	vsub.f32 v10, v7;
	v17 =	vtrunc.f32 v17;
	v16 =	vcvt.f32.s32 v16  }
0x3d0: {  	v14 =	vsub.f32 v14, v7;
	v17 =	vcvt.f32.s32 v17;
	v15 =	vmul.f32 v15, v8  }
0x3d1: {  	v18 =	vadd.s32 v0, v18;
	v9 =	vmul.f32 v9, v8;
	v10 =	vmul.f32 v10, v8  }
0x3d2: {  	v11 =	vadd.s32 v0, v11;
	v14 =	vmul.f32 v14, v8;
	v15 =	vtrunc.f32 v15  }
0x3d3: {  	v16 =	vadd.s32 v0, v16;
	v9 =	vtrunc.f32 v9;
	v15 =	vcvt.f32.s32 v15  }
0x3d4: {  	[tilespmem:v13+s3+$0x0] =	vst.idx.add.f32.msk $0xffff, v2;
	v17 =	vadd.s32 v0, v17;
	v10 =	vtrunc.f32 v10;
	v9 =	vcvt.f32.s32 v9  }
0x3d5: {  	[tilespmem:v12+s3+$0x0] =	vst.idx.add.f32.msk $0xffff, v2;
	v14 =	vtrunc.f32 v14;
	v10 =	vcvt.f32.s32 v10;
	v63 =	vadd.s32 v0, v15  }
0x3d6: {  	v62 =	vcvt.f32.s32 v14;
	[tilespmem:v18+s3+$0x0] =	vst.idx.add.f32.msk $0xffff, v2;
	v9 =	vadd.s32 v0, v9  }
0x3d7: {  	v10 =	vadd.s32 v0, v10;
	[tilespmem:v11+s3+$0x0] =	vst.idx.add.f32.msk $0xffff, v2  }
0x3d8: {  	v13 =	vadd.s32 v0, v62;
	[tilespmem:v16+s3+$0x0] =	vst.idx.add.f32.msk $0xffff, v2  }
.Ltmp17:
0x3d9: {  	[tilespmem:v17+s3+$0x0] =	vst.idx.add.f32.msk $0xffff, v2;
	(pc) =	sbr.rel @p0 .LBB2_38-.Ltmp17, $4  }
0x3da: {  	[tilespmem:v63+s3+$0x0] =	vst.idx.add.f32.msk $0xffff, v2  }
0x3db: {  	[tilespmem:v9+s3+$0x0] =	vst.idx.add.f32.msk $0xffff, v2  }
0x3dc: {  	[tilespmem:v10+s3+$0x0] =	vst.idx.add.f32.msk $0xffff, v2  }
0x3dd: {  	[tilespmem:v13+s3+$0x0] =	vst.idx.add.f32.msk $0xffff, v2  }
0x3de: {  	s6 =	sadd.s32 $0x3, s6  }
0x3df: {  	s9 =	sand.u32 $0x3F, s6  }
0x3e0: {  	s6 =	sshrl.u32 s6, $0x6;
	s9 =	sor.u32 s7, s9  }
.Ltmp18:
0x3e1: {  	s6 =	sadd.s32 s6, s9;
	(pc) =	sbr.rel .LBB2_4-.Ltmp18, $4  }
0x3e2: {  	s6 =	sshll.u32 s6, $0xC  }
0x3e3: {  	s6 =	sand.u32 $0x1FFFF000, s6  }
0x3e4: {  	s2 =	sadd.s32 $0x1, s2;
	s6 =	sadd.s32 s1, s6  }
0x3e5: {  	[tilespmem:s30], [sflag:$0x2] =	stream.linear.gather [hbm4b:s6+s4], $0x8000, $0x38;
	[tilespmem:$0x19100] =	vst v63  }
.LBB2_38:
0x3e6: {  	_ =	sdelay $0x3  }
0x3e7: {  	v7 =	vld.idx.msk [tilespmem:v3+s3+$0x0], $0xffff;
	_ =	sdelay $0x1  }
0x3e8: {  	v8 =	vld.idx.msk [tilespmem:v4+s3+$0x0], $0xffff;
	_ =	sdelay $0x1  }
0x3e9: {  	v9 =	vld.idx.msk [tilespmem:v5+s3+$0x0], $0xffff  }
0x3ea: {  	v7 =	vadd.f32 $0.0e+00, v7  }
0x3eb: {  	v10 =	vld.idx.msk [tilespmem:v6+s3+$0x0], $0xffff  }
0x3ec: {  	v7 =	vadd.f32 v8, v7;
	_ =	sdelay $0x1  }
0x3ed: {  	v7 =	vadd.f32 v9, v7;
	_ =	sdelay $0x1  }
0x3ee: {  	v7 =	vadd.f32 v7, v10;
	_ =	sdelay $0x1  }
0x3ef: {  	s6 =	simm.s32 $0x0;
	[tilespmem:v6+s3+$0x0] =	vst.idx.msk $0xffff, v7  }
0x3f0: {  	v7 =	vld [tilespmem:s6+$0x10080];
	_ =	sdelay $0x1  }
0x3f1: {  	v8 =	vld [tilespmem:s6+$0x10883];
	_ =	sdelay $0x1  }
0x3f2: {  	v9 =	vld [tilespmem:s6+$0x11086]  }
0x3f3: {  	v7 =	vadd.f32 $0.0e+00, v7  }
0x3f4: {  	v10 =	vld [tilespmem:s6+$0x11889]  }
0x3f5: {  	v7 =	vadd.f32 v8, v7  }
0x3f6: {  	v8 =	vld [tilespmem:s6+$0x1208C]  }
0x3f7: {  	v7 =	vadd.f32 v9, v7  }
0x3f8: {  	v9 =	vld [tilespmem:s6+$0x1288F]  }
0x3f9: {  	v7 =	vadd.f32 v10, v7  }
0x3fa: {  	v10 =	vld [tilespmem:s6+$0x13092]  }
0x3fb: {  	v7 =	vadd.f32 v8, v7  }
0x3fc: {  	s2 =	simm.s32 $0x10;
	v8 =	vld [tilespmem:s6+$0x13895]  }
0x3fd: {  	v11 =	vld [tilespmem:s2+$0x10080];
	v7 =	vadd.f32 v9, v7  }
0x3fe: {  	v9 =	vld [tilespmem:s6+$0x14098]  }
0x3ff: {  	v12 =	vld [tilespmem:s2+$0x10883];
	v7 =	vadd.f32 v10, v7  }
0x400: {  	v10 =	vld [tilespmem:s6+$0x1489B]  }
0x401: {  	v13 =	vld [tilespmem:s2+$0x11086];
	v7 =	vadd.f32 v8, v7  }
0x402: {  	v8 =	vld [tilespmem:s6+$0x1509E]  }
0x403: {  	v14 =	vld [tilespmem:s2+$0x11889];
	v11 =	vadd.f32 $0.0e+00, v11;
	v7 =	vadd.f32 v9, v7  }
0x404: {  	v9 =	vld [tilespmem:s6+$0x158A1]  }
0x405: {  	v15 =	vld [tilespmem:s2+$0x1208C];
	v11 =	vadd.f32 v12, v11;
	v7 =	vadd.f32 v10, v7  }
0x406: {  	v12 =	vld [tilespmem:s6+$0x160A4]  }
0x407: {  	v16 =	vld [tilespmem:s2+$0x1288F];
	v10 =	vadd.f32 v13, v11;
	v7 =	vadd.f32 v8, v7  }
0x408: {  	v13 =	vld [tilespmem:s6+$0x168A7]  }
0x409: {  	v8 =	vadd.f32 v14, v10;
	v10 =	vld [tilespmem:s2+$0x13092];
	v9 =	vadd.f32 v9, v7  }
0x40a: {  	v7 =	vld [tilespmem:s6+$0x170AA]  }
0x40b: {  	v11 =	vld [tilespmem:s2+$0x13895];
	v14 =	vadd.f32 v15, v8;
	v15 =	vadd.f32 v12, v9  }
0x40c: {  	v8 =	vld [tilespmem:s6+$0x178AD]  }
0x40d: {  	s9 =	simm.s32 $0x20;
	s10 =	simm.s32 $0xC0;
	v12 =	vadd.f32 v16, v14;
	v9 =	vld [tilespmem:s2+$0x14098];
	v13 =	vadd.f32 v13, v15  }
.LBB2_39:
0x40e: {  	p0 =	sne.s32 s10, $0x1FC0;
	v14 =	vld [tilespmem:s9+$0x10080]  }
0x40f: {  	v10 =	vadd.f32 v10, v12;
	v12 =	vld [tilespmem:s2+$0x1489B];
	v7 =	vadd.f32 v7, v13  }
0x410: {  	v13 =	vld [tilespmem:s9+$0x10883]  }
0x411: {  	v10 =	vadd.f32 v11, v10;
	v11 =	vld [tilespmem:s2+$0x1509E];
	v7 =	vadd.f32 v8, v7  }
0x412: {  	v8 =	vld [tilespmem:s9+$0x11086]  }
0x413: {  	v14 =	vadd.f32 $0.0e+00, v14;
	v9 =	vadd.f32 v9, v10;
	v10 =	vld [tilespmem:s2+$0x158A1];
	[tilespmem:s6+$0x18100] =	vst v7;
	s6 =	smov.u32 s2;
	s2 =	smov.u32 s9  }
0x414: {  	v7 =	vld [tilespmem:s2+$0x11889]  }
0x415: {  	v13 =	vadd.f32 v13, v14;
	v9 =	vadd.f32 v12, v9;
	v12 =	vld [tilespmem:s6+$0x160A4]  }
0x416: {  	v14 =	vld [tilespmem:s2+$0x1208C]  }
0x417: {  	v8 =	vadd.f32 v8, v13;
	v9 =	vadd.f32 v11, v9;
	v13 =	vld [tilespmem:s6+$0x168A7]  }
0x418: {  	v15 =	vld [tilespmem:s2+$0x1288F]  }
.Ltmp19:
0x419: {  	v8 =	vadd.f32 v7, v8;
	v9 =	vadd.f32 v10, v9;
	v7 =	vld [tilespmem:s6+$0x170AA];
	(pc) =	sbr.rel @p0 .LBB2_39-.Ltmp19, $4  }
0x41a: {  	v10 =	vld [tilespmem:s2+$0x13092]  }
0x41b: {  	v14 =	vadd.f32 v14, v8;
	v16 =	vadd.f32 v12, v9;
	v8 =	vld [tilespmem:s6+$0x178AD]  }
0x41c: {  	v11 =	vld [tilespmem:s2+$0x13895]  }
0x41d: {  	s9 =	sshra.s32 s10, $0x2;
	s10 =	sadd.s32 $0x40, s10;
	v12 =	vadd.f32 v15, v14;
	v9 =	vld [tilespmem:s2+$0x14098];
	v13 =	vadd.f32 v13, v16  }
0x41e: {  	v14 =	vld [tilespmem:s9+$0x10080]  }
0x41f: {  	v15 =	vld [tilespmem:s2+$0x1489B];
	v7 =	vadd.f32 v7, v13  }
0x420: {  	v13 =	vld [tilespmem:s9+$0x10883]  }
0x421: {  	v16 =	vld [tilespmem:s2+$0x1509E];
	v10 =	vadd.f32 v10, v12;
	v7 =	vadd.f32 v8, v7  }
0x422: {  	v8 =	vld [tilespmem:s9+$0x11086]  }
0x423: {  	v12 =	vld [tilespmem:s2+$0x158A1];
	v10 =	vadd.f32 v11, v10;
	v11 =	vadd.f32 $0.0e+00, v14;
	[tilespmem:s6+$0x18100] =	vst v7  }
0x424: {  	v7 =	vld [tilespmem:s9+$0x11889]  }
0x425: {  	v9 =	vadd.f32 v9, v10;
	v10 =	vadd.f32 v13, v11  }
0x426: {  	v11 =	vld [tilespmem:s9+$0x1208C]  }
0x427: {  	v9 =	vadd.f32 v15, v9;
	v13 =	vld [tilespmem:s2+$0x160A4];
	v8 =	vadd.f32 v8, v10  }
0x428: {  	v10 =	vld [tilespmem:s9+$0x1288F]  }
0x429: {  	v14 =	vld [tilespmem:s2+$0x168A7];
	v9 =	vadd.f32 v16, v9;
	v7 =	vadd.f32 v7, v8  }
0x42a: {  	v8 =	vld [tilespmem:s9+$0x13092]  }
0x42b: {  	v9 =	vadd.f32 v12, v9;
	v12 =	vld [tilespmem:s2+$0x170AA];
	v7 =	vadd.f32 v11, v7  }
0x42c: {  	v11 =	vld [tilespmem:s9+$0x13895]  }
0x42d: {  	v9 =	vadd.f32 v13, v9;
	v13 =	vld [tilespmem:s2+$0x178AD];
	v7 =	vadd.f32 v10, v7  }
0x42e: {  	v10 =	vld [tilespmem:s9+$0x14098]  }
0x42f: {  	v9 =	vadd.f32 v14, v9;
	v7 =	vadd.f32 v8, v7  }
0x430: {  	v8 =	vld [tilespmem:s9+$0x1489B]  }
0x431: {  	v9 =	vadd.f32 v12, v9;
	v7 =	vadd.f32 v11, v7  }
0x432: {  	v11 =	vld [tilespmem:s9+$0x1509E]  }
0x433: {  	v9 =	vadd.f32 v13, v9;
	v7 =	vadd.f32 v10, v7  }
0x434: {  	v10 =	vld [tilespmem:s9+$0x158A1]  }
0x435: {  	[tilespmem:s2+$0x18100] =	vst v9;
	v7 =	vadd.f32 v8, v7  }
0x436: {  	v8 =	vld [tilespmem:s9+$0x160A4]  }
0x437: {  	v7 =	vadd.f32 v11, v7  }
0x438: {  	v9 =	vld [tilespmem:s9+$0x168A7]  }
0x439: {  	v7 =	vadd.f32 v10, v7  }
0x43a: {  	v10 =	vld [tilespmem:s9+$0x170AA]  }
0x43b: {  	v7 =	vadd.f32 v8, v7  }
0x43c: {  	v8 =	vld [tilespmem:s9+$0x178AD]  }
0x43d: {  	v7 =	vadd.f32 v9, v7;
	_ =	sdelay $0x1  }
0x43e: {  	v7 =	vadd.f32 v10, v7;
	_ =	sdelay $0x1  }
0x43f: {  	v7 =	vadd.f32 v8, v7  }
0x440: {  	s11 =	simm.s32 $0x80  }
0x441: {  	s10 =	simm.s32 $0x18100;
	s6 =	rddreg [dreg:$0x6];
	[tilespmem:s9+$0x18100] =	vst v7;
	s9 =	simm.s32 $0x400  }
0x442: {  	[spmem:s6] =	stream.strided.scatter [tilespmem:s10], [sflag:$0x3], $0x800, s9, s11, $0x38;
	[tilespmem:$0x19100] =	vst v63  }
0x443: {  	_ =	swait.ge [sflag:s29], $0x800  }
0x444: {  	[sflag:s29] =	ssyncset.done $0x0  }
0x445: {  	[sflag:s29] =	ssyncadd.s32 $0xFFFFF800  }
0x446: {  	s11 =	simm.s32 $0x0;
	[bflag:$0x0] =	sbarrier.arrive $0xFFFF  }
0x447: {  	[tilespmem:s11], [sflag:$0x3] =	stream.linear.gather [spmem:s8], $0x80, $0x38;
	[tilespmem:$0x19100] =	vst v63  }
0x448: {  	_ =	swait.ge [sflag:s29], $0x80  }
0x449: {  	[sflag:s29] =	ssyncset.done $0x0  }
0x44a: {  	s6 =	rddreg [dreg:$0x7];
	[sflag:s29] =	ssyncadd.s32 $0xFFFFFF80  }
0x44b: {  	[tilespmem:s9], [sflag:$0x3] =	stream.linear.gather [spmem:s6], $0x80, $0x38;
	[tilespmem:$0x19100] =	vst v63  }
0x44c: {  	_ =	swait.ge [sflag:s29], $0x80  }
0x44d: {  	[sflag:s29] =	ssyncset.done $0x0  }
0x44e: {  	s10 =	simm.s32 $0x800;
	s9 =	rddreg [dreg:$0x8];
	[sflag:s29] =	ssyncadd.s32 $0xFFFFFF80  }
0x44f: {  	[tilespmem:s10], [sflag:$0x3] =	stream.linear.gather [spmem:s9], $0x80, $0x38;
	[tilespmem:$0x19100] =	vst v63  }
0x450: {  	_ =	swait.ge [sflag:s29], $0x80  }
0x451: {  	[sflag:s29] =	ssyncset.done $0x0  }
0x452: {  	s11 =	simm.s32 $0xC00;
	[sflag:s29] =	ssyncadd.s32 $0xFFFFFF80  }
0x453: {  	[tilespmem:s11], [sflag:$0x3] =	stream.linear.gather [spmem:s12], $0x80, $0x38;
	[tilespmem:$0x19100] =	vst v63  }
0x454: {  	_ =	swait.ge [sflag:s29], $0x80  }
0x455: {  	[sflag:s29] =	ssyncset.done $0x0  }
0x456: {  	s6 =	simm.s32 $0x1000;
	[sflag:s29] =	ssyncadd.s32 $0xFFFFFF80  }
0x457: {  	[tilespmem:s6], [sflag:$0x3] =	stream.linear.gather [spmem:s13], $0x80, $0x38;
	[tilespmem:$0x19100] =	vst v63  }
0x458: {  	_ =	swait.ge [sflag:s29], $0x80  }
0x459: {  	[sflag:s29] =	ssyncset.done $0x0  }
0x45a: {  	s9 =	simm.s32 $0x1400;
	[sflag:s29] =	ssyncadd.s32 $0xFFFFFF80  }
0x45b: {  	[tilespmem:s9], [sflag:$0x3] =	stream.linear.gather [spmem:s14], $0x80, $0x38;
	[tilespmem:$0x19100] =	vst v63  }
0x45c: {  	_ =	swait.ge [sflag:s29], $0x80  }
0x45d: {  	[sflag:s29] =	ssyncset.done $0x0  }
0x45e: {  	s10 =	simm.s32 $0x1800;
	[sflag:s29] =	ssyncadd.s32 $0xFFFFFF80  }
0x45f: {  	[tilespmem:s10], [sflag:$0x3] =	stream.linear.gather [spmem:s15], $0x80, $0x38;
	[tilespmem:$0x19100] =	vst v63  }
0x460: {  	_ =	swait.ge [sflag:s29], $0x80  }
0x461: {  	[sflag:s29] =	ssyncset.done $0x0  }
0x462: {  	s11 =	simm.s32 $0x1C00;
	[sflag:s29] =	ssyncadd.s32 $0xFFFFFF80  }
0x463: {  	[tilespmem:s11], [sflag:$0x3] =	stream.linear.gather [spmem:s16], $0x80, $0x38;
	[tilespmem:$0x19100] =	vst v63  }
0x464: {  	_ =	swait.ge [sflag:s29], $0x80  }
0x465: {  	[sflag:s29] =	ssyncset.done $0x0  }
0x466: {  	s6 =	simm.s32 $0x2000;
	[sflag:s29] =	ssyncadd.s32 $0xFFFFFF80  }
0x467: {  	[tilespmem:s6], [sflag:$0x3] =	stream.linear.gather [spmem:s17], $0x80, $0x38;
	[tilespmem:$0x19100] =	vst v63  }
0x468: {  	_ =	swait.ge [sflag:s29], $0x80  }
0x469: {  	[sflag:s29] =	ssyncset.done $0x0  }
0x46a: {  	s9 =	simm.s32 $0x2400;
	[sflag:s29] =	ssyncadd.s32 $0xFFFFFF80  }
0x46b: {  	[tilespmem:s9], [sflag:$0x3] =	stream.linear.gather [spmem:s18], $0x80, $0x38;
	[tilespmem:$0x19100] =	vst v63  }
0x46c: {  	_ =	swait.ge [sflag:s29], $0x80  }
0x46d: {  	[sflag:s29] =	ssyncset.done $0x0  }
0x46e: {  	s10 =	simm.s32 $0x2800;
	[sflag:s29] =	ssyncadd.s32 $0xFFFFFF80  }
0x46f: {  	[tilespmem:s10], [sflag:$0x3] =	stream.linear.gather [spmem:s19], $0x80, $0x38;
	[tilespmem:$0x19100] =	vst v63  }
0x470: {  	_ =	swait.ge [sflag:s29], $0x80  }
0x471: {  	[sflag:s29] =	ssyncset.done $0x0  }
0x472: {  	s11 =	simm.s32 $0x2C00;
	[sflag:s29] =	ssyncadd.s32 $0xFFFFFF80  }
0x473: {  	[tilespmem:s11], [sflag:$0x3] =	stream.linear.gather [spmem:s20], $0x80, $0x38;
	[tilespmem:$0x19100] =	vst v63  }
0x474: {  	_ =	swait.ge [sflag:s29], $0x80  }
0x475: {  	[sflag:s29] =	ssyncset.done $0x0  }
0x476: {  	s6 =	simm.s32 $0x3000;
	[sflag:s29] =	ssyncadd.s32 $0xFFFFFF80  }
0x477: {  	[tilespmem:s6], [sflag:$0x3] =	stream.linear.gather [spmem:s21], $0x80, $0x38;
	[tilespmem:$0x19100] =	vst v63  }
0x478: {  	_ =	swait.ge [sflag:s29], $0x80  }
0x479: {  	[sflag:s29] =	ssyncset.done $0x0  }
0x47a: {  	s9 =	simm.s32 $0x3400;
	[sflag:s29] =	ssyncadd.s32 $0xFFFFFF80  }
0x47b: {  	[tilespmem:s9], [sflag:$0x3] =	stream.linear.gather [spmem:s22], $0x80, $0x38;
	[tilespmem:$0x19100] =	vst v63  }
0x47c: {  	_ =	swait.ge [sflag:s29], $0x80  }
0x47d: {  	[sflag:s29] =	ssyncset.done $0x0  }
0x47e: {  	s10 =	simm.s32 $0x3800;
	[sflag:s29] =	ssyncadd.s32 $0xFFFFFF80  }
0x47f: {  	[tilespmem:s10], [sflag:$0x3] =	stream.linear.gather [spmem:s24], $0x80, $0x38;
	[tilespmem:$0x19100] =	vst v63  }
0x480: {  	_ =	swait.ge [sflag:s29], $0x80  }
0x481: {  	[sflag:s29] =	ssyncset.done $0x0  }
0x482: {  	s11 =	simm.s32 $0x3C00;
	[sflag:s29] =	ssyncadd.s32 $0xFFFFFF80  }
0x483: {  	[tilespmem:s11], [sflag:$0x3] =	stream.linear.gather [spmem:s26], $0x80, $0x38;
	[tilespmem:$0x19100] =	vst v63  }
0x484: {  	_ =	swait.ge [sflag:s29], $0x80  }
0x485: {  	[sflag:s29] =	ssyncset.done $0x0  }
0x486: {  	s6 =	simm.s32 $0x0;
	[sflag:s29] =	ssyncadd.s32 $0xFFFFFF80  }
0x487: {  	v7 =	vld [tilespmem:s6+$0x0];
	_ =	sdelay $0x1  }
0x488: {  	v8 =	vld [tilespmem:s6+$0x400];
	_ =	sdelay $0x1  }
0x489: {  	v9 =	vld [tilespmem:s6+$0x800]  }
0x48a: {  	v7 =	vadd.f32 $0.0e+00, v7  }
0x48b: {  	v10 =	vld [tilespmem:s6+$0xC00]  }
0x48c: {  	v7 =	vadd.f32 v8, v7  }
0x48d: {  	v8 =	vld [tilespmem:s6+$0x1000]  }
0x48e: {  	v7 =	vadd.f32 v9, v7  }
0x48f: {  	v9 =	vld [tilespmem:s6+$0x1400]  }
0x490: {  	v7 =	vadd.f32 v10, v7  }
0x491: {  	v10 =	vld [tilespmem:s6+$0x1800]  }
0x492: {  	v7 =	vadd.f32 v8, v7  }
0x493: {  	s2 =	simm.s32 $0x10;
	v8 =	vld [tilespmem:s6+$0x1C00]  }
0x494: {  	v11 =	vld [tilespmem:s2+$0x0];
	v7 =	vadd.f32 v9, v7  }
0x495: {  	v9 =	vld [tilespmem:s6+$0x2000]  }
0x496: {  	v12 =	vld [tilespmem:s2+$0x400];
	v7 =	vadd.f32 v10, v7  }
0x497: {  	v10 =	vld [tilespmem:s6+$0x2400]  }
0x498: {  	v13 =	vld [tilespmem:s2+$0x800];
	v7 =	vadd.f32 v8, v7  }
0x499: {  	v8 =	vld [tilespmem:s6+$0x2800]  }
0x49a: {  	v14 =	vld [tilespmem:s2+$0xC00];
	v11 =	vadd.f32 $0.0e+00, v11;
	v7 =	vadd.f32 v9, v7  }
0x49b: {  	v9 =	vld [tilespmem:s6+$0x2C00]  }
0x49c: {  	v15 =	vld [tilespmem:s2+$0x1000];
	v11 =	vadd.f32 v12, v11;
	v7 =	vadd.f32 v10, v7  }
0x49d: {  	v12 =	vld [tilespmem:s6+$0x3000]  }
0x49e: {  	v63 =	vld [tilespmem:s2+$0x1400];
	v10 =	vadd.f32 v13, v11;
	v7 =	vadd.f32 v8, v7  }
0x49f: {  	v13 =	vld [tilespmem:s6+$0x3400]  }
0x4a0: {  	v8 =	vadd.f32 v14, v10;
	v10 =	vld [tilespmem:s2+$0x1800];
	v9 =	vadd.f32 v9, v7  }
0x4a1: {  	v7 =	vld [tilespmem:s6+$0x3800]  }
0x4a2: {  	v11 =	vld [tilespmem:s2+$0x1C00];
	v14 =	vadd.f32 v15, v8;
	v15 =	vadd.f32 v12, v9  }
0x4a3: {  	v8 =	vld [tilespmem:s6+$0x3C00]  }
0x4a4: {  	s9 =	simm.s32 $0x20;
	s10 =	simm.s32 $0xC0;
	v12 =	vadd.f32 v63, v14;
	v9 =	vld [tilespmem:s2+$0x2000];
	v13 =	vadd.f32 v13, v15  }
.LBB2_41:
0x4a5: {  	p0 =	sne.s32 s10, $0x1C0;
	v14 =	vld [tilespmem:s9+$0x0]  }
0x4a6: {  	v10 =	vadd.f32 v10, v12;
	v12 =	vld [tilespmem:s2+$0x2400];
	v7 =	vadd.f32 v7, v13  }
0x4a7: {  	v13 =	vld [tilespmem:s9+$0x400]  }
0x4a8: {  	v10 =	vadd.f32 v11, v10;
	v11 =	vld [tilespmem:s2+$0x2800];
	v7 =	vadd.f32 v8, v7  }
0x4a9: {  	v8 =	vld [tilespmem:s9+$0x800]  }
0x4aa: {  	v14 =	vadd.f32 $0.0e+00, v14;
	v9 =	vadd.f32 v9, v10;
	v10 =	vld [tilespmem:s2+$0x2C00];
	[tilespmem:s6+$0x18100] =	vst v7;
	s6 =	smov.u32 s2;
	s2 =	smov.u32 s9  }
0x4ab: {  	v7 =	vld [tilespmem:s2+$0xC00]  }
0x4ac: {  	v13 =	vadd.f32 v13, v14;
	v9 =	vadd.f32 v12, v9;
	v12 =	vld [tilespmem:s6+$0x3000]  }
0x4ad: {  	v14 =	vld [tilespmem:s2+$0x1000]  }
0x4ae: {  	v8 =	vadd.f32 v8, v13;
	v9 =	vadd.f32 v11, v9;
	v13 =	vld [tilespmem:s6+$0x3400]  }
0x4af: {  	v15 =	vld [tilespmem:s2+$0x1400]  }
.Ltmp20:
0x4b0: {  	v8 =	vadd.f32 v7, v8;
	v9 =	vadd.f32 v10, v9;
	v7 =	vld [tilespmem:s6+$0x3800];
	(pc) =	sbr.rel @p0 .LBB2_41-.Ltmp20, $4  }
0x4b1: {  	v10 =	vld [tilespmem:s2+$0x1800]  }
0x4b2: {  	v14 =	vadd.f32 v14, v8;
	v16 =	vadd.f32 v12, v9;
	v8 =	vld [tilespmem:s6+$0x3C00]  }
0x4b3: {  	v11 =	vld [tilespmem:s2+$0x1C00]  }
0x4b4: {  	s9 =	sshra.s32 s10, $0x2;
	s10 =	sadd.s32 $0x40, s10;
	v12 =	vadd.f32 v15, v14;
	v9 =	vld [tilespmem:s2+$0x2000];
	v13 =	vadd.f32 v13, v16  }
0x4b5: {  	v14 =	vld [tilespmem:s9+$0x0]  }
0x4b6: {  	v15 =	vld [tilespmem:s2+$0x2400];
	v7 =	vadd.f32 v7, v13  }
0x4b7: {  	v49 =	vld [tilespmem:s9+$0x400]  }
0x4b8: {  	v16 =	vld [tilespmem:s2+$0x2800];
	v10 =	vadd.f32 v10, v12;
	v7 =	vadd.f32 v8, v7  }
0x4b9: {  	v8 =	vld [tilespmem:s9+$0x800]  }
0x4ba: {  	v50 =	vld [tilespmem:s2+$0x2C00];
	v10 =	vadd.f32 v11, v10;
	v51 =	vadd.f32 $0.0e+00, v14;
	[tilespmem:s6+$0x18100] =	vst v7  }
0x4bb: {  	v7 =	vld [tilespmem:s9+$0xC00]  }
0x4bc: {  	v9 =	vadd.f32 v9, v10;
	v52 =	vadd.f32 v49, v51  }
0x4bd: {  	v53 =	vld [tilespmem:s9+$0x1000]  }
0x4be: {  	v54 =	vld [tilespmem:s2+$0x3000];
	v9 =	vadd.f32 v15, v9;
	v8 =	vadd.f32 v8, v52  }
0x4bf: {  	v55 =	vld [tilespmem:s9+$0x1400]  }
0x4c0: {  	v56 =	vld [tilespmem:s2+$0x3400];
	v9 =	vadd.f32 v16, v9;
	v7 =	vadd.f32 v7, v8  }
0x4c1: {  	v8 =	vld [tilespmem:s9+$0x1800]  }
0x4c2: {  	v57 =	vld [tilespmem:s2+$0x3800];
	v9 =	vadd.f32 v50, v9;
	v7 =	vadd.f32 v53, v7  }
0x4c3: {  	v58 =	vld [tilespmem:s9+$0x1C00]  }
0x4c4: {  	v59 =	vld [tilespmem:s2+$0x3C00];
	v9 =	vadd.f32 v54, v9;
	v7 =	vadd.f32 v55, v7  }
0x4c5: {  	v60 =	vld [tilespmem:s9+$0x2000]  }
0x4c6: {  	v9 =	vadd.f32 v56, v9;
	v7 =	vadd.f32 v8, v7  }
0x4c7: {  	v8 =	vld [tilespmem:s9+$0x2400]  }
0x4c8: {  	v9 =	vadd.f32 v57, v9;
	v7 =	vadd.f32 v58, v7  }
0x4c9: {  	v61 =	vld [tilespmem:s9+$0x2800]  }
0x4ca: {  	v9 =	vadd.f32 v59, v9;
	v7 =	vadd.f32 v60, v7  }
0x4cb: {  	v62 =	vld [tilespmem:s9+$0x2C00]  }
0x4cc: {  	[tilespmem:s2+$0x18100] =	vst v9;
	v7 =	vadd.f32 v8, v7  }
0x4cd: {  	v8 =	vld [tilespmem:s9+$0x3000]  }
0x4ce: {  	v7 =	vadd.f32 v61, v7  }
0x4cf: {  	v9 =	vld [tilespmem:s9+$0x3400]  }
0x4d0: {  	v7 =	vadd.f32 v62, v7  }
0x4d1: {  	v63 =	vld [tilespmem:s9+$0x3800]  }
0x4d2: {  	v7 =	vadd.f32 v8, v7  }
0x4d3: {  	v8 =	vld [tilespmem:s9+$0x3C00]  }
0x4d4: {  	v7 =	vadd.f32 v9, v7;
	_ =	sdelay $0x1  }
0x4d5: {  	v7 =	vadd.f32 v63, v7;
	_ =	sdelay $0x1  }
0x4d6: {  	s28 =	sadd.s32 $0x1, s28;
	v7 =	vadd.f32 v8, v7  }
0x4d7: {  	p0 =	sne.s32 s28, s25  }
.Ltmp21:
0x4d8: {  	s11 =	simm.s32 $0x18100;
	[tilespmem:s9+$0x18100] =	vst v7;
	(pc) =	sbr.rel @p0 .LBB2_1-.Ltmp21, $4  }
0x4d9: {  	[hbm4b:s23+s4] =	stream.linear.scatter [tilespmem:s11], [sflag:$0x3], $0x80, $0x38;
	[tilespmem:$0x19100] =	vst v63  }
0x4da: {  	_ =	swait.ge [sflag:s29], $0x80  }
0x4db: {  	[sflag:s29] =	ssyncset.done $0x0  }
0x4dc: {  	[sflag:s29] =	ssyncadd.s32 $0xFFFFFF80  }
0x4dd: {  	_ =	sfence.sel $0x180000  }
0x4de: {  	[bflag:$0x0] =	sbarrier.arrive $0xFFFF  }
0x4df: {  	_ =	strace $0x90000047  }
0x4e0: {  	s0 =	stileid.u32;
	[bflag:$0x2] =	sbarrier.arrive $0xFFFF  }
0x4e1: {  	p0 =	sne.s32 s0, $0x0;
	s0 =	rddreg [dreg:$0x4]  }
0x4e2: {  	s0 =	sadd.s32 @!p0 $0x100000, s0  }
0x4e3: {  	[sflag:s0] =	ssyncadd.tile.s32 @!p0 $0x1;
	_ =	shalt  }
.Lfunc_end2:
_tile_overlayer_lowered:
.L_overlay_start_2:
0x4e4: {  	(tag) =	ssettag $0x2  }
0x4e5: {  	s0 =	rddreg [dreg:$0x0];
	s2 =	stileid.u32  }
0x4e6: {  	s1 =	rddreg [dreg:$0x1];
	p0 =	sne.s32 s2, $0x0  }
0x4e7: {  	s3 =	rddreg [dreg:$0x2];
	[bflag:$0x3] =	sbarrier.arrive $0xFFFF;
	s2 =	simm.s32 @!p0 $0x1C03  }
0x4e8: {  	[timem:s3], [sflag:s2] =	dma.local @!p0 [hbm:s0], s1  }
0x4e9: {  	s0 =	simm.s32 @!p0 $0x3  }
0x4ea: {  	_ =	swait.ge @!p0 [sflag:s0], s1  }
0x4eb: {  	s1 =	ssub.s32 @!p0 $0x0, s1;
	[sflag:s0] =	ssyncset.done @!p0 $0x0  }
0x4ec: {  	[sflag:s0] =	ssyncadd.s32 @!p0 s1  }
0x4ed: {  	[bflag:$0x3] =	sbarrier.arrive $0xFFFF  }
0x4ee: {  	_ =	shalt  }

</sc_bundles>
